<compile_context>
chip_gen: v7x
topology: tpu7x:2x2x1
jax: 0.10.2.dev20260603
libtpu: 0.0.44.dev20260713+nightly
codegen_flags: <defaults>
</compile_context>

<pallas_src>
import jax
import jax.numpy as jnp
from jax import lax
from jax.experimental import pallas as pl
from jax.experimental.pallas import tpu as pltpu
from jax.experimental.pallas import tpu_sc as plsc

_N = 10000
_E = 320000
_G = 64
_HID = 64
_OUT = 128

_NC, _NS = 2, 16
_PPT = 4
_EH = _E // _NC
_CHE = 8000
_NST = _CHE // 16
_UNR = 10
_NCH = _EH // _CHE
_QLOC = _NCH // 2


def _make_sc_agg(with_count):
  mesh = plsc.VectorSubcoreMesh(core_axis_name="c", subcore_axis_name="s",
                                num_cores=_NC, num_subcores=_NS)
  out_type = [jax.ShapeDtypeStruct((_NC * _HID * _N,), jnp.float32)]
  scratch = (
      [pltpu.VMEM((_N,), jnp.float32) for _ in range(_PPT)]
      + [pltpu.VMEM((_N,), jnp.float32) for _ in range(_PPT)]
      + [pltpu.VMEM((_CHE,), jnp.int32),
         pltpu.VMEM((_CHE,), jnp.int32),
         pltpu.VMEM((_CHE,), jnp.int32),
         pltpu.VMEM((_CHE,), jnp.int32),
         pltpu.SemaphoreType.DMA, pltpu.SemaphoreType.DMA,
         pltpu.SemaphoreType.DMA, pltpu.SemaphoreType.DMA]
  )
  if with_count:
    out_type.append(jax.ShapeDtypeStruct((4 * _N,), jnp.float32))
    scratch.append(pltpu.VMEM((_N,), jnp.float32))

  def body(*refs):
    if with_count:
      (tab_hbm, src_hbm, dst_hbm, agg_out, cnt_out) = refs[:5]
      rest = refs[5:]
    else:
      (tab_hbm, src_hbm, dst_hbm, agg_out) = refs[:4]
      rest = refs[4:]
    tabs = rest[:_PPT]
    accs = rest[_PPT:2 * _PPT]
    sbufs = rest[2 * _PPT:2 * _PPT + 2], rest[2 * _PPT + 2:2 * _PPT + 4]
    sems = rest[2 * _PPT + 4:2 * _PPT + 8]
    accC = rest[2 * _PPT + 8] if with_count else None

    c = lax.axis_index("c")
    s = lax.axis_index("s")

    for u in range(_PPT):
      pltpu.sync_copy(tab_hbm.at[pl.ds((_PPT * s + u) * _N, _N)], tabs[u])

    @plsc.parallel_loop(0, _N // 16, unroll=4)
    def zero(i):
      z = jnp.zeros((16,), jnp.float32)
      for u in range(_PPT):
        accs[u][pl.ds(i * 16, 16)] = z
      if with_count:
        accC[pl.ds(i * 16, 16)] = z

    ebase = c * _EH

    def start(jc, buf):
      b = ebase + jc * _CHE
      pltpu.async_copy(src_hbm.at[pl.ds(b, _CHE)], sbufs[buf][0],
                       sems[2 * buf])
      pltpu.async_copy(dst_hbm.at[pl.ds(b, _CHE)], sbufs[buf][1],
                       sems[2 * buf + 1])

    def wait(buf):
      pltpu.make_async_copy(src_hbm.at[pl.ds(0, _CHE)], sbufs[buf][0],
                            sems[2 * buf]).wait()
      pltpu.make_async_copy(dst_hbm.at[pl.ds(0, _CHE)], sbufs[buf][1],
                            sems[2 * buf + 1]).wait()

    def process(jc, buf):
      schunk, dchunk = sbufs[buf]

      @plsc.parallel_loop(0, _NST, unroll=_UNR)
      def step(i):
        svec = schunk[pl.ds(i * 16, 16)]
        dvec = dchunk[pl.ds(i * 16, 16)]
        for u in range(_PPT):
          plsc.addupdate_scatter(accs[u], [dvec],
                                 plsc.load_gather(tabs[u], [svec]))

      if with_count:
        @pl.when((s >= _NS - 2) & (jc // _QLOC == s - (_NS - 2)))
        def _():
          @plsc.parallel_loop(0, _NST, unroll=_UNR)
          def cstep(i):
            dvec = dchunk[pl.ds(i * 16, 16)]
            plsc.addupdate_scatter(accC, [dvec],
                                   jnp.full((16,), 1.0, jnp.float32))

    start(0, 0)

    def chunk2(j2, carry):
      jc0 = j2 * 2
      start(jc0 + 1, 1)
      wait(0)
      process(jc0, 0)

      @pl.when(jc0 + 2 < _NCH)
      def _():
        start(jc0 + 2, 0)

      wait(1)
      process(jc0 + 1, 1)
      return carry

    lax.fori_loop(0, _NCH // 2, chunk2, 0)

    for u in range(_PPT):
      pltpu.sync_copy(accs[u],
                      agg_out.at[pl.ds((c * _HID + _PPT * s + u) * _N, _N)])
    if with_count:
      @pl.when(s >= _NS - 2)
      def _():
        q = c * 2 + (s - (_NS - 2))
        pltpu.sync_copy(accC, cnt_out.at[pl.ds(q * _N, _N)])

  return pl.kernel(
      body, out_type=out_type, mesh=mesh, scratch_types=scratch,
      compiler_params=pltpu.CompilerParams(needs_layout_passes=False))


_sc_agg_cache = {}


def _sc_agg(with_count):
  if with_count not in _sc_agg_cache:
    _sc_agg_cache[with_count] = _make_sc_agg(with_count)
  return _sc_agg_cache[with_count]


def _proj_body(x_ref, wl_ref, wr_ref, p_ref, r_ref):
  x = x_ref[...]
  dn = (((1,), (1,)), ((), ()))
  p_ref[...] = lax.dot_general(wl_ref[...], x, dn,
                               preferred_element_type=jnp.float32)
  r_ref[...] = lax.dot_general(wr_ref[...], x, dn,
                               preferred_element_type=jnp.float32)


def _l1_body(agg_ref, cnt_ref, xr_ref, b_ref, o_ref):
  cnt = cnt_ref[0] + cnt_ref[1] + cnt_ref[2] + cnt_ref[3]
  rc = 1.0 / jnp.maximum(cnt, 1.0)
  agg = agg_ref[0] + agg_ref[1]
  o_ref[...] = jnp.maximum(agg * rc + b_ref[...][:, 0:1] + xr_ref[...], 0.0)


def _l2_body(agg_ref, cnt_ref, h1_ref, wl_ref, b_ref, wr_ref, bv_ref,
             ones_ref, o_ref):
  cnt = cnt_ref[0] + cnt_ref[1] + cnt_ref[2] + cnt_ref[3]
  rc = 1.0 / jnp.maximum(cnt, 1.0)
  mean = (agg_ref[0] + agg_ref[1]) * rc
  dn = (((1,), (0,)), ((), ()))
  h2 = lax.dot_general(wl_ref[...], mean, dn,
                       preferred_element_type=jnp.float32)
  h2 = h2 + b_ref[...][:, 0:1] + lax.dot_general(
      wr_ref[...], h1_ref[...], dn, preferred_element_type=jnp.float32)
  h2 = jnp.maximum(h2, 0.0)
  oh = (bv_ref[...] == lax.broadcasted_iota(jnp.int32, (_N, _G), 1))
  oh = oh.astype(jnp.float32)
  pooled = lax.dot_general(oh, h2, (((0,), (1,)), ((), ())),
                           preferred_element_type=jnp.float32)
  cg = lax.dot_general(oh, ones_ref[...], (((0,), (0,)), ((), ())),
                       preferred_element_type=jnp.float32)
  o_ref[...] = pooled * (1.0 / jnp.maximum(cg[:, 0:1], 1.0))


_tc_proj = pl.pallas_call(
    _proj_body,
    out_shape=[jax.ShapeDtypeStruct((_HID, _N), jnp.float32),
               jax.ShapeDtypeStruct((_HID, _N), jnp.float32)])

_tc_l1 = pl.pallas_call(
    _l1_body,
    out_shape=jax.ShapeDtypeStruct((_HID, _N), jnp.float32))

_tc_l2 = pl.pallas_call(
    _l2_body,
    out_shape=jax.ShapeDtypeStruct((_G, _OUT), jnp.float32))


def kernel(x, edge_index, edge_weight, batch_vec, W1_l, b1_l, W1_r,
           W2_l, b2_l, W2_r):
  del edge_weight
  f32 = jnp.float32
  src = edge_index[0]
  dst = edge_index[1]

  p1T, xrT = _tc_proj(x, W1_l, W1_r)

  agg1T, cnt4 = _sc_agg(True)(p1T.reshape(-1), src, dst)
  agg1T = agg1T.reshape(_NC, _HID, _N)
  cnt4 = cnt4.reshape(4, _N)

  b1b = jnp.broadcast_to(b1_l[:, None], (_HID, 128)).astype(f32)
  h1T = _tc_l1(agg1T, cnt4, xrT, b1b)

  (agg2T,) = _sc_agg(False)(h1T.reshape(-1), src, dst)
  agg2T = agg2T.reshape(_NC, _HID, _N)

  b2b = jnp.broadcast_to(b2_l[:, None], (_OUT, 128)).astype(f32)
  out = _tc_l2(agg2T, cnt4, h1T, W2_l, b2b, W2_r,
               batch_vec.reshape(_N, 1), jnp.ones((_N, 8), f32))
  return out

# --- scband reference (transcript-rebuilt; emitter-appended) ---
"""Pipeline reference for scband-sageencoder-6786048328256 (READ-ONLY COPY).

The authoritative reference and input builder live on the scoring server;
editing this copy changes nothing except your own understanding.
"""

import jax, jax.numpy as jnp
import numpy as np

N = 10000
E = 320000
NUM_GRAPHS = 64
IN_DIM = 128
HID = 64
OUT = 128


def setup_inputs(seed: int = 0) -> dict:
    key = jax.random.key(seed)
    ks = jax.random.split(key, 12)
    x = jax.random.normal(ks[0], (N, IN_DIM), dtype=jnp.float32)
    edge_index = jax.random.randint(ks[1], (2, E), 0, N, dtype=jnp.int32)
    edge_weight = jax.random.uniform(ks[2], (E,), dtype=jnp.float32)
    batch_vec = jnp.sort(jax.random.randint(ks[3], (N,), 0, NUM_GRAPHS, dtype=jnp.int32))
    # SAGEConv params: lin_l (neighbor agg, with bias), lin_r (root, no bias)
    W1_l = jax.random.normal(ks[4], (HID, IN_DIM), dtype=jnp.float32) * 0.05
    b1_l = jnp.zeros((HID,), dtype=jnp.float32)
    W1_r = jax.random.normal(ks[5], (HID, IN_DIM), dtype=jnp.float32) * 0.05
    W2_l = jax.random.normal(ks[6], (OUT, HID), dtype=jnp.float32) * 0.05
    b2_l = jnp.zeros((OUT,), dtype=jnp.float32)
    W2_r = jax.random.normal(ks[7], (OUT, HID), dtype=jnp.float32) * 0.05
    return {"x": x, "edge_index": edge_index, "edge_weight": edge_weight,
            "batch_vec": batch_vec, "W1_l": W1_l, "b1_l": b1_l, "W1_r": W1_r,
            "W2_l": W2_l, "b2_l": b2_l, "W2_r": W2_r}


def reference(x, edge_index, edge_weight, batch_vec, W1_l, b1_l, W1_r, W2_l, b2_l, W2_r):
    src = edge_index[0]
    dst = edge_index[1]

    def sage_conv(h, Wl, bl, Wr):
        msgs = h[src]  # gather x_j
        agg = jax.ops.segment_sum(msgs, dst, num_segments=N)
        cnt = jax.ops.segment_sum(jnp.ones((E,), h.dtype), dst, num_segments=N)
        mean = agg / jnp.clip(cnt, 1.0, None)[:, None]
        return mean @ Wl.T + bl + h @ Wr.T

    h = jax.nn.relu(sage_conv(x, W1_l, b1_l, W1_r))
    # dropout is identity in eval mode
    h = jax.nn.relu(sage_conv(h, W2_l, b2_l, W2_r))
    # global_mean_pool over batch_vec
    s = jax.ops.segment_sum(h, batch_vec, num_segments=NUM_GRAPHS)
    c = jax.ops.segment_sum(jnp.ones((N,), h.dtype), batch_vec, num_segments=NUM_GRAPHS)
    return s / jnp.clip(c, 1.0, None)[:, None]

if __name__ == "__main__":
    import jax
    _d = setup_inputs()
    print(jax.jit(kernel)(*tuple(_d.values())))

</pallas_src>

<mosaic_0001>
#map = affine_map<(d0, d1) -> (0)>
module attributes {stable_mosaic.version = 14 : i64} {
  func.func @body(%arg0: i32, %arg1: i32, %arg2: memref<640000xf32, #tpu.memory_space<hbm>>, %arg3: memref<320000xi32, #tpu.memory_space<hbm>>, %arg4: memref<320000xi32, #tpu.memory_space<hbm>>, %arg5: memref<1280000xf32, #tpu.memory_space<hbm>>, %arg6: memref<40000xf32, #tpu.memory_space<hbm>>, %arg7: memref<10000xf32, #tpu.memory_space<vmem>>, %arg8: memref<10000xf32, #tpu.memory_space<vmem>>, %arg9: memref<10000xf32, #tpu.memory_space<vmem>>, %arg10: memref<10000xf32, #tpu.memory_space<vmem>>, %arg11: memref<10000xf32, #tpu.memory_space<vmem>>, %arg12: memref<10000xf32, #tpu.memory_space<vmem>>, %arg13: memref<10000xf32, #tpu.memory_space<vmem>>, %arg14: memref<10000xf32, #tpu.memory_space<vmem>>, %arg15: memref<8000xi32, #tpu.memory_space<vmem>>, %arg16: memref<8000xi32, #tpu.memory_space<vmem>>, %arg17: memref<8000xi32, #tpu.memory_space<vmem>>, %arg18: memref<8000xi32, #tpu.memory_space<vmem>>, %arg19: memref<!tpu.dma_semaphore, #tpu.memory_space<semaphore_mem>>, %arg20: memref<!tpu.dma_semaphore, #tpu.memory_space<semaphore_mem>>, %arg21: memref<!tpu.dma_semaphore, #tpu.memory_space<semaphore_mem>>, %arg22: memref<!tpu.dma_semaphore, #tpu.memory_space<semaphore_mem>>, %arg23: memref<10000xf32, #tpu.memory_space<vmem>>) attributes {dimension_semantics = [#tpu.dimension_semantics<core_parallel>, #tpu.dimension_semantics<subcore_parallel>], iteration_bounds = array<i64: 2, 16>, scalar_prefetch = 0 : i64, scratch_operands = 17 : i64, tpu.core_type = #tpu.core_type<sc_vector_subcore>, window_params = [{transform_indices = #map}, {transform_indices = #map}, {transform_indices = #map}, {transform_indices = #map}, {transform_indices = #map}]} {
    %mul3A = arith.constant 4 : i32
    %mul3A_0 = arith.muli %mul3A, %arg1 : i32
    %add3A = arith.constant 0 : i32
    %add3A_1 = arith.addi %mul3A_0, %add3A : i32
    %mul3A_2 = arith.constant 10000 : i32
    %mul3A_3 = arith.muli %add3A_1, %mul3A_2 : i32
    "tpu.region"() ({
      %run_scoped3A = tpu.sem_alloc : memref<!tpu.dma_semaphore, #tpu.memory_space<semaphore_mem>>
      %dma_start3A_74 = tpu.memref_slice %arg2[%mul3A_3] : memref<640000xf32, #tpu.memory_space<hbm>> -> memref<10000xf32, #tpu.memory_space<hbm>>
      %dma_start3A_75 = tpu.memref_slice %arg2[%mul3A_3] : memref<640000xf32, #tpu.memory_space<hbm>> -> memref<10000xf32, #tpu.memory_space<hbm>>
      tpu.enqueue_dma source(%dma_start3A_75 : memref<10000xf32, #tpu.memory_space<hbm>>) target(%arg7 : memref<10000xf32, #tpu.memory_space<vmem>>) target_semaphore(%run_scoped3A : memref<!tpu.dma_semaphore, #tpu.memory_space<semaphore_mem>>)
      %dma_wait3A = tpu.memref_slice %arg2[%mul3A_3] : memref<640000xf32, #tpu.memory_space<hbm>> -> memref<10000xf32, #tpu.memory_space<hbm>>
      %dma_wait3A_76 = tpu.memref_slice %arg2[%mul3A_3] : memref<640000xf32, #tpu.memory_space<hbm>> -> memref<10000xf32, #tpu.memory_space<hbm>>
      tpu.wait_dma2 semaphore(%run_scoped3A : memref<!tpu.dma_semaphore, #tpu.memory_space<semaphore_mem>>) src(%dma_wait3A_76 : memref<10000xf32, #tpu.memory_space<hbm>>) dst(%arg7 : memref<10000xf32, #tpu.memory_space<vmem>>)
      tpu.yield
    }) : () -> ()
    %mul3A_4 = arith.constant 4 : i32
    %mul3A_5 = arith.muli %mul3A_4, %arg1 : i32
    %add3A_6 = arith.constant 1 : i32
    %add3A_7 = arith.addi %mul3A_5, %add3A_6 : i32
    %mul3A_8 = arith.constant 10000 : i32
    %mul3A_9 = arith.muli %add3A_7, %mul3A_8 : i32
    "tpu.region"() ({
      %run_scoped3A = tpu.sem_alloc : memref<!tpu.dma_semaphore, #tpu.memory_space<semaphore_mem>>
      %dma_start3A_74 = tpu.memref_slice %arg2[%mul3A_9] : memref<640000xf32, #tpu.memory_space<hbm>> -> memref<10000xf32, #tpu.memory_space<hbm>>
      %dma_start3A_75 = tpu.memref_slice %arg2[%mul3A_9] : memref<640000xf32, #tpu.memory_space<hbm>> -> memref<10000xf32, #tpu.memory_space<hbm>>
      tpu.enqueue_dma source(%dma_start3A_75 : memref<10000xf32, #tpu.memory_space<hbm>>) target(%arg8 : memref<10000xf32, #tpu.memory_space<vmem>>) target_semaphore(%run_scoped3A : memref<!tpu.dma_semaphore, #tpu.memory_space<semaphore_mem>>)
      %dma_wait3A = tpu.memref_slice %arg2[%mul3A_9] : memref<640000xf32, #tpu.memory_space<hbm>> -> memref<10000xf32, #tpu.memory_space<hbm>>
      %dma_wait3A_76 = tpu.memref_slice %arg2[%mul3A_9] : memref<640000xf32, #tpu.memory_space<hbm>> -> memref<10000xf32, #tpu.memory_space<hbm>>
      tpu.wait_dma2 semaphore(%run_scoped3A : memref<!tpu.dma_semaphore, #tpu.memory_space<semaphore_mem>>) src(%dma_wait3A_76 : memref<10000xf32, #tpu.memory_space<hbm>>) dst(%arg8 : memref<10000xf32, #tpu.memory_space<vmem>>)
      tpu.yield
    }) : () -> ()
    %mul3A_10 = arith.constant 4 : i32
    %mul3A_11 = arith.muli %mul3A_10, %arg1 : i32
    %add3A_12 = arith.constant 2 : i32
    %add3A_13 = arith.addi %mul3A_11, %add3A_12 : i32
    %mul3A_14 = arith.constant 10000 : i32
    %mul3A_15 = arith.muli %add3A_13, %mul3A_14 : i32
    "tpu.region"() ({
      %run_scoped3A = tpu.sem_alloc : memref<!tpu.dma_semaphore, #tpu.memory_space<semaphore_mem>>
      %dma_start3A_74 = tpu.memref_slice %arg2[%mul3A_15] : memref<640000xf32, #tpu.memory_space<hbm>> -> memref<10000xf32, #tpu.memory_space<hbm>>
      %dma_start3A_75 = tpu.memref_slice %arg2[%mul3A_15] : memref<640000xf32, #tpu.memory_space<hbm>> -> memref<10000xf32, #tpu.memory_space<hbm>>
      tpu.enqueue_dma source(%dma_start3A_75 : memref<10000xf32, #tpu.memory_space<hbm>>) target(%arg9 : memref<10000xf32, #tpu.memory_space<vmem>>) target_semaphore(%run_scoped3A : memref<!tpu.dma_semaphore, #tpu.memory_space<semaphore_mem>>)
      %dma_wait3A = tpu.memref_slice %arg2[%mul3A_15] : memref<640000xf32, #tpu.memory_space<hbm>> -> memref<10000xf32, #tpu.memory_space<hbm>>
      %dma_wait3A_76 = tpu.memref_slice %arg2[%mul3A_15] : memref<640000xf32, #tpu.memory_space<hbm>> -> memref<10000xf32, #tpu.memory_space<hbm>>
      tpu.wait_dma2 semaphore(%run_scoped3A : memref<!tpu.dma_semaphore, #tpu.memory_space<semaphore_mem>>) src(%dma_wait3A_76 : memref<10000xf32, #tpu.memory_space<hbm>>) dst(%arg9 : memref<10000xf32, #tpu.memory_space<vmem>>)
      tpu.yield
    }) : () -> ()
    %mul3A_16 = arith.constant 4 : i32
    %mul3A_17 = arith.muli %mul3A_16, %arg1 : i32
    %add3A_18 = arith.constant 3 : i32
    %add3A_19 = arith.addi %mul3A_17, %add3A_18 : i32
    %mul3A_20 = arith.constant 10000 : i32
    %mul3A_21 = arith.muli %add3A_19, %mul3A_20 : i32
    "tpu.region"() ({
      %run_scoped3A = tpu.sem_alloc : memref<!tpu.dma_semaphore, #tpu.memory_space<semaphore_mem>>
      %dma_start3A_74 = tpu.memref_slice %arg2[%mul3A_21] : memref<640000xf32, #tpu.memory_space<hbm>> -> memref<10000xf32, #tpu.memory_space<hbm>>
      %dma_start3A_75 = tpu.memref_slice %arg2[%mul3A_21] : memref<640000xf32, #tpu.memory_space<hbm>> -> memref<10000xf32, #tpu.memory_space<hbm>>
      tpu.enqueue_dma source(%dma_start3A_75 : memref<10000xf32, #tpu.memory_space<hbm>>) target(%arg10 : memref<10000xf32, #tpu.memory_space<vmem>>) target_semaphore(%run_scoped3A : memref<!tpu.dma_semaphore, #tpu.memory_space<semaphore_mem>>)
      %dma_wait3A = tpu.memref_slice %arg2[%mul3A_21] : memref<640000xf32, #tpu.memory_space<hbm>> -> memref<10000xf32, #tpu.memory_space<hbm>>
      %dma_wait3A_76 = tpu.memref_slice %arg2[%mul3A_21] : memref<640000xf32, #tpu.memory_space<hbm>> -> memref<10000xf32, #tpu.memory_space<hbm>>
      tpu.wait_dma2 semaphore(%run_scoped3A : memref<!tpu.dma_semaphore, #tpu.memory_space<semaphore_mem>>) src(%dma_wait3A_76 : memref<10000xf32, #tpu.memory_space<hbm>>) dst(%arg10 : memref<10000xf32, #tpu.memory_space<vmem>>)
      tpu.yield
    }) : () -> ()
    %parallel_loop3A = arith.constant 0 : i32
    %parallel_loop3A_22 = arith.constant 625 : i32
    %parallel_loop3A_23 = arith.constant 1 : i32
    scf.for %parallel_loop3A_74 = %parallel_loop3A to %parallel_loop3A_22 step %parallel_loop3A_23  : i32 {
      %parallel_loop3A_75 = arith.constant 0.000000e+00 : f32
      %parallel_loop3A_76 = vector.broadcast %parallel_loop3A_75 : f32 to vector<16xf32>
      %parallel_loop3A_77 = arith.constant 16 : i32
      %parallel_loop3A_78 = arith.muli %parallel_loop3A_74, %parallel_loop3A_77 : i32
      %parallel_loop3A_79 = arith.index_cast %parallel_loop3A_78 : i32 to index
      %parallel_loop3A_80 = tpu.vector_load %arg11[%parallel_loop3A_79] {strides = array<i32>} : memref<10000xf32, #tpu.memory_space<vmem>>, vector<16xf32>,
      tpu.vector_store %arg11[%parallel_loop3A_79], %parallel_loop3A_76 {strides = array<i32>} : memref<10000xf32, #tpu.memory_space<vmem>>, vector<16xf32>,
      %parallel_loop3A_81 = arith.constant 16 : i32
      %parallel_loop3A_82 = arith.muli %parallel_loop3A_74, %parallel_loop3A_81 : i32
      %parallel_loop3A_83 = arith.index_cast %parallel_loop3A_82 : i32 to index
      %parallel_loop3A_84 = tpu.vector_load %arg12[%parallel_loop3A_83] {strides = array<i32>} : memref<10000xf32, #tpu.memory_space<vmem>>, vector<16xf32>,
      tpu.vector_store %arg12[%parallel_loop3A_83], %parallel_loop3A_76 {strides = array<i32>} : memref<10000xf32, #tpu.memory_space<vmem>>, vector<16xf32>,
      %parallel_loop3A_85 = arith.constant 16 : i32
      %parallel_loop3A_86 = arith.muli %parallel_loop3A_74, %parallel_loop3A_85 : i32
      %parallel_loop3A_87 = arith.index_cast %parallel_loop3A_86 : i32 to index
      %parallel_loop3A_88 = tpu.vector_load %arg13[%parallel_loop3A_87] {strides = array<i32>} : memref<10000xf32, #tpu.memory_space<vmem>>, vector<16xf32>,
      tpu.vector_store %arg13[%parallel_loop3A_87], %parallel_loop3A_76 {strides = array<i32>} : memref<10000xf32, #tpu.memory_space<vmem>>, vector<16xf32>,
      %parallel_loop3A_89 = arith.constant 16 : i32
      %parallel_loop3A_90 = arith.muli %parallel_loop3A_74, %parallel_loop3A_89 : i32
      %parallel_loop3A_91 = arith.index_cast %parallel_loop3A_90 : i32 to index
      %parallel_loop3A_92 = tpu.vector_load %arg14[%parallel_loop3A_91] {strides = array<i32>} : memref<10000xf32, #tpu.memory_space<vmem>>, vector<16xf32>,
      tpu.vector_store %arg14[%parallel_loop3A_91], %parallel_loop3A_76 {strides = array<i32>} : memref<10000xf32, #tpu.memory_space<vmem>>, vector<16xf32>,
      %parallel_loop3A_93 = arith.constant 16 : i32
      %parallel_loop3A_94 = arith.muli %parallel_loop3A_74, %parallel_loop3A_93 : i32
      %parallel_loop3A_95 = arith.index_cast %parallel_loop3A_94 : i32 to index
      %parallel_loop3A_96 = tpu.vector_load %arg23[%parallel_loop3A_95] {strides = array<i32>} : memref<10000xf32, #tpu.memory_space<vmem>>, vector<16xf32>,
      tpu.vector_store %arg23[%parallel_loop3A_95], %parallel_loop3A_76 {strides = array<i32>} : memref<10000xf32, #tpu.memory_space<vmem>>, vector<16xf32>,
    } {sc.loop_unroll_factor = 4 : i64, sc.parallel_access}
    %mul3A_24 = arith.constant 160000 : i32
    %mul3A_25 = arith.muli %arg0, %mul3A_24 : i32
    %add3A_26 = arith.constant 0 : i32
    %add3A_27 = arith.addi %mul3A_25, %add3A_26 : i32
    %dma_start3A = tpu.memref_slice %arg3[%add3A_27] : memref<320000xi32, #tpu.memory_space<hbm>> -> memref<8000xi32, #tpu.memory_space<hbm>>
    %dma_start3A_28 = tpu.memref_slice %arg3[%add3A_27] : memref<320000xi32, #tpu.memory_space<hbm>> -> memref<8000xi32, #tpu.memory_space<hbm>>
    tpu.enqueue_dma source(%dma_start3A_28 : memref<8000xi32, #tpu.memory_space<hbm>>) target(%arg15 : memref<8000xi32, #tpu.memory_space<vmem>>) target_semaphore(%arg19 : memref<!tpu.dma_semaphore, #tpu.memory_space<semaphore_mem>>)
    %dma_start3A_29 = tpu.memref_slice %arg4[%add3A_27] : memref<320000xi32, #tpu.memory_space<hbm>> -> memref<8000xi32, #tpu.memory_space<hbm>>
    %dma_start3A_30 = tpu.memref_slice %arg4[%add3A_27] : memref<320000xi32, #tpu.memory_space<hbm>> -> memref<8000xi32, #tpu.memory_space<hbm>>
    tpu.enqueue_dma source(%dma_start3A_30 : memref<8000xi32, #tpu.memory_space<hbm>>) target(%arg16 : memref<8000xi32, #tpu.memory_space<vmem>>) target_semaphore(%arg20 : memref<!tpu.dma_semaphore, #tpu.memory_space<semaphore_mem>>)
    %scan3A = arith.constant 0 : i32
    %scan3A_31 = arith.constant 0 : i32
    %scan3A_32 = arith.constant 10 : i32
    %scan3A_33 = arith.addi %scan3A_31, %scan3A_32 : i32
    %scan3A_34 = arith.constant 1 : i32
    scf.for %scan3A_74 = %scan3A_31 to %scan3A_33 step %scan3A_34  : i32 {
      %mul3A_75 = arith.constant 2 : i32
      %mul3A_76 = arith.muli %scan3A_74, %mul3A_75 : i32
      %add3A_77 = arith.constant 1 : i32
      %add3A_78 = arith.addi %mul3A_76, %add3A_77 : i32
      %mul3A_79 = arith.constant 8000 : i32
      %mul3A_80 = arith.muli %add3A_78, %mul3A_79 : i32
      %add3A_81 = arith.addi %mul3A_25, %mul3A_80 : i32
      %dma_start3A_82 = tpu.memref_slice %arg3[%add3A_81] : memref<320000xi32, #tpu.memory_space<hbm>> -> memref<8000xi32, #tpu.memory_space<hbm>>
      %dma_start3A_83 = tpu.memref_slice %arg3[%add3A_81] : memref<320000xi32, #tpu.memory_space<hbm>> -> memref<8000xi32, #tpu.memory_space<hbm>>
      tpu.enqueue_dma source(%dma_start3A_83 : memref<8000xi32, #tpu.memory_space<hbm>>) target(%arg17 : memref<8000xi32, #tpu.memory_space<vmem>>) target_semaphore(%arg21 : memref<!tpu.dma_semaphore, #tpu.memory_space<semaphore_mem>>)
      %dma_start3A_84 = tpu.memref_slice %arg4[%add3A_81] : memref<320000xi32, #tpu.memory_space<hbm>> -> memref<8000xi32, #tpu.memory_space<hbm>>
      %dma_start3A_85 = tpu.memref_slice %arg4[%add3A_81] : memref<320000xi32, #tpu.memory_space<hbm>> -> memref<8000xi32, #tpu.memory_space<hbm>>
      tpu.enqueue_dma source(%dma_start3A_85 : memref<8000xi32, #tpu.memory_space<hbm>>) target(%arg18 : memref<8000xi32, #tpu.memory_space<vmem>>) target_semaphore(%arg22 : memref<!tpu.dma_semaphore, #tpu.memory_space<semaphore_mem>>)
      %dma_wait3A = arith.constant 0 : i32
      %dma_wait3A_86 = tpu.memref_slice %arg3[%dma_wait3A] : memref<320000xi32, #tpu.memory_space<hbm>> -> memref<8000xi32, #tpu.memory_space<hbm>>
      %dma_wait3A_87 = arith.constant 0 : i32
      %dma_wait3A_88 = tpu.memref_slice %arg3[%dma_wait3A_87] : memref<320000xi32, #tpu.memory_space<hbm>> -> memref<8000xi32, #tpu.memory_space<hbm>>
      tpu.wait_dma2 semaphore(%arg19 : memref<!tpu.dma_semaphore, #tpu.memory_space<semaphore_mem>>) src(%dma_wait3A_88 : memref<8000xi32, #tpu.memory_space<hbm>>) dst(%arg15 : memref<8000xi32, #tpu.memory_space<vmem>>)
      %dma_wait3A_89 = arith.constant 0 : i32
      %dma_wait3A_90 = tpu.memref_slice %arg4[%dma_wait3A_89] : memref<320000xi32, #tpu.memory_space<hbm>> -> memref<8000xi32, #tpu.memory_space<hbm>>
      %dma_wait3A_91 = arith.constant 0 : i32
      %dma_wait3A_92 = tpu.memref_slice %arg4[%dma_wait3A_91] : memref<320000xi32, #tpu.memory_space<hbm>> -> memref<8000xi32, #tpu.memory_space<hbm>>
      tpu.wait_dma2 semaphore(%arg20 : memref<!tpu.dma_semaphore, #tpu.memory_space<semaphore_mem>>) src(%dma_wait3A_92 : memref<8000xi32, #tpu.memory_space<hbm>>) dst(%arg16 : memref<8000xi32, #tpu.memory_space<vmem>>)
      %parallel_loop3A_93 = arith.constant 0 : i32
      %parallel_loop3A_94 = arith.constant 500 : i32
      %parallel_loop3A_95 = arith.constant 1 : i32
      scf.for %parallel_loop3A_172 = %parallel_loop3A_93 to %parallel_loop3A_94 step %parallel_loop3A_95  : i32 {
        %parallel_loop3A_173 = arith.constant 16 : i32
        %parallel_loop3A_174 = arith.muli %parallel_loop3A_172, %parallel_loop3A_173 : i32
        %parallel_loop3A_175 = arith.index_cast %parallel_loop3A_174 : i32 to index
        %parallel_loop3A_176 = tpu.vector_load %arg15[%parallel_loop3A_175] {strides = array<i32>} : memref<8000xi32, #tpu.memory_space<vmem>>, vector<16xi32>,
        %parallel_loop3A_177 = arith.constant 16 : i32
        %parallel_loop3A_178 = arith.muli %parallel_loop3A_172, %parallel_loop3A_177 : i32
        %parallel_loop3A_179 = arith.index_cast %parallel_loop3A_178 : i32 to index
        %parallel_loop3A_180 = tpu.vector_load %arg16[%parallel_loop3A_179] {strides = array<i32>} : memref<8000xi32, #tpu.memory_space<vmem>>, vector<16xi32>,
        %parallel_loop3A_181 = tpu.vector_load_idx %arg7[%parallel_loop3A_176] : memref<10000xf32, #tpu.memory_space<vmem>>[vector<16xi32>], vector<16xf32>,
        tpu.vector_store_idx %arg11[%parallel_loop3A_180], %parallel_loop3A_181 {add = true} : memref<10000xf32, #tpu.memory_space<vmem>>[vector<16xi32>], vector<16xf32>,
        %parallel_loop3A_182 = tpu.vector_load_idx %arg8[%parallel_loop3A_176] : memref<10000xf32, #tpu.memory_space<vmem>>[vector<16xi32>], vector<16xf32>,
        tpu.vector_store_idx %arg12[%parallel_loop3A_180], %parallel_loop3A_182 {add = true} : memref<10000xf32, #tpu.memory_space<vmem>>[vector<16xi32>], vector<16xf32>,
        %parallel_loop3A_183 = tpu.vector_load_idx %arg9[%parallel_loop3A_176] : memref<10000xf32, #tpu.memory_space<vmem>>[vector<16xi32>], vector<16xf32>,
        tpu.vector_store_idx %arg13[%parallel_loop3A_180], %parallel_loop3A_183 {add = true} : memref<10000xf32, #tpu.memory_space<vmem>>[vector<16xi32>], vector<16xf32>,
        %parallel_loop3A_184 = tpu.vector_load_idx %arg10[%parallel_loop3A_176] : memref<10000xf32, #tpu.memory_space<vmem>>[vector<16xi32>], vector<16xf32>,
        tpu.vector_store_idx %arg14[%parallel_loop3A_180], %parallel_loop3A_184 {add = true} : memref<10000xf32, #tpu.memory_space<vmem>>[vector<16xi32>], vector<16xf32>,
      } {sc.loop_unroll_factor = 10 : i64, sc.parallel_access}
      %ge3A_96 = arith.constant 14 : i32
      %ge3A_97 = arith.cmpi sge, %arg1, %ge3A_96 : i32
      %jit3A = arith.constant 10 : i32
      %div3A = arith.divsi %mul3A_76, %jit3A : i32
      %sign3A = arith.constant 0 : i32
      %sign3A_98 = arith.cmpi sgt, %mul3A_76, %sign3A : i32
      %sign3A_99 = arith.extui %sign3A_98 : i1 to i32
      %sign3A_100 = arith.constant 0 : i32
      %sign3A_101 = arith.cmpi slt, %mul3A_76, %sign3A_100 : i32
      %sign3A_102 = arith.extui %sign3A_101 : i1 to i32
      %sign3A_103 = arith.subi %sign3A_99, %sign3A_102 : i32
      %sign3A_104 = arith.constant 0 : i32
      %sign3A_105 = arith.cmpi sgt, %jit3A, %sign3A_104 : i32
      %sign3A_106 = arith.extui %sign3A_105 : i1 to i32
      %sign3A_107 = arith.constant 0 : i32
      %sign3A_108 = arith.cmpi slt, %jit3A, %sign3A_107 : i32
      %sign3A_109 = arith.extui %sign3A_108 : i1 to i32
      %sign3A_110 = arith.subi %sign3A_106, %sign3A_109 : i32
      %ne3A = arith.cmpi ne, %sign3A_103, %sign3A_110 : i32
      %rem3A = arith.remsi %mul3A_76, %jit3A : i32
      %ne3A_111 = arith.constant 0 : i32
      %ne3A_112 = arith.cmpi ne, %rem3A, %ne3A_111 : i32
      %and3A = arith.andi %ne3A, %ne3A_112 : i1
      %sub3A = arith.constant 1 : i32
      %sub3A_113 = arith.subi %div3A, %sub3A : i32
      %select_n3A = arith.select %and3A, %sub3A_113, %div3A : i32
      %sub3A_114 = arith.constant 14 : i32
      %sub3A_115 = arith.subi %arg1, %sub3A_114 : i32
      %eq3A = arith.cmpi eq, %select_n3A, %sub3A_115 : i32
      %and3A_116 = arith.andi %ge3A_97, %eq3A : i1
      %convert_element_type3A_117 = arith.extui %and3A_116 : i1 to i32
      %cond3A_118 = arith.constant 0 : i32
      %cond3A_119 = arith.cmpi ne, %convert_element_type3A_117, %cond3A_118 : i32
      scf.if %cond3A_119 {
        %parallel_loop3A_172 = arith.constant 0 : i32
        %parallel_loop3A_173 = arith.constant 500 : i32
        %parallel_loop3A_174 = arith.constant 1 : i32
        scf.for %parallel_loop3A_175 = %parallel_loop3A_172 to %parallel_loop3A_173 step %parallel_loop3A_174  : i32 {
          %parallel_loop3A_176 = arith.constant 16 : i32
          %parallel_loop3A_177 = arith.muli %parallel_loop3A_175, %parallel_loop3A_176 : i32
          %parallel_loop3A_178 = arith.index_cast %parallel_loop3A_177 : i32 to index
          %parallel_loop3A_179 = tpu.vector_load %arg16[%parallel_loop3A_178] {strides = array<i32>} : memref<8000xi32, #tpu.memory_space<vmem>>, vector<16xi32>,
          %parallel_loop3A_180 = arith.constant 1.000000e+00 : f32
          %parallel_loop3A_181 = vector.broadcast %parallel_loop3A_180 : f32 to vector<16xf32>
          tpu.vector_store_idx %arg23[%parallel_loop3A_179], %parallel_loop3A_181 {add = true} : memref<10000xf32, #tpu.memory_space<vmem>>[vector<16xi32>], vector<16xf32>,
        } {sc.loop_unroll_factor = 10 : i64, sc.parallel_access}
      } else {
      }
      %add3A_120 = arith.constant 2 : i32
      %add3A_121 = arith.addi %mul3A_76, %add3A_120 : i32
      %lt3A = arith.constant 20 : i32
      %lt3A_122 = arith.cmpi slt, %add3A_121, %lt3A : i32
      %convert_element_type3A_123 = arith.extui %lt3A_122 : i1 to i32
      %cond3A_124 = arith.constant 0 : i32
      %cond3A_125 = arith.cmpi ne, %convert_element_type3A_123, %cond3A_124 : i32
      scf.if %cond3A_125 {
        %add3A_172 = arith.constant 2 : i32
        %add3A_173 = arith.addi %mul3A_76, %add3A_172 : i32
        %mul3A_174 = arith.constant 8000 : i32
        %mul3A_175 = arith.muli %add3A_173, %mul3A_174 : i32
        %add3A_176 = arith.addi %mul3A_25, %mul3A_175 : i32
        %dma_start3A_177 = tpu.memref_slice %arg3[%add3A_176] : memref<320000xi32, #tpu.memory_space<hbm>> -> memref<8000xi32, #tpu.memory_space<hbm>>
        %dma_start3A_178 = tpu.memref_slice %arg3[%add3A_176] : memref<320000xi32, #tpu.memory_space<hbm>> -> memref<8000xi32, #tpu.memory_space<hbm>>
        tpu.enqueue_dma source(%dma_start3A_178 : memref<8000xi32, #tpu.memory_space<hbm>>) target(%arg15 : memref<8000xi32, #tpu.memory_space<vmem>>) target_semaphore(%arg19 : memref<!tpu.dma_semaphore, #tpu.memory_space<semaphore_mem>>)
        %dma_start3A_179 = tpu.memref_slice %arg4[%add3A_176] : memref<320000xi32, #tpu.memory_space<hbm>> -> memref<8000xi32, #tpu.memory_space<hbm>>
        %dma_start3A_180 = tpu.memref_slice %arg4[%add3A_176] : memref<320000xi32, #tpu.memory_space<hbm>> -> memref<8000xi32, #tpu.memory_space<hbm>>
        tpu.enqueue_dma source(%dma_start3A_180 : memref<8000xi32, #tpu.memory_space<hbm>>) target(%arg16 : memref<8000xi32, #tpu.memory_space<vmem>>) target_semaphore(%arg20 : memref<!tpu.dma_semaphore, #tpu.memory_space<semaphore_mem>>)
      } else {
      }
      %dma_wait3A_126 = arith.constant 0 : i32
      %dma_wait3A_127 = tpu.memref_slice %arg3[%dma_wait3A_126] : memref<320000xi32, #tpu.memory_space<hbm>> -> memref<8000xi32, #tpu.memory_space<hbm>>
      %dma_wait3A_128 = arith.constant 0 : i32
      %dma_wait3A_129 = tpu.memref_slice %arg3[%dma_wait3A_128] : memref<320000xi32, #tpu.memory_space<hbm>> -> memref<8000xi32, #tpu.memory_space<hbm>>
      tpu.wait_dma2 semaphore(%arg21 : memref<!tpu.dma_semaphore, #tpu.memory_space<semaphore_mem>>) src(%dma_wait3A_129 : memref<8000xi32, #tpu.memory_space<hbm>>) dst(%arg17 : memref<8000xi32, #tpu.memory_space<vmem>>)
      %dma_wait3A_130 = arith.constant 0 : i32
      %dma_wait3A_131 = tpu.memref_slice %arg4[%dma_wait3A_130] : memref<320000xi32, #tpu.memory_space<hbm>> -> memref<8000xi32, #tpu.memory_space<hbm>>
      %dma_wait3A_132 = arith.constant 0 : i32
      %dma_wait3A_133 = tpu.memref_slice %arg4[%dma_wait3A_132] : memref<320000xi32, #tpu.memory_space<hbm>> -> memref<8000xi32, #tpu.memory_space<hbm>>
      tpu.wait_dma2 semaphore(%arg22 : memref<!tpu.dma_semaphore, #tpu.memory_space<semaphore_mem>>) src(%dma_wait3A_133 : memref<8000xi32, #tpu.memory_space<hbm>>) dst(%arg18 : memref<8000xi32, #tpu.memory_space<vmem>>)
      %add3A_134 = arith.constant 1 : i32
      %add3A_135 = arith.addi %mul3A_76, %add3A_134 : i32
      %parallel_loop3A_136 = arith.constant 0 : i32
      %parallel_loop3A_137 = arith.constant 500 : i32
      %parallel_loop3A_138 = arith.constant 1 : i32
      scf.for %parallel_loop3A_172 = %parallel_loop3A_136 to %parallel_loop3A_137 step %parallel_loop3A_138  : i32 {
        %parallel_loop3A_173 = arith.constant 16 : i32
        %parallel_loop3A_174 = arith.muli %parallel_loop3A_172, %parallel_loop3A_173 : i32
        %parallel_loop3A_175 = arith.index_cast %parallel_loop3A_174 : i32 to index
        %parallel_loop3A_176 = tpu.vector_load %arg17[%parallel_loop3A_175] {strides = array<i32>} : memref<8000xi32, #tpu.memory_space<vmem>>, vector<16xi32>,
        %parallel_loop3A_177 = arith.constant 16 : i32
        %parallel_loop3A_178 = arith.muli %parallel_loop3A_172, %parallel_loop3A_177 : i32
        %parallel_loop3A_179 = arith.index_cast %parallel_loop3A_178 : i32 to index
        %parallel_loop3A_180 = tpu.vector_load %arg18[%parallel_loop3A_179] {strides = array<i32>} : memref<8000xi32, #tpu.memory_space<vmem>>, vector<16xi32>,
        %parallel_loop3A_181 = tpu.vector_load_idx %arg7[%parallel_loop3A_176] : memref<10000xf32, #tpu.memory_space<vmem>>[vector<16xi32>], vector<16xf32>,
        tpu.vector_store_idx %arg11[%parallel_loop3A_180], %parallel_loop3A_181 {add = true} : memref<10000xf32, #tpu.memory_space<vmem>>[vector<16xi32>], vector<16xf32>,
        %parallel_loop3A_182 = tpu.vector_load_idx %arg8[%parallel_loop3A_176] : memref<10000xf32, #tpu.memory_space<vmem>>[vector<16xi32>], vector<16xf32>,
        tpu.vector_store_idx %arg12[%parallel_loop3A_180], %parallel_loop3A_182 {add = true} : memref<10000xf32, #tpu.memory_space<vmem>>[vector<16xi32>], vector<16xf32>,
        %parallel_loop3A_183 = tpu.vector_load_idx %arg9[%parallel_loop3A_176] : memref<10000xf32, #tpu.memory_space<vmem>>[vector<16xi32>], vector<16xf32>,
        tpu.vector_store_idx %arg13[%parallel_loop3A_180], %parallel_loop3A_183 {add = true} : memref<10000xf32, #tpu.memory_space<vmem>>[vector<16xi32>], vector<16xf32>,
        %parallel_loop3A_184 = tpu.vector_load_idx %arg10[%parallel_loop3A_176] : memref<10000xf32, #tpu.memory_space<vmem>>[vector<16xi32>], vector<16xf32>,
        tpu.vector_store_idx %arg14[%parallel_loop3A_180], %parallel_loop3A_184 {add = true} : memref<10000xf32, #tpu.memory_space<vmem>>[vector<16xi32>], vector<16xf32>,
      } {sc.loop_unroll_factor = 10 : i64, sc.parallel_access}
      %ge3A_139 = arith.constant 14 : i32
      %ge3A_140 = arith.cmpi sge, %arg1, %ge3A_139 : i32
      %jit3A_141 = arith.constant 10 : i32
      %div3A_142 = arith.divsi %add3A_135, %jit3A_141 : i32
      %sign3A_143 = arith.constant 0 : i32
      %sign3A_144 = arith.cmpi sgt, %add3A_135, %sign3A_143 : i32
      %sign3A_145 = arith.extui %sign3A_144 : i1 to i32
      %sign3A_146 = arith.constant 0 : i32
      %sign3A_147 = arith.cmpi slt, %add3A_135, %sign3A_146 : i32
      %sign3A_148 = arith.extui %sign3A_147 : i1 to i32
      %sign3A_149 = arith.subi %sign3A_145, %sign3A_148 : i32
      %sign3A_150 = arith.constant 0 : i32
      %sign3A_151 = arith.cmpi sgt, %jit3A_141, %sign3A_150 : i32
      %sign3A_152 = arith.extui %sign3A_151 : i1 to i32
      %sign3A_153 = arith.constant 0 : i32
      %sign3A_154 = arith.cmpi slt, %jit3A_141, %sign3A_153 : i32
      %sign3A_155 = arith.extui %sign3A_154 : i1 to i32
      %sign3A_156 = arith.subi %sign3A_152, %sign3A_155 : i32
      %ne3A_157 = arith.cmpi ne, %sign3A_149, %sign3A_156 : i32
      %rem3A_158 = arith.remsi %add3A_135, %jit3A_141 : i32
      %ne3A_159 = arith.constant 0 : i32
      %ne3A_160 = arith.cmpi ne, %rem3A_158, %ne3A_159 : i32
      %and3A_161 = arith.andi %ne3A_157, %ne3A_160 : i1
      %sub3A_162 = arith.constant 1 : i32
      %sub3A_163 = arith.subi %div3A_142, %sub3A_162 : i32
      %select_n3A_164 = arith.select %and3A_161, %sub3A_163, %div3A_142 : i32
      %sub3A_165 = arith.constant 14 : i32
      %sub3A_166 = arith.subi %arg1, %sub3A_165 : i32
      %eq3A_167 = arith.cmpi eq, %select_n3A_164, %sub3A_166 : i32
      %and3A_168 = arith.andi %ge3A_140, %eq3A_167 : i1
      %convert_element_type3A_169 = arith.extui %and3A_168 : i1 to i32
      %cond3A_170 = arith.constant 0 : i32
      %cond3A_171 = arith.cmpi ne, %convert_element_type3A_169, %cond3A_170 : i32
      scf.if %cond3A_171 {
        %parallel_loop3A_172 = arith.constant 0 : i32
        %parallel_loop3A_173 = arith.constant 500 : i32
        %parallel_loop3A_174 = arith.constant 1 : i32
        scf.for %parallel_loop3A_175 = %parallel_loop3A_172 to %parallel_loop3A_173 step %parallel_loop3A_174  : i32 {
          %parallel_loop3A_176 = arith.constant 16 : i32
          %parallel_loop3A_177 = arith.muli %parallel_loop3A_175, %parallel_loop3A_176 : i32
          %parallel_loop3A_178 = arith.index_cast %parallel_loop3A_177 : i32 to index
          %parallel_loop3A_179 = tpu.vector_load %arg18[%parallel_loop3A_178] {strides = array<i32>} : memref<8000xi32, #tpu.memory_space<vmem>>, vector<16xi32>,
          %parallel_loop3A_180 = arith.constant 1.000000e+00 : f32
          %parallel_loop3A_181 = vector.broadcast %parallel_loop3A_180 : f32 to vector<16xf32>
          tpu.vector_store_idx %arg23[%parallel_loop3A_179], %parallel_loop3A_181 {add = true} : memref<10000xf32, #tpu.memory_space<vmem>>[vector<16xi32>], vector<16xf32>,
        } {sc.loop_unroll_factor = 10 : i64, sc.parallel_access}
      } else {
      }
    }
    %scan3A_35 = arith.constant 10 : i32
    %mul3A_36 = arith.constant 64 : i32
    %mul3A_37 = arith.muli %arg0, %mul3A_36 : i32
    %mul3A_38 = arith.constant 4 : i32
    %mul3A_39 = arith.muli %mul3A_38, %arg1 : i32
    %add3A_40 = arith.addi %mul3A_37, %mul3A_39 : i32
    %add3A_41 = arith.constant 0 : i32
    %add3A_42 = arith.addi %add3A_40, %add3A_41 : i32
    %mul3A_43 = arith.constant 10000 : i32
    %mul3A_44 = arith.muli %add3A_42, %mul3A_43 : i32
    "tpu.region"() ({
      %run_scoped3A = tpu.sem_alloc : memref<!tpu.dma_semaphore, #tpu.memory_space<semaphore_mem>>
      %dma_start3A_74 = tpu.memref_slice %arg5[%mul3A_44] : memref<1280000xf32, #tpu.memory_space<hbm>> -> memref<10000xf32, #tpu.memory_space<hbm>>
      %dma_start3A_75 = tpu.memref_slice %arg5[%mul3A_44] : memref<1280000xf32, #tpu.memory_space<hbm>> -> memref<10000xf32, #tpu.memory_space<hbm>>
      tpu.enqueue_dma source(%arg11 : memref<10000xf32, #tpu.memory_space<vmem>>) target(%dma_start3A_75 : memref<10000xf32, #tpu.memory_space<hbm>>) target_semaphore(%run_scoped3A : memref<!tpu.dma_semaphore, #tpu.memory_space<semaphore_mem>>)
      %dma_wait3A = tpu.memref_slice %arg5[%mul3A_44] : memref<1280000xf32, #tpu.memory_space<hbm>> -> memref<10000xf32, #tpu.memory_space<hbm>>
      %dma_wait3A_76 = tpu.memref_slice %arg5[%mul3A_44] : memref<1280000xf32, #tpu.memory_space<hbm>> -> memref<10000xf32, #tpu.memory_space<hbm>>
      tpu.wait_dma2 semaphore(%run_scoped3A : memref<!tpu.dma_semaphore, #tpu.memory_space<semaphore_mem>>) src(%arg11 : memref<10000xf32, #tpu.memory_space<vmem>>) dst(%dma_wait3A_76 : memref<10000xf32, #tpu.memory_space<hbm>>)
      tpu.yield
    }) : () -> ()
    %mul3A_45 = arith.constant 64 : i32
    %mul3A_46 = arith.muli %arg0, %mul3A_45 : i32
    %mul3A_47 = arith.constant 4 : i32
    %mul3A_48 = arith.muli %mul3A_47, %arg1 : i32
    %add3A_49 = arith.addi %mul3A_46, %mul3A_48 : i32
    %add3A_50 = arith.constant 1 : i32
    %add3A_51 = arith.addi %add3A_49, %add3A_50 : i32
    %mul3A_52 = arith.constant 10000 : i32
    %mul3A_53 = arith.muli %add3A_51, %mul3A_52 : i32
    "tpu.region"() ({
      %run_scoped3A = tpu.sem_alloc : memref<!tpu.dma_semaphore, #tpu.memory_space<semaphore_mem>>
      %dma_start3A_74 = tpu.memref_slice %arg5[%mul3A_53] : memref<1280000xf32, #tpu.memory_space<hbm>> -> memref<10000xf32, #tpu.memory_space<hbm>>
      %dma_start3A_75 = tpu.memref_slice %arg5[%mul3A_53] : memref<1280000xf32, #tpu.memory_space<hbm>> -> memref<10000xf32, #tpu.memory_space<hbm>>
      tpu.enqueue_dma source(%arg12 : memref<10000xf32, #tpu.memory_space<vmem>>) target(%dma_start3A_75 : memref<10000xf32, #tpu.memory_space<hbm>>) target_semaphore(%run_scoped3A : memref<!tpu.dma_semaphore, #tpu.memory_space<semaphore_mem>>)
      %dma_wait3A = tpu.memref_slice %arg5[%mul3A_53] : memref<1280000xf32, #tpu.memory_space<hbm>> -> memref<10000xf32, #tpu.memory_space<hbm>>
      %dma_wait3A_76 = tpu.memref_slice %arg5[%mul3A_53] : memref<1280000xf32, #tpu.memory_space<hbm>> -> memref<10000xf32, #tpu.memory_space<hbm>>
      tpu.wait_dma2 semaphore(%run_scoped3A : memref<!tpu.dma_semaphore, #tpu.memory_space<semaphore_mem>>) src(%arg12 : memref<10000xf32, #tpu.memory_space<vmem>>) dst(%dma_wait3A_76 : memref<10000xf32, #tpu.memory_space<hbm>>)
      tpu.yield
    }) : () -> ()
    %mul3A_54 = arith.constant 64 : i32
    %mul3A_55 = arith.muli %arg0, %mul3A_54 : i32
    %mul3A_56 = arith.constant 4 : i32
    %mul3A_57 = arith.muli %mul3A_56, %arg1 : i32
    %add3A_58 = arith.addi %mul3A_55, %mul3A_57 : i32
    %add3A_59 = arith.constant 2 : i32
    %add3A_60 = arith.addi %add3A_58, %add3A_59 : i32
    %mul3A_61 = arith.constant 10000 : i32
    %mul3A_62 = arith.muli %add3A_60, %mul3A_61 : i32
    "tpu.region"() ({
      %run_scoped3A = tpu.sem_alloc : memref<!tpu.dma_semaphore, #tpu.memory_space<semaphore_mem>>
      %dma_start3A_74 = tpu.memref_slice %arg5[%mul3A_62] : memref<1280000xf32, #tpu.memory_space<hbm>> -> memref<10000xf32, #tpu.memory_space<hbm>>
      %dma_start3A_75 = tpu.memref_slice %arg5[%mul3A_62] : memref<1280000xf32, #tpu.memory_space<hbm>> -> memref<10000xf32, #tpu.memory_space<hbm>>
      tpu.enqueue_dma source(%arg13 : memref<10000xf32, #tpu.memory_space<vmem>>) target(%dma_start3A_75 : memref<10000xf32, #tpu.memory_space<hbm>>) target_semaphore(%run_scoped3A : memref<!tpu.dma_semaphore, #tpu.memory_space<semaphore_mem>>)
      %dma_wait3A = tpu.memref_slice %arg5[%mul3A_62] : memref<1280000xf32, #tpu.memory_space<hbm>> -> memref<10000xf32, #tpu.memory_space<hbm>>
      %dma_wait3A_76 = tpu.memref_slice %arg5[%mul3A_62] : memref<1280000xf32, #tpu.memory_space<hbm>> -> memref<10000xf32, #tpu.memory_space<hbm>>
      tpu.wait_dma2 semaphore(%run_scoped3A : memref<!tpu.dma_semaphore, #tpu.memory_space<semaphore_mem>>) src(%arg13 : memref<10000xf32, #tpu.memory_space<vmem>>) dst(%dma_wait3A_76 : memref<10000xf32, #tpu.memory_space<hbm>>)
      tpu.yield
    }) : () -> ()
    %mul3A_63 = arith.constant 64 : i32
    %mul3A_64 = arith.muli %arg0, %mul3A_63 : i32
    %mul3A_65 = arith.constant 4 : i32
    %mul3A_66 = arith.muli %mul3A_65, %arg1 : i32
    %add3A_67 = arith.addi %mul3A_64, %mul3A_66 : i32
    %add3A_68 = arith.constant 3 : i32
    %add3A_69 = arith.addi %add3A_67, %add3A_68 : i32
    %mul3A_70 = arith.constant 10000 : i32
    %mul3A_71 = arith.muli %add3A_69, %mul3A_70 : i32
    "tpu.region"() ({
      %run_scoped3A = tpu.sem_alloc : memref<!tpu.dma_semaphore, #tpu.memory_space<semaphore_mem>>
      %dma_start3A_74 = tpu.memref_slice %arg5[%mul3A_71] : memref<1280000xf32, #tpu.memory_space<hbm>> -> memref<10000xf32, #tpu.memory_space<hbm>>
      %dma_start3A_75 = tpu.memref_slice %arg5[%mul3A_71] : memref<1280000xf32, #tpu.memory_space<hbm>> -> memref<10000xf32, #tpu.memory_space<hbm>>
      tpu.enqueue_dma source(%arg14 : memref<10000xf32, #tpu.memory_space<vmem>>) target(%dma_start3A_75 : memref<10000xf32, #tpu.memory_space<hbm>>) target_semaphore(%run_scoped3A : memref<!tpu.dma_semaphore, #tpu.memory_space<semaphore_mem>>)
      %dma_wait3A = tpu.memref_slice %arg5[%mul3A_71] : memref<1280000xf32, #tpu.memory_space<hbm>> -> memref<10000xf32, #tpu.memory_space<hbm>>
      %dma_wait3A_76 = tpu.memref_slice %arg5[%mul3A_71] : memref<1280000xf32, #tpu.memory_space<hbm>> -> memref<10000xf32, #tpu.memory_space<hbm>>
      tpu.wait_dma2 semaphore(%run_scoped3A : memref<!tpu.dma_semaphore, #tpu.memory_space<semaphore_mem>>) src(%arg14 : memref<10000xf32, #tpu.memory_space<vmem>>) dst(%dma_wait3A_76 : memref<10000xf32, #tpu.memory_space<hbm>>)
      tpu.yield
    }) : () -> ()
    %ge3A = arith.constant 14 : i32
    %ge3A_72 = arith.cmpi sge, %arg1, %ge3A : i32
    %convert_element_type3A = arith.extui %ge3A_72 : i1 to i32
    %cond3A = arith.constant 0 : i32
    %cond3A_73 = arith.cmpi ne, %convert_element_type3A, %cond3A : i32
    scf.if %cond3A_73 {
      %mul3A_74 = arith.constant 2 : i32
      %mul3A_75 = arith.muli %arg0, %mul3A_74 : i32
      %sub3A = arith.constant 14 : i32
      %sub3A_76 = arith.subi %arg1, %sub3A : i32
      %add3A_77 = arith.addi %mul3A_75, %sub3A_76 : i32
      %mul3A_78 = arith.constant 10000 : i32
      %mul3A_79 = arith.muli %add3A_77, %mul3A_78 : i32
      "tpu.region"() ({
        %run_scoped3A = tpu.sem_alloc : memref<!tpu.dma_semaphore, #tpu.memory_space<semaphore_mem>>
        %dma_start3A_80 = tpu.memref_slice %arg6[%mul3A_79] : memref<40000xf32, #tpu.memory_space<hbm>> -> memref<10000xf32, #tpu.memory_space<hbm>>
        %dma_start3A_81 = tpu.memref_slice %arg6[%mul3A_79] : memref<40000xf32, #tpu.memory_space<hbm>> -> memref<10000xf32, #tpu.memory_space<hbm>>
        tpu.enqueue_dma source(%arg23 : memref<10000xf32, #tpu.memory_space<vmem>>) target(%dma_start3A_81 : memref<10000xf32, #tpu.memory_space<hbm>>) target_semaphore(%run_scoped3A : memref<!tpu.dma_semaphore, #tpu.memory_space<semaphore_mem>>)
        %dma_wait3A = tpu.memref_slice %arg6[%mul3A_79] : memref<40000xf32, #tpu.memory_space<hbm>> -> memref<10000xf32, #tpu.memory_space<hbm>>
        %dma_wait3A_82 = tpu.memref_slice %arg6[%mul3A_79] : memref<40000xf32, #tpu.memory_space<hbm>> -> memref<10000xf32, #tpu.memory_space<hbm>>
        tpu.wait_dma2 semaphore(%run_scoped3A : memref<!tpu.dma_semaphore, #tpu.memory_space<semaphore_mem>>) src(%arg23 : memref<10000xf32, #tpu.memory_space<vmem>>) dst(%dma_wait3A_82 : memref<10000xf32, #tpu.memory_space<hbm>>)
        tpu.yield
      }) : () -> ()
    } else {
    }
    return
  }
}

#map = affine_map<(d0, d1) -> (0)>
module attributes {stable_mosaic.version = 14 : i64} {
  func.func @body(%arg0: i32, %arg1: i32, %arg2: memref<640000xf32, #tpu.memory_space<hbm>>, %arg3: memref<320000xi32, #tpu.memory_space<hbm>>, %arg4: memref<320000xi32, #tpu.memory_space<hbm>>, %arg5: memref<1280000xf32, #tpu.memory_space<hbm>>, %arg6: memref<10000xf32, #tpu.memory_space<vmem>>, %arg7: memref<10000xf32, #tpu.memory_space<vmem>>, %arg8: memref<10000xf32, #tpu.memory_space<vmem>>, %arg9: memref<10000xf32, #tpu.memory_space<vmem>>, %arg10: memref<10000xf32, #tpu.memory_space<vmem>>, %arg11: memref<10000xf32, #tpu.memory_space<vmem>>, %arg12: memref<10000xf32, #tpu.memory_space<vmem>>, %arg13: memref<10000xf32, #tpu.memory_space<vmem>>, %arg14: memref<8000xi32, #tpu.memory_space<vmem>>, %arg15: memref<8000xi32, #tpu.memory_space<vmem>>, %arg16: memref<8000xi32, #tpu.memory_space<vmem>>, %arg17: memref<8000xi32, #tpu.memory_space<vmem>>, %arg18: memref<!tpu.dma_semaphore, #tpu.memory_space<semaphore_mem>>, %arg19: memref<!tpu.dma_semaphore, #tpu.memory_space<semaphore_mem>>, %arg20: memref<!tpu.dma_semaphore, #tpu.memory_space<semaphore_mem>>, %arg21: memref<!tpu.dma_semaphore, #tpu.memory_space<semaphore_mem>>) attributes {dimension_semantics = [#tpu.dimension_semantics<core_parallel>, #tpu.dimension_semantics<subcore_parallel>], iteration_bounds = array<i64: 2, 16>, scalar_prefetch = 0 : i64, scratch_operands = 16 : i64, tpu.core_type = #tpu.core_type<sc_vector_subcore>, window_params = [{transform_indices = #map}, {transform_indices = #map}, {transform_indices = #map}, {transform_indices = #map}]} {
    %mul3A = arith.constant 4 : i32
    %mul3A_0 = arith.muli %mul3A, %arg1 : i32
    %add3A = arith.constant 0 : i32
    %add3A_1 = arith.addi %mul3A_0, %add3A : i32
    %mul3A_2 = arith.constant 10000 : i32
    %mul3A_3 = arith.muli %add3A_1, %mul3A_2 : i32
    "tpu.region"() ({
      %run_scoped3A = tpu.sem_alloc : memref<!tpu.dma_semaphore, #tpu.memory_space<semaphore_mem>>
      %dma_start3A_72 = tpu.memref_slice %arg2[%mul3A_3] : memref<640000xf32, #tpu.memory_space<hbm>> -> memref<10000xf32, #tpu.memory_space<hbm>>
      %dma_start3A_73 = tpu.memref_slice %arg2[%mul3A_3] : memref<640000xf32, #tpu.memory_space<hbm>> -> memref<10000xf32, #tpu.memory_space<hbm>>
      tpu.enqueue_dma source(%dma_start3A_73 : memref<10000xf32, #tpu.memory_space<hbm>>) target(%arg6 : memref<10000xf32, #tpu.memory_space<vmem>>) target_semaphore(%run_scoped3A : memref<!tpu.dma_semaphore, #tpu.memory_space<semaphore_mem>>)
      %dma_wait3A = tpu.memref_slice %arg2[%mul3A_3] : memref<640000xf32, #tpu.memory_space<hbm>> -> memref<10000xf32, #tpu.memory_space<hbm>>
      %dma_wait3A_74 = tpu.memref_slice %arg2[%mul3A_3] : memref<640000xf32, #tpu.memory_space<hbm>> -> memref<10000xf32, #tpu.memory_space<hbm>>
      tpu.wait_dma2 semaphore(%run_scoped3A : memref<!tpu.dma_semaphore, #tpu.memory_space<semaphore_mem>>) src(%dma_wait3A_74 : memref<10000xf32, #tpu.memory_space<hbm>>) dst(%arg6 : memref<10000xf32, #tpu.memory_space<vmem>>)
      tpu.yield
    }) : () -> ()
    %mul3A_4 = arith.constant 4 : i32
    %mul3A_5 = arith.muli %mul3A_4, %arg1 : i32
    %add3A_6 = arith.constant 1 : i32
    %add3A_7 = arith.addi %mul3A_5, %add3A_6 : i32
    %mul3A_8 = arith.constant 10000 : i32
    %mul3A_9 = arith.muli %add3A_7, %mul3A_8 : i32
    "tpu.region"() ({
      %run_scoped3A = tpu.sem_alloc : memref<!tpu.dma_semaphore, #tpu.memory_space<semaphore_mem>>
      %dma_start3A_72 = tpu.memref_slice %arg2[%mul3A_9] : memref<640000xf32, #tpu.memory_space<hbm>> -> memref<10000xf32, #tpu.memory_space<hbm>>
      %dma_start3A_73 = tpu.memref_slice %arg2[%mul3A_9] : memref<640000xf32, #tpu.memory_space<hbm>> -> memref<10000xf32, #tpu.memory_space<hbm>>
      tpu.enqueue_dma source(%dma_start3A_73 : memref<10000xf32, #tpu.memory_space<hbm>>) target(%arg7 : memref<10000xf32, #tpu.memory_space<vmem>>) target_semaphore(%run_scoped3A : memref<!tpu.dma_semaphore, #tpu.memory_space<semaphore_mem>>)
      %dma_wait3A = tpu.memref_slice %arg2[%mul3A_9] : memref<640000xf32, #tpu.memory_space<hbm>> -> memref<10000xf32, #tpu.memory_space<hbm>>
      %dma_wait3A_74 = tpu.memref_slice %arg2[%mul3A_9] : memref<640000xf32, #tpu.memory_space<hbm>> -> memref<10000xf32, #tpu.memory_space<hbm>>
      tpu.wait_dma2 semaphore(%run_scoped3A : memref<!tpu.dma_semaphore, #tpu.memory_space<semaphore_mem>>) src(%dma_wait3A_74 : memref<10000xf32, #tpu.memory_space<hbm>>) dst(%arg7 : memref<10000xf32, #tpu.memory_space<vmem>>)
      tpu.yield
    }) : () -> ()
    %mul3A_10 = arith.constant 4 : i32
    %mul3A_11 = arith.muli %mul3A_10, %arg1 : i32
    %add3A_12 = arith.constant 2 : i32
    %add3A_13 = arith.addi %mul3A_11, %add3A_12 : i32
    %mul3A_14 = arith.constant 10000 : i32
    %mul3A_15 = arith.muli %add3A_13, %mul3A_14 : i32
    "tpu.region"() ({
      %run_scoped3A = tpu.sem_alloc : memref<!tpu.dma_semaphore, #tpu.memory_space<semaphore_mem>>
      %dma_start3A_72 = tpu.memref_slice %arg2[%mul3A_15] : memref<640000xf32, #tpu.memory_space<hbm>> -> memref<10000xf32, #tpu.memory_space<hbm>>
      %dma_start3A_73 = tpu.memref_slice %arg2[%mul3A_15] : memref<640000xf32, #tpu.memory_space<hbm>> -> memref<10000xf32, #tpu.memory_space<hbm>>
      tpu.enqueue_dma source(%dma_start3A_73 : memref<10000xf32, #tpu.memory_space<hbm>>) target(%arg8 : memref<10000xf32, #tpu.memory_space<vmem>>) target_semaphore(%run_scoped3A : memref<!tpu.dma_semaphore, #tpu.memory_space<semaphore_mem>>)
      %dma_wait3A = tpu.memref_slice %arg2[%mul3A_15] : memref<640000xf32, #tpu.memory_space<hbm>> -> memref<10000xf32, #tpu.memory_space<hbm>>
      %dma_wait3A_74 = tpu.memref_slice %arg2[%mul3A_15] : memref<640000xf32, #tpu.memory_space<hbm>> -> memref<10000xf32, #tpu.memory_space<hbm>>
      tpu.wait_dma2 semaphore(%run_scoped3A : memref<!tpu.dma_semaphore, #tpu.memory_space<semaphore_mem>>) src(%dma_wait3A_74 : memref<10000xf32, #tpu.memory_space<hbm>>) dst(%arg8 : memref<10000xf32, #tpu.memory_space<vmem>>)
      tpu.yield
    }) : () -> ()
    %mul3A_16 = arith.constant 4 : i32
    %mul3A_17 = arith.muli %mul3A_16, %arg1 : i32
    %add3A_18 = arith.constant 3 : i32
    %add3A_19 = arith.addi %mul3A_17, %add3A_18 : i32
    %mul3A_20 = arith.constant 10000 : i32
    %mul3A_21 = arith.muli %add3A_19, %mul3A_20 : i32
    "tpu.region"() ({
      %run_scoped3A = tpu.sem_alloc : memref<!tpu.dma_semaphore, #tpu.memory_space<semaphore_mem>>
      %dma_start3A_72 = tpu.memref_slice %arg2[%mul3A_21] : memref<640000xf32, #tpu.memory_space<hbm>> -> memref<10000xf32, #tpu.memory_space<hbm>>
      %dma_start3A_73 = tpu.memref_slice %arg2[%mul3A_21] : memref<640000xf32, #tpu.memory_space<hbm>> -> memref<10000xf32, #tpu.memory_space<hbm>>
      tpu.enqueue_dma source(%dma_start3A_73 : memref<10000xf32, #tpu.memory_space<hbm>>) target(%arg9 : memref<10000xf32, #tpu.memory_space<vmem>>) target_semaphore(%run_scoped3A : memref<!tpu.dma_semaphore, #tpu.memory_space<semaphore_mem>>)
      %dma_wait3A = tpu.memref_slice %arg2[%mul3A_21] : memref<640000xf32, #tpu.memory_space<hbm>> -> memref<10000xf32, #tpu.memory_space<hbm>>
      %dma_wait3A_74 = tpu.memref_slice %arg2[%mul3A_21] : memref<640000xf32, #tpu.memory_space<hbm>> -> memref<10000xf32, #tpu.memory_space<hbm>>
      tpu.wait_dma2 semaphore(%run_scoped3A : memref<!tpu.dma_semaphore, #tpu.memory_space<semaphore_mem>>) src(%dma_wait3A_74 : memref<10000xf32, #tpu.memory_space<hbm>>) dst(%arg9 : memref<10000xf32, #tpu.memory_space<vmem>>)
      tpu.yield
    }) : () -> ()
    %parallel_loop3A = arith.constant 0 : i32
    %parallel_loop3A_22 = arith.constant 625 : i32
    %parallel_loop3A_23 = arith.constant 1 : i32
    scf.for %parallel_loop3A_72 = %parallel_loop3A to %parallel_loop3A_22 step %parallel_loop3A_23  : i32 {
      %parallel_loop3A_73 = arith.constant 0.000000e+00 : f32
      %parallel_loop3A_74 = vector.broadcast %parallel_loop3A_73 : f32 to vector<16xf32>
      %parallel_loop3A_75 = arith.constant 16 : i32
      %parallel_loop3A_76 = arith.muli %parallel_loop3A_72, %parallel_loop3A_75 : i32
      %parallel_loop3A_77 = arith.index_cast %parallel_loop3A_76 : i32 to index
      %parallel_loop3A_78 = tpu.vector_load %arg10[%parallel_loop3A_77] {strides = array<i32>} : memref<10000xf32, #tpu.memory_space<vmem>>, vector<16xf32>,
      tpu.vector_store %arg10[%parallel_loop3A_77], %parallel_loop3A_74 {strides = array<i32>} : memref<10000xf32, #tpu.memory_space<vmem>>, vector<16xf32>,
      %parallel_loop3A_79 = arith.constant 16 : i32
      %parallel_loop3A_80 = arith.muli %parallel_loop3A_72, %parallel_loop3A_79 : i32
      %parallel_loop3A_81 = arith.index_cast %parallel_loop3A_80 : i32 to index
      %parallel_loop3A_82 = tpu.vector_load %arg11[%parallel_loop3A_81] {strides = array<i32>} : memref<10000xf32, #tpu.memory_space<vmem>>, vector<16xf32>,
      tpu.vector_store %arg11[%parallel_loop3A_81], %parallel_loop3A_74 {strides = array<i32>} : memref<10000xf32, #tpu.memory_space<vmem>>, vector<16xf32>,
      %parallel_loop3A_83 = arith.constant 16 : i32
      %parallel_loop3A_84 = arith.muli %parallel_loop3A_72, %parallel_loop3A_83 : i32
      %parallel_loop3A_85 = arith.index_cast %parallel_loop3A_84 : i32 to index
      %parallel_loop3A_86 = tpu.vector_load %arg12[%parallel_loop3A_85] {strides = array<i32>} : memref<10000xf32, #tpu.memory_space<vmem>>, vector<16xf32>,
      tpu.vector_store %arg12[%parallel_loop3A_85], %parallel_loop3A_74 {strides = array<i32>} : memref<10000xf32, #tpu.memory_space<vmem>>, vector<16xf32>,
      %parallel_loop3A_87 = arith.constant 16 : i32
      %parallel_loop3A_88 = arith.muli %parallel_loop3A_72, %parallel_loop3A_87 : i32
      %parallel_loop3A_89 = arith.index_cast %parallel_loop3A_88 : i32 to index
      %parallel_loop3A_90 = tpu.vector_load %arg13[%parallel_loop3A_89] {strides = array<i32>} : memref<10000xf32, #tpu.memory_space<vmem>>, vector<16xf32>,
      tpu.vector_store %arg13[%parallel_loop3A_89], %parallel_loop3A_74 {strides = array<i32>} : memref<10000xf32, #tpu.memory_space<vmem>>, vector<16xf32>,
    } {sc.loop_unroll_factor = 4 : i64, sc.parallel_access}
    %mul3A_24 = arith.constant 160000 : i32
    %mul3A_25 = arith.muli %arg0, %mul3A_24 : i32
    %add3A_26 = arith.constant 0 : i32
    %add3A_27 = arith.addi %mul3A_25, %add3A_26 : i32
    %dma_start3A = tpu.memref_slice %arg3[%add3A_27] : memref<320000xi32, #tpu.memory_space<hbm>> -> memref<8000xi32, #tpu.memory_space<hbm>>
    %dma_start3A_28 = tpu.memref_slice %arg3[%add3A_27] : memref<320000xi32, #tpu.memory_space<hbm>> -> memref<8000xi32, #tpu.memory_space<hbm>>
    tpu.enqueue_dma source(%dma_start3A_28 : memref<8000xi32, #tpu.memory_space<hbm>>) target(%arg14 : memref<8000xi32, #tpu.memory_space<vmem>>) target_semaphore(%arg18 : memref<!tpu.dma_semaphore, #tpu.memory_space<semaphore_mem>>)
    %dma_start3A_29 = tpu.memref_slice %arg4[%add3A_27] : memref<320000xi32, #tpu.memory_space<hbm>> -> memref<8000xi32, #tpu.memory_space<hbm>>
    %dma_start3A_30 = tpu.memref_slice %arg4[%add3A_27] : memref<320000xi32, #tpu.memory_space<hbm>> -> memref<8000xi32, #tpu.memory_space<hbm>>
    tpu.enqueue_dma source(%dma_start3A_30 : memref<8000xi32, #tpu.memory_space<hbm>>) target(%arg15 : memref<8000xi32, #tpu.memory_space<vmem>>) target_semaphore(%arg19 : memref<!tpu.dma_semaphore, #tpu.memory_space<semaphore_mem>>)
    %scan3A = arith.constant 0 : i32
    %scan3A_31 = arith.constant 0 : i32
    %scan3A_32 = arith.constant 10 : i32
    %scan3A_33 = arith.addi %scan3A_31, %scan3A_32 : i32
    %scan3A_34 = arith.constant 1 : i32
    scf.for %scan3A_72 = %scan3A_31 to %scan3A_33 step %scan3A_34  : i32 {
      %mul3A_73 = arith.constant 2 : i32
      %mul3A_74 = arith.muli %scan3A_72, %mul3A_73 : i32
      %add3A_75 = arith.constant 1 : i32
      %add3A_76 = arith.addi %mul3A_74, %add3A_75 : i32
      %mul3A_77 = arith.constant 8000 : i32
      %mul3A_78 = arith.muli %add3A_76, %mul3A_77 : i32
      %add3A_79 = arith.addi %mul3A_25, %mul3A_78 : i32
      %dma_start3A_80 = tpu.memref_slice %arg3[%add3A_79] : memref<320000xi32, #tpu.memory_space<hbm>> -> memref<8000xi32, #tpu.memory_space<hbm>>
      %dma_start3A_81 = tpu.memref_slice %arg3[%add3A_79] : memref<320000xi32, #tpu.memory_space<hbm>> -> memref<8000xi32, #tpu.memory_space<hbm>>
      tpu.enqueue_dma source(%dma_start3A_81 : memref<8000xi32, #tpu.memory_space<hbm>>) target(%arg16 : memref<8000xi32, #tpu.memory_space<vmem>>) target_semaphore(%arg20 : memref<!tpu.dma_semaphore, #tpu.memory_space<semaphore_mem>>)
      %dma_start3A_82 = tpu.memref_slice %arg4[%add3A_79] : memref<320000xi32, #tpu.memory_space<hbm>> -> memref<8000xi32, #tpu.memory_space<hbm>>
      %dma_start3A_83 = tpu.memref_slice %arg4[%add3A_79] : memref<320000xi32, #tpu.memory_space<hbm>> -> memref<8000xi32, #tpu.memory_space<hbm>>
      tpu.enqueue_dma source(%dma_start3A_83 : memref<8000xi32, #tpu.memory_space<hbm>>) target(%arg17 : memref<8000xi32, #tpu.memory_space<vmem>>) target_semaphore(%arg21 : memref<!tpu.dma_semaphore, #tpu.memory_space<semaphore_mem>>)
      %dma_wait3A = arith.constant 0 : i32
      %dma_wait3A_84 = tpu.memref_slice %arg3[%dma_wait3A] : memref<320000xi32, #tpu.memory_space<hbm>> -> memref<8000xi32, #tpu.memory_space<hbm>>
      %dma_wait3A_85 = arith.constant 0 : i32
      %dma_wait3A_86 = tpu.memref_slice %arg3[%dma_wait3A_85] : memref<320000xi32, #tpu.memory_space<hbm>> -> memref<8000xi32, #tpu.memory_space<hbm>>
      tpu.wait_dma2 semaphore(%arg18 : memref<!tpu.dma_semaphore, #tpu.memory_space<semaphore_mem>>) src(%dma_wait3A_86 : memref<8000xi32, #tpu.memory_space<hbm>>) dst(%arg14 : memref<8000xi32, #tpu.memory_space<vmem>>)
      %dma_wait3A_87 = arith.constant 0 : i32
      %dma_wait3A_88 = tpu.memref_slice %arg4[%dma_wait3A_87] : memref<320000xi32, #tpu.memory_space<hbm>> -> memref<8000xi32, #tpu.memory_space<hbm>>
      %dma_wait3A_89 = arith.constant 0 : i32
      %dma_wait3A_90 = tpu.memref_slice %arg4[%dma_wait3A_89] : memref<320000xi32, #tpu.memory_space<hbm>> -> memref<8000xi32, #tpu.memory_space<hbm>>
      tpu.wait_dma2 semaphore(%arg19 : memref<!tpu.dma_semaphore, #tpu.memory_space<semaphore_mem>>) src(%dma_wait3A_90 : memref<8000xi32, #tpu.memory_space<hbm>>) dst(%arg15 : memref<8000xi32, #tpu.memory_space<vmem>>)
      %parallel_loop3A_91 = arith.constant 0 : i32
      %parallel_loop3A_92 = arith.constant 500 : i32
      %parallel_loop3A_93 = arith.constant 1 : i32
      scf.for %parallel_loop3A_111 = %parallel_loop3A_91 to %parallel_loop3A_92 step %parallel_loop3A_93  : i32 {
        %parallel_loop3A_112 = arith.constant 16 : i32
        %parallel_loop3A_113 = arith.muli %parallel_loop3A_111, %parallel_loop3A_112 : i32
        %parallel_loop3A_114 = arith.index_cast %parallel_loop3A_113 : i32 to index
        %parallel_loop3A_115 = tpu.vector_load %arg14[%parallel_loop3A_114] {strides = array<i32>} : memref<8000xi32, #tpu.memory_space<vmem>>, vector<16xi32>,
        %parallel_loop3A_116 = arith.constant 16 : i32
        %parallel_loop3A_117 = arith.muli %parallel_loop3A_111, %parallel_loop3A_116 : i32
        %parallel_loop3A_118 = arith.index_cast %parallel_loop3A_117 : i32 to index
        %parallel_loop3A_119 = tpu.vector_load %arg15[%parallel_loop3A_118] {strides = array<i32>} : memref<8000xi32, #tpu.memory_space<vmem>>, vector<16xi32>,
        %parallel_loop3A_120 = tpu.vector_load_idx %arg6[%parallel_loop3A_115] : memref<10000xf32, #tpu.memory_space<vmem>>[vector<16xi32>], vector<16xf32>,
        tpu.vector_store_idx %arg10[%parallel_loop3A_119], %parallel_loop3A_120 {add = true} : memref<10000xf32, #tpu.memory_space<vmem>>[vector<16xi32>], vector<16xf32>,
        %parallel_loop3A_121 = tpu.vector_load_idx %arg7[%parallel_loop3A_115] : memref<10000xf32, #tpu.memory_space<vmem>>[vector<16xi32>], vector<16xf32>,
        tpu.vector_store_idx %arg11[%parallel_loop3A_119], %parallel_loop3A_121 {add = true} : memref<10000xf32, #tpu.memory_space<vmem>>[vector<16xi32>], vector<16xf32>,
        %parallel_loop3A_122 = tpu.vector_load_idx %arg8[%parallel_loop3A_115] : memref<10000xf32, #tpu.memory_space<vmem>>[vector<16xi32>], vector<16xf32>,
        tpu.vector_store_idx %arg12[%parallel_loop3A_119], %parallel_loop3A_122 {add = true} : memref<10000xf32, #tpu.memory_space<vmem>>[vector<16xi32>], vector<16xf32>,
        %parallel_loop3A_123 = tpu.vector_load_idx %arg9[%parallel_loop3A_115] : memref<10000xf32, #tpu.memory_space<vmem>>[vector<16xi32>], vector<16xf32>,
        tpu.vector_store_idx %arg13[%parallel_loop3A_119], %parallel_loop3A_123 {add = true} : memref<10000xf32, #tpu.memory_space<vmem>>[vector<16xi32>], vector<16xf32>,
      } {sc.loop_unroll_factor = 10 : i64, sc.parallel_access}
      %add3A_94 = arith.constant 2 : i32
      %add3A_95 = arith.addi %mul3A_74, %add3A_94 : i32
      %lt3A = arith.constant 20 : i32
      %lt3A_96 = arith.cmpi slt, %add3A_95, %lt3A : i32
      %convert_element_type3A = arith.extui %lt3A_96 : i1 to i32
      %cond3A = arith.constant 0 : i32
      %cond3A_97 = arith.cmpi ne, %convert_element_type3A, %cond3A : i32
      scf.if %cond3A_97 {
        %add3A_111 = arith.constant 2 : i32
        %add3A_112 = arith.addi %mul3A_74, %add3A_111 : i32
        %mul3A_113 = arith.constant 8000 : i32
        %mul3A_114 = arith.muli %add3A_112, %mul3A_113 : i32
        %add3A_115 = arith.addi %mul3A_25, %mul3A_114 : i32
        %dma_start3A_116 = tpu.memref_slice %arg3[%add3A_115] : memref<320000xi32, #tpu.memory_space<hbm>> -> memref<8000xi32, #tpu.memory_space<hbm>>
        %dma_start3A_117 = tpu.memref_slice %arg3[%add3A_115] : memref<320000xi32, #tpu.memory_space<hbm>> -> memref<8000xi32, #tpu.memory_space<hbm>>
        tpu.enqueue_dma source(%dma_start3A_117 : memref<8000xi32, #tpu.memory_space<hbm>>) target(%arg14 : memref<8000xi32, #tpu.memory_space<vmem>>) target_semaphore(%arg18 : memref<!tpu.dma_semaphore, #tpu.memory_space<semaphore_mem>>)
        %dma_start3A_118 = tpu.memref_slice %arg4[%add3A_115] : memref<320000xi32, #tpu.memory_space<hbm>> -> memref<8000xi32, #tpu.memory_space<hbm>>
        %dma_start3A_119 = tpu.memref_slice %arg4[%add3A_115] : memref<320000xi32, #tpu.memory_space<hbm>> -> memref<8000xi32, #tpu.memory_space<hbm>>
        tpu.enqueue_dma source(%dma_start3A_119 : memref<8000xi32, #tpu.memory_space<hbm>>) target(%arg15 : memref<8000xi32, #tpu.memory_space<vmem>>) target_semaphore(%arg19 : memref<!tpu.dma_semaphore, #tpu.memory_space<semaphore_mem>>)
      } else {
      }
      %dma_wait3A_98 = arith.constant 0 : i32
      %dma_wait3A_99 = tpu.memref_slice %arg3[%dma_wait3A_98] : memref<320000xi32, #tpu.memory_space<hbm>> -> memref<8000xi32, #tpu.memory_space<hbm>>
      %dma_wait3A_100 = arith.constant 0 : i32
      %dma_wait3A_101 = tpu.memref_slice %arg3[%dma_wait3A_100] : memref<320000xi32, #tpu.memory_space<hbm>> -> memref<8000xi32, #tpu.memory_space<hbm>>
      tpu.wait_dma2 semaphore(%arg20 : memref<!tpu.dma_semaphore, #tpu.memory_space<semaphore_mem>>) src(%dma_wait3A_101 : memref<8000xi32, #tpu.memory_space<hbm>>) dst(%arg16 : memref<8000xi32, #tpu.memory_space<vmem>>)
      %dma_wait3A_102 = arith.constant 0 : i32
      %dma_wait3A_103 = tpu.memref_slice %arg4[%dma_wait3A_102] : memref<320000xi32, #tpu.memory_space<hbm>> -> memref<8000xi32, #tpu.memory_space<hbm>>
      %dma_wait3A_104 = arith.constant 0 : i32
      %dma_wait3A_105 = tpu.memref_slice %arg4[%dma_wait3A_104] : memref<320000xi32, #tpu.memory_space<hbm>> -> memref<8000xi32, #tpu.memory_space<hbm>>
      tpu.wait_dma2 semaphore(%arg21 : memref<!tpu.dma_semaphore, #tpu.memory_space<semaphore_mem>>) src(%dma_wait3A_105 : memref<8000xi32, #tpu.memory_space<hbm>>) dst(%arg17 : memref<8000xi32, #tpu.memory_space<vmem>>)
      %add3A_106 = arith.constant 1 : i32
      %add3A_107 = arith.addi %mul3A_74, %add3A_106 : i32
      %parallel_loop3A_108 = arith.constant 0 : i32
      %parallel_loop3A_109 = arith.constant 500 : i32
      %parallel_loop3A_110 = arith.constant 1 : i32
      scf.for %parallel_loop3A_111 = %parallel_loop3A_108 to %parallel_loop3A_109 step %parallel_loop3A_110  : i32 {
        %parallel_loop3A_112 = arith.constant 16 : i32
        %parallel_loop3A_113 = arith.muli %parallel_loop3A_111, %parallel_loop3A_112 : i32
        %parallel_loop3A_114 = arith.index_cast %parallel_loop3A_113 : i32 to index
        %parallel_loop3A_115 = tpu.vector_load %arg16[%parallel_loop3A_114] {strides = array<i32>} : memref<8000xi32, #tpu.memory_space<vmem>>, vector<16xi32>,
        %parallel_loop3A_116 = arith.constant 16 : i32
        %parallel_loop3A_117 = arith.muli %parallel_loop3A_111, %parallel_loop3A_116 : i32
        %parallel_loop3A_118 = arith.index_cast %parallel_loop3A_117 : i32 to index
        %parallel_loop3A_119 = tpu.vector_load %arg17[%parallel_loop3A_118] {strides = array<i32>} : memref<8000xi32, #tpu.memory_space<vmem>>, vector<16xi32>,
        %parallel_loop3A_120 = tpu.vector_load_idx %arg6[%parallel_loop3A_115] : memref<10000xf32, #tpu.memory_space<vmem>>[vector<16xi32>], vector<16xf32>,
        tpu.vector_store_idx %arg10[%parallel_loop3A_119], %parallel_loop3A_120 {add = true} : memref<10000xf32, #tpu.memory_space<vmem>>[vector<16xi32>], vector<16xf32>,
        %parallel_loop3A_121 = tpu.vector_load_idx %arg7[%parallel_loop3A_115] : memref<10000xf32, #tpu.memory_space<vmem>>[vector<16xi32>], vector<16xf32>,
        tpu.vector_store_idx %arg11[%parallel_loop3A_119], %parallel_loop3A_121 {add = true} : memref<10000xf32, #tpu.memory_space<vmem>>[vector<16xi32>], vector<16xf32>,
        %parallel_loop3A_122 = tpu.vector_load_idx %arg8[%parallel_loop3A_115] : memref<10000xf32, #tpu.memory_space<vmem>>[vector<16xi32>], vector<16xf32>,
        tpu.vector_store_idx %arg12[%parallel_loop3A_119], %parallel_loop3A_122 {add = true} : memref<10000xf32, #tpu.memory_space<vmem>>[vector<16xi32>], vector<16xf32>,
        %parallel_loop3A_123 = tpu.vector_load_idx %arg9[%parallel_loop3A_115] : memref<10000xf32, #tpu.memory_space<vmem>>[vector<16xi32>], vector<16xf32>,
        tpu.vector_store_idx %arg13[%parallel_loop3A_119], %parallel_loop3A_123 {add = true} : memref<10000xf32, #tpu.memory_space<vmem>>[vector<16xi32>], vector<16xf32>,
      } {sc.loop_unroll_factor = 10 : i64, sc.parallel_access}
    }
    %scan3A_35 = arith.constant 10 : i32
    %mul3A_36 = arith.constant 64 : i32
    %mul3A_37 = arith.muli %arg0, %mul3A_36 : i32
    %mul3A_38 = arith.constant 4 : i32
    %mul3A_39 = arith.muli %mul3A_38, %arg1 : i32
    %add3A_40 = arith.addi %mul3A_37, %mul3A_39 : i32
    %add3A_41 = arith.constant 0 : i32
    %add3A_42 = arith.addi %add3A_40, %add3A_41 : i32
    %mul3A_43 = arith.constant 10000 : i32
    %mul3A_44 = arith.muli %add3A_42, %mul3A_43 : i32
    "tpu.region"() ({
      %run_scoped3A = tpu.sem_alloc : memref<!tpu.dma_semaphore, #tpu.memory_space<semaphore_mem>>
      %dma_start3A_72 = tpu.memref_slice %arg5[%mul3A_44] : memref<1280000xf32, #tpu.memory_space<hbm>> -> memref<10000xf32, #tpu.memory_space<hbm>>
      %dma_start3A_73 = tpu.memref_slice %arg5[%mul3A_44] : memref<1280000xf32, #tpu.memory_space<hbm>> -> memref<10000xf32, #tpu.memory_space<hbm>>
      tpu.enqueue_dma source(%arg10 : memref<10000xf32, #tpu.memory_space<vmem>>) target(%dma_start3A_73 : memref<10000xf32, #tpu.memory_space<hbm>>) target_semaphore(%run_scoped3A : memref<!tpu.dma_semaphore, #tpu.memory_space<semaphore_mem>>)
      %dma_wait3A = tpu.memref_slice %arg5[%mul3A_44] : memref<1280000xf32, #tpu.memory_space<hbm>> -> memref<10000xf32, #tpu.memory_space<hbm>>
      %dma_wait3A_74 = tpu.memref_slice %arg5[%mul3A_44] : memref<1280000xf32, #tpu.memory_space<hbm>> -> memref<10000xf32, #tpu.memory_space<hbm>>
      tpu.wait_dma2 semaphore(%run_scoped3A : memref<!tpu.dma_semaphore, #tpu.memory_space<semaphore_mem>>) src(%arg10 : memref<10000xf32, #tpu.memory_space<vmem>>) dst(%dma_wait3A_74 : memref<10000xf32, #tpu.memory_space<hbm>>)
      tpu.yield
    }) : () -> ()
    %mul3A_45 = arith.constant 64 : i32
    %mul3A_46 = arith.muli %arg0, %mul3A_45 : i32
    %mul3A_47 = arith.constant 4 : i32
    %mul3A_48 = arith.muli %mul3A_47, %arg1 : i32
    %add3A_49 = arith.addi %mul3A_46, %mul3A_48 : i32
    %add3A_50 = arith.constant 1 : i32
    %add3A_51 = arith.addi %add3A_49, %add3A_50 : i32
    %mul3A_52 = arith.constant 10000 : i32
    %mul3A_53 = arith.muli %add3A_51, %mul3A_52 : i32
    "tpu.region"() ({
      %run_scoped3A = tpu.sem_alloc : memref<!tpu.dma_semaphore, #tpu.memory_space<semaphore_mem>>
      %dma_start3A_72 = tpu.memref_slice %arg5[%mul3A_53] : memref<1280000xf32, #tpu.memory_space<hbm>> -> memref<10000xf32, #tpu.memory_space<hbm>>
      %dma_start3A_73 = tpu.memref_slice %arg5[%mul3A_53] : memref<1280000xf32, #tpu.memory_space<hbm>> -> memref<10000xf32, #tpu.memory_space<hbm>>
      tpu.enqueue_dma source(%arg11 : memref<10000xf32, #tpu.memory_space<vmem>>) target(%dma_start3A_73 : memref<10000xf32, #tpu.memory_space<hbm>>) target_semaphore(%run_scoped3A : memref<!tpu.dma_semaphore, #tpu.memory_space<semaphore_mem>>)
      %dma_wait3A = tpu.memref_slice %arg5[%mul3A_53] : memref<1280000xf32, #tpu.memory_space<hbm>> -> memref<10000xf32, #tpu.memory_space<hbm>>
      %dma_wait3A_74 = tpu.memref_slice %arg5[%mul3A_53] : memref<1280000xf32, #tpu.memory_space<hbm>> -> memref<10000xf32, #tpu.memory_space<hbm>>
      tpu.wait_dma2 semaphore(%run_scoped3A : memref<!tpu.dma_semaphore, #tpu.memory_space<semaphore_mem>>) src(%arg11 : memref<10000xf32, #tpu.memory_space<vmem>>) dst(%dma_wait3A_74 : memref<10000xf32, #tpu.memory_space<hbm>>)
      tpu.yield
    }) : () -> ()
    %mul3A_54 = arith.constant 64 : i32
    %mul3A_55 = arith.muli %arg0, %mul3A_54 : i32
    %mul3A_56 = arith.constant 4 : i32
    %mul3A_57 = arith.muli %mul3A_56, %arg1 : i32
    %add3A_58 = arith.addi %mul3A_55, %mul3A_57 : i32
    %add3A_59 = arith.constant 2 : i32
    %add3A_60 = arith.addi %add3A_58, %add3A_59 : i32
    %mul3A_61 = arith.constant 10000 : i32
    %mul3A_62 = arith.muli %add3A_60, %mul3A_61 : i32
    "tpu.region"() ({
      %run_scoped3A = tpu.sem_alloc : memref<!tpu.dma_semaphore, #tpu.memory_space<semaphore_mem>>
      %dma_start3A_72 = tpu.memref_slice %arg5[%mul3A_62] : memref<1280000xf32, #tpu.memory_space<hbm>> -> memref<10000xf32, #tpu.memory_space<hbm>>
      %dma_start3A_73 = tpu.memref_slice %arg5[%mul3A_62] : memref<1280000xf32, #tpu.memory_space<hbm>> -> memref<10000xf32, #tpu.memory_space<hbm>>
      tpu.enqueue_dma source(%arg12 : memref<10000xf32, #tpu.memory_space<vmem>>) target(%dma_start3A_73 : memref<10000xf32, #tpu.memory_space<hbm>>) target_semaphore(%run_scoped3A : memref<!tpu.dma_semaphore, #tpu.memory_space<semaphore_mem>>)
      %dma_wait3A = tpu.memref_slice %arg5[%mul3A_62] : memref<1280000xf32, #tpu.memory_space<hbm>> -> memref<10000xf32, #tpu.memory_space<hbm>>
      %dma_wait3A_74 = tpu.memref_slice %arg5[%mul3A_62] : memref<1280000xf32, #tpu.memory_space<hbm>> -> memref<10000xf32, #tpu.memory_space<hbm>>
      tpu.wait_dma2 semaphore(%run_scoped3A : memref<!tpu.dma_semaphore, #tpu.memory_space<semaphore_mem>>) src(%arg12 : memref<10000xf32, #tpu.memory_space<vmem>>) dst(%dma_wait3A_74 : memref<10000xf32, #tpu.memory_space<hbm>>)
      tpu.yield
    }) : () -> ()
    %mul3A_63 = arith.constant 64 : i32
    %mul3A_64 = arith.muli %arg0, %mul3A_63 : i32
    %mul3A_65 = arith.constant 4 : i32
    %mul3A_66 = arith.muli %mul3A_65, %arg1 : i32
    %add3A_67 = arith.addi %mul3A_64, %mul3A_66 : i32
    %add3A_68 = arith.constant 3 : i32
    %add3A_69 = arith.addi %add3A_67, %add3A_68 : i32
    %mul3A_70 = arith.constant 10000 : i32
    %mul3A_71 = arith.muli %add3A_69, %mul3A_70 : i32
    "tpu.region"() ({
      %run_scoped3A = tpu.sem_alloc : memref<!tpu.dma_semaphore, #tpu.memory_space<semaphore_mem>>
      %dma_start3A_72 = tpu.memref_slice %arg5[%mul3A_71] : memref<1280000xf32, #tpu.memory_space<hbm>> -> memref<10000xf32, #tpu.memory_space<hbm>>
      %dma_start3A_73 = tpu.memref_slice %arg5[%mul3A_71] : memref<1280000xf32, #tpu.memory_space<hbm>> -> memref<10000xf32, #tpu.memory_space<hbm>>
      tpu.enqueue_dma source(%arg13 : memref<10000xf32, #tpu.memory_space<vmem>>) target(%dma_start3A_73 : memref<10000xf32, #tpu.memory_space<hbm>>) target_semaphore(%run_scoped3A : memref<!tpu.dma_semaphore, #tpu.memory_space<semaphore_mem>>)
      %dma_wait3A = tpu.memref_slice %arg5[%mul3A_71] : memref<1280000xf32, #tpu.memory_space<hbm>> -> memref<10000xf32, #tpu.memory_space<hbm>>
      %dma_wait3A_74 = tpu.memref_slice %arg5[%mul3A_71] : memref<1280000xf32, #tpu.memory_space<hbm>> -> memref<10000xf32, #tpu.memory_space<hbm>>
      tpu.wait_dma2 semaphore(%run_scoped3A : memref<!tpu.dma_semaphore, #tpu.memory_space<semaphore_mem>>) src(%arg13 : memref<10000xf32, #tpu.memory_space<vmem>>) dst(%dma_wait3A_74 : memref<10000xf32, #tpu.memory_space<hbm>>)
      tpu.yield
    }) : () -> ()
    return
  }
}

module attributes {stable_mosaic.version = 14 : i64} {
  func.func @_proj_body(%arg0: memref<10000x128xf32, #tpu.memory_space<vmem>>, %arg1: memref<64x128xf32, #tpu.memory_space<vmem>>, %arg2: memref<64x128xf32, #tpu.memory_space<vmem>>, %arg3: memref<64x10000xf32, #tpu.memory_space<vmem>>, %arg4: memref<64x10000xf32, #tpu.memory_space<vmem>>) attributes {dimension_semantics = [], scalar_prefetch = 0 : i64, scratch_operands = 0 : i64, tpu.core_type = #tpu.core_type<tc>} {
    %get3A = arith.constant 0 : index
    %get3A_0 = arith.constant 0 : index
    %get3A_1 = vector.load %arg0[%get3A, %get3A_0] : memref<10000x128xf32, #tpu.memory_space<vmem>>, vector<10000x128xf32>
    %get3A_2 = arith.constant 0 : index
    %get3A_3 = arith.constant 0 : index
    %get3A_4 = vector.load %arg1[%get3A_2, %get3A_3] : memref<64x128xf32, #tpu.memory_space<vmem>>, vector<64x128xf32>
    %dot_general3A = arith.constant dense<0.000000e+00> : vector<64x10000xf32>
    %dot_general3A_5 = tpu.matmul %get3A_4, %get3A_1, %dot_general3A {dimension_numbers = #tpu.dot_dimension_numbers<[1], [1], [0], [0], [0, 0, 1, 0], [], []>, transpose_lhs_hint = false} : vector<64x128xf32>, vector<10000x128xf32>, vector<64x10000xf32> -> vector<64x10000xf32>
    %swap3A = arith.constant 0 : index
    %swap3A_6 = arith.constant 0 : index
    %swap3A_7 = vector.load %arg3[%swap3A, %swap3A_6] : memref<64x10000xf32, #tpu.memory_space<vmem>>, vector<64x10000xf32>
    tpu.vector_store %arg3[%swap3A, %swap3A_6], %dot_general3A_5 {strides = array<i32>} : memref<64x10000xf32, #tpu.memory_space<vmem>>, vector<64x10000xf32>,
    %get3A_8 = arith.constant 0 : index
    %get3A_9 = arith.constant 0 : index
    %get3A_10 = vector.load %arg2[%get3A_8, %get3A_9] : memref<64x128xf32, #tpu.memory_space<vmem>>, vector<64x128xf32>
    %dot_general3A_11 = arith.constant dense<0.000000e+00> : vector<64x10000xf32>
    %dot_general3A_12 = tpu.matmul %get3A_10, %get3A_1, %dot_general3A_11 {dimension_numbers = #tpu.dot_dimension_numbers<[1], [1], [0], [0], [0, 0, 1, 0], [], []>, transpose_lhs_hint = false} : vector<64x128xf32>, vector<10000x128xf32>, vector<64x10000xf32> -> vector<64x10000xf32>
    %swap3A_13 = arith.constant 0 : index
    %swap3A_14 = arith.constant 0 : index
    %swap3A_15 = vector.load %arg4[%swap3A_13, %swap3A_14] : memref<64x10000xf32, #tpu.memory_space<vmem>>, vector<64x10000xf32>
    tpu.vector_store %arg4[%swap3A_13, %swap3A_14], %dot_general3A_12 {strides = array<i32>} : memref<64x10000xf32, #tpu.memory_space<vmem>>, vector<64x10000xf32>,
    return
  }
}

module attributes {stable_mosaic.version = 14 : i64} {
  func.func @_l1_body(%arg0: memref<2x64x10000xf32, #tpu.memory_space<vmem>>, %arg1: memref<4x10000xf32, #tpu.memory_space<vmem>>, %arg2: memref<64x10000xf32, #tpu.memory_space<vmem>>, %arg3: memref<64x128xf32, #tpu.memory_space<vmem>>, %arg4: memref<64x10000xf32, #tpu.memory_space<vmem>>) attributes {dimension_semantics = [], scalar_prefetch = 0 : i64, scratch_operands = 0 : i64, tpu.core_type = #tpu.core_type<tc>} {
    %get3A = arith.constant 0 : index
    %get3A_0 = arith.constant 0 : index
    %get3A_1 = vector.load %arg1[%get3A, %get3A_0] : memref<4x10000xf32, #tpu.memory_space<vmem>>, vector<1x10000xf32>
    %get3A_2 = vector.shape_cast %get3A_1 : vector<1x10000xf32> to vector<10000xf32>
    %get3A_3 = arith.constant 1 : index
    %get3A_4 = arith.constant 0 : index
    %get3A_5 = vector.load %arg1[%get3A_3, %get3A_4] : memref<4x10000xf32, #tpu.memory_space<vmem>>, vector<1x10000xf32>
    %get3A_6 = vector.shape_cast %get3A_5 : vector<1x10000xf32> to vector<10000xf32>
    %add3A = arith.addf %get3A_2, %get3A_6 : vector<10000xf32>
    %get3A_7 = arith.constant 2 : index
    %get3A_8 = arith.constant 0 : index
    %get3A_9 = vector.load %arg1[%get3A_7, %get3A_8] : memref<4x10000xf32, #tpu.memory_space<vmem>>, vector<1x10000xf32>
    %get3A_10 = vector.shape_cast %get3A_9 : vector<1x10000xf32> to vector<10000xf32>
    %add3A_11 = arith.addf %add3A, %get3A_10 : vector<10000xf32>
    %get3A_12 = arith.constant 3 : index
    %get3A_13 = arith.constant 0 : index
    %get3A_14 = vector.load %arg1[%get3A_12, %get3A_13] : memref<4x10000xf32, #tpu.memory_space<vmem>>, vector<1x10000xf32>
    %get3A_15 = vector.shape_cast %get3A_14 : vector<1x10000xf32> to vector<10000xf32>
    %add3A_16 = arith.addf %add3A_11, %get3A_15 : vector<10000xf32>
    %max3A = arith.constant 1.000000e+00 : f32
    %max3A_17 = vector.broadcast %max3A : f32 to vector<10000xf32>
    %max3A_18 = arith.maximumf %add3A_16, %max3A_17 : vector<10000xf32>
    %div3A = arith.constant 1.000000e+00 : f32
    %div3A_19 = vector.broadcast %div3A : f32 to vector<10000xf32>
    %div3A_20 = arith.divf %div3A_19, %max3A_18 : vector<10000xf32>
    %get3A_21 = arith.constant 0 : index
    %get3A_22 = arith.constant 0 : index
    %get3A_23 = arith.constant 0 : index
    %get3A_24 = vector.load %arg0[%get3A_21, %get3A_22, %get3A_23] : memref<2x64x10000xf32, #tpu.memory_space<vmem>>, vector<1x64x10000xf32>
    %get3A_25 = vector.shape_cast %get3A_24 : vector<1x64x10000xf32> to vector<64x10000xf32>
    %get3A_26 = arith.constant 1 : index
    %get3A_27 = arith.constant 0 : index
    %get3A_28 = arith.constant 0 : index
    %get3A_29 = vector.load %arg0[%get3A_26, %get3A_27, %get3A_28] : memref<2x64x10000xf32, #tpu.memory_space<vmem>>, vector<1x64x10000xf32>
    %get3A_30 = vector.shape_cast %get3A_29 : vector<1x64x10000xf32> to vector<64x10000xf32>
    %add3A_31 = arith.addf %get3A_25, %get3A_30 : vector<64x10000xf32>
    %broadcast_in_dim3A = vector.shape_cast %div3A_20 : vector<10000xf32> to vector<1x10000xf32>
    %mul3A = vector.broadcast %broadcast_in_dim3A : vector<1x10000xf32> to vector<64x10000xf32>
    %mul3A_32 = arith.mulf %add3A_31, %mul3A : vector<64x10000xf32>
    %get3A_33 = arith.constant 0 : index
    %get3A_34 = arith.constant 0 : index
    %get3A_35 = vector.load %arg3[%get3A_33, %get3A_34] : memref<64x128xf32, #tpu.memory_space<vmem>>, vector<64x128xf32>
    %slice3A = vector.extract_strided_slice %get3A_35 {offsets = [0, 0], sizes = [64, 1], strides = [1, 1]} : vector<64x128xf32> to vector<64x1xf32>
    %add3A_36 = vector.broadcast %slice3A : vector<64x1xf32> to vector<64x10000xf32>
    %add3A_37 = arith.addf %mul3A_32, %add3A_36 : vector<64x10000xf32>
    %get3A_38 = arith.constant 0 : index
    %get3A_39 = arith.constant 0 : index
    %get3A_40 = vector.load %arg2[%get3A_38, %get3A_39] : memref<64x10000xf32, #tpu.memory_space<vmem>>, vector<64x10000xf32>
    %add3A_41 = arith.addf %add3A_37, %get3A_40 : vector<64x10000xf32>
    %max3A_42 = arith.constant 0.000000e+00 : f32
    %max3A_43 = vector.broadcast %max3A_42 : f32 to vector<64x10000xf32>
    %max3A_44 = arith.maximumf %add3A_41, %max3A_43 : vector<64x10000xf32>
    %swap3A = arith.constant 0 : index
    %swap3A_45 = arith.constant 0 : index
    %swap3A_46 = vector.load %arg4[%swap3A, %swap3A_45] : memref<64x10000xf32, #tpu.memory_space<vmem>>, vector<64x10000xf32>
    tpu.vector_store %arg4[%swap3A, %swap3A_45], %max3A_44 {strides = array<i32>} : memref<64x10000xf32, #tpu.memory_space<vmem>>, vector<64x10000xf32>,
    return
  }
}

module attributes {stable_mosaic.version = 14 : i64} {
  func.func @_l2_body(%arg0: memref<2x64x10000xf32, #tpu.memory_space<vmem>>, %arg1: memref<4x10000xf32, #tpu.memory_space<vmem>>, %arg2: memref<64x10000xf32, #tpu.memory_space<vmem>>, %arg3: memref<128x64xf32, #tpu.memory_space<vmem>>, %arg4: memref<128x128xf32, #tpu.memory_space<vmem>>, %arg5: memref<128x64xf32, #tpu.memory_space<vmem>>, %arg6: memref<10000x1xi32, #tpu.memory_space<vmem>>, %arg7: memref<10000x8xf32, #tpu.memory_space<vmem>>, %arg8: memref<64x128xf32, #tpu.memory_space<vmem>>) attributes {dimension_semantics = [], scalar_prefetch = 0 : i64, scratch_operands = 0 : i64, tpu.core_type = #tpu.core_type<tc>} {
    %get3A = arith.constant 0 : index
    %get3A_0 = arith.constant 0 : index
    %get3A_1 = vector.load %arg1[%get3A, %get3A_0] : memref<4x10000xf32, #tpu.memory_space<vmem>>, vector<1x10000xf32>
    %get3A_2 = vector.shape_cast %get3A_1 : vector<1x10000xf32> to vector<10000xf32>
    %get3A_3 = arith.constant 1 : index
    %get3A_4 = arith.constant 0 : index
    %get3A_5 = vector.load %arg1[%get3A_3, %get3A_4] : memref<4x10000xf32, #tpu.memory_space<vmem>>, vector<1x10000xf32>
    %get3A_6 = vector.shape_cast %get3A_5 : vector<1x10000xf32> to vector<10000xf32>
    %add3A = arith.addf %get3A_2, %get3A_6 : vector<10000xf32>
    %get3A_7 = arith.constant 2 : index
    %get3A_8 = arith.constant 0 : index
    %get3A_9 = vector.load %arg1[%get3A_7, %get3A_8] : memref<4x10000xf32, #tpu.memory_space<vmem>>, vector<1x10000xf32>
    %get3A_10 = vector.shape_cast %get3A_9 : vector<1x10000xf32> to vector<10000xf32>
    %add3A_11 = arith.addf %add3A, %get3A_10 : vector<10000xf32>
    %get3A_12 = arith.constant 3 : index
    %get3A_13 = arith.constant 0 : index
    %get3A_14 = vector.load %arg1[%get3A_12, %get3A_13] : memref<4x10000xf32, #tpu.memory_space<vmem>>, vector<1x10000xf32>
    %get3A_15 = vector.shape_cast %get3A_14 : vector<1x10000xf32> to vector<10000xf32>
    %add3A_16 = arith.addf %add3A_11, %get3A_15 : vector<10000xf32>
    %max3A = arith.constant 1.000000e+00 : f32
    %max3A_17 = vector.broadcast %max3A : f32 to vector<10000xf32>
    %max3A_18 = arith.maximumf %add3A_16, %max3A_17 : vector<10000xf32>
    %div3A = arith.constant 1.000000e+00 : f32
    %div3A_19 = vector.broadcast %div3A : f32 to vector<10000xf32>
    %div3A_20 = arith.divf %div3A_19, %max3A_18 : vector<10000xf32>
    %get3A_21 = arith.constant 0 : index
    %get3A_22 = arith.constant 0 : index
    %get3A_23 = arith.constant 0 : index
    %get3A_24 = vector.load %arg0[%get3A_21, %get3A_22, %get3A_23] : memref<2x64x10000xf32, #tpu.memory_space<vmem>>, vector<1x64x10000xf32>
    %get3A_25 = vector.shape_cast %get3A_24 : vector<1x64x10000xf32> to vector<64x10000xf32>
    %get3A_26 = arith.constant 1 : index
    %get3A_27 = arith.constant 0 : index
    %get3A_28 = arith.constant 0 : index
    %get3A_29 = vector.load %arg0[%get3A_26, %get3A_27, %get3A_28] : memref<2x64x10000xf32, #tpu.memory_space<vmem>>, vector<1x64x10000xf32>
    %get3A_30 = vector.shape_cast %get3A_29 : vector<1x64x10000xf32> to vector<64x10000xf32>
    %add3A_31 = arith.addf %get3A_25, %get3A_30 : vector<64x10000xf32>
    %broadcast_in_dim3A = vector.shape_cast %div3A_20 : vector<10000xf32> to vector<1x10000xf32>
    %mul3A = vector.broadcast %broadcast_in_dim3A : vector<1x10000xf32> to vector<64x10000xf32>
    %mul3A_32 = arith.mulf %add3A_31, %mul3A : vector<64x10000xf32>
    %get3A_33 = arith.constant 0 : index
    %get3A_34 = arith.constant 0 : index
    %get3A_35 = vector.load %arg3[%get3A_33, %get3A_34] : memref<128x64xf32, #tpu.memory_space<vmem>>, vector<128x64xf32>
    %dot_general3A = arith.constant dense<0.000000e+00> : vector<128x10000xf32>
    %dot_general3A_36 = tpu.matmul %get3A_35, %mul3A_32, %dot_general3A {dimension_numbers = #tpu.dot_dimension_numbers<[1], [0], [0], [1], [0, 0, 1, 1], [], []>, transpose_lhs_hint = false} : vector<128x64xf32>, vector<64x10000xf32>, vector<128x10000xf32> -> vector<128x10000xf32>
    %get3A_37 = arith.constant 0 : index
    %get3A_38 = arith.constant 0 : index
    %get3A_39 = vector.load %arg4[%get3A_37, %get3A_38] : memref<128x128xf32, #tpu.memory_space<vmem>>, vector<128x128xf32>
    %slice3A = vector.extract_strided_slice %get3A_39 {offsets = [0, 0], sizes = [128, 1], strides = [1, 1]} : vector<128x128xf32> to vector<128x1xf32>
    %add3A_40 = vector.broadcast %slice3A : vector<128x1xf32> to vector<128x10000xf32>
    %add3A_41 = arith.addf %dot_general3A_36, %add3A_40 : vector<128x10000xf32>
    %get3A_42 = arith.constant 0 : index
    %get3A_43 = arith.constant 0 : index
    %get3A_44 = vector.load %arg5[%get3A_42, %get3A_43] : memref<128x64xf32, #tpu.memory_space<vmem>>, vector<128x64xf32>
    %get3A_45 = arith.constant 0 : index
    %get3A_46 = arith.constant 0 : index
    %get3A_47 = vector.load %arg2[%get3A_45, %get3A_46] : memref<64x10000xf32, #tpu.memory_space<vmem>>, vector<64x10000xf32>
    %dot_general3A_48 = arith.constant dense<0.000000e+00> : vector<128x10000xf32>
    %dot_general3A_49 = tpu.matmul %get3A_44, %get3A_47, %dot_general3A_48 {dimension_numbers = #tpu.dot_dimension_numbers<[1], [0], [0], [1], [0, 0, 1, 1], [], []>, transpose_lhs_hint = false} : vector<128x64xf32>, vector<64x10000xf32>, vector<128x10000xf32> -> vector<128x10000xf32>
    %add3A_50 = arith.addf %add3A_41, %dot_general3A_49 : vector<128x10000xf32>
    %max3A_51 = arith.constant 0.000000e+00 : f32
    %max3A_52 = vector.broadcast %max3A_51 : f32 to vector<128x10000xf32>
    %max3A_53 = arith.maximumf %add3A_50, %max3A_52 : vector<128x10000xf32>
    %get3A_54 = arith.constant 0 : index
    %get3A_55 = arith.constant 0 : index
    %get3A_56 = vector.load %arg6[%get3A_54, %get3A_55] : memref<10000x1xi32, #tpu.memory_space<vmem>>, vector<10000x1xi32>
    %iota3A = tpu.iota {dimensions = array<i32: 1>} : vector<10000x64xi32>
    %eq3A = vector.broadcast %get3A_56 : vector<10000x1xi32> to vector<10000x64xi32>
    %eq3A_57 = arith.cmpi eq, %eq3A, %iota3A : vector<10000x64xi32>
    %convert_element_type3A = arith.extui %eq3A_57 : vector<10000x64xi1> to vector<10000x64xi32>
    %convert_element_type3A_58 = arith.sitofp %convert_element_type3A : vector<10000x64xi32> to vector<10000x64xf32>
    %dot_general3A_59 = arith.constant dense<0.000000e+00> : vector<64x128xf32>
    %dot_general3A_60 = tpu.matmul %convert_element_type3A_58, %max3A_53, %dot_general3A_59 {dimension_numbers = #tpu.dot_dimension_numbers<[0], [1], [1], [0], [0, 1, 1, 0], [], []>, transpose_lhs_hint = false} : vector<10000x64xf32>, vector<128x10000xf32>, vector<64x128xf32> -> vector<64x128xf32>
    %get3A_61 = arith.constant 0 : index
    %get3A_62 = arith.constant 0 : index
    %get3A_63 = vector.load %arg7[%get3A_61, %get3A_62] : memref<10000x8xf32, #tpu.memory_space<vmem>>, vector<10000x8xf32>
    %dot_general3A_64 = arith.constant dense<0.000000e+00> : vector<64x8xf32>
    %dot_general3A_65 = tpu.matmul %convert_element_type3A_58, %get3A_63, %dot_general3A_64 {dimension_numbers = #tpu.dot_dimension_numbers<[0], [0], [1], [1], [0, 1, 1, 1], [], []>, transpose_lhs_hint = false} : vector<10000x64xf32>, vector<10000x8xf32>, vector<64x8xf32> -> vector<64x8xf32>
    %slice3A_66 = vector.extract_strided_slice %dot_general3A_65 {offsets = [0, 0], sizes = [64, 1], strides = [1, 1]} : vector<64x8xf32> to vector<64x1xf32>
    %max3A_67 = arith.constant 1.000000e+00 : f32
    %max3A_68 = vector.broadcast %max3A_67 : f32 to vector<64x1xf32>
    %max3A_69 = arith.maximumf %slice3A_66, %max3A_68 : vector<64x1xf32>
    %div3A_70 = arith.constant 1.000000e+00 : f32
    %div3A_71 = vector.broadcast %div3A_70 : f32 to vector<64x1xf32>
    %div3A_72 = arith.divf %div3A_71, %max3A_69 : vector<64x1xf32>
    %mul3A_73 = vector.broadcast %div3A_72 : vector<64x1xf32> to vector<64x128xf32>
    %mul3A_74 = arith.mulf %dot_general3A_60, %mul3A_73 : vector<64x128xf32>
    %swap3A = arith.constant 0 : index
    %swap3A_75 = arith.constant 0 : index
    %swap3A_76 = vector.load %arg8[%swap3A, %swap3A_75] : memref<64x128xf32, #tpu.memory_space<vmem>>, vector<64x128xf32>
    tpu.vector_store %arg8[%swap3A, %swap3A_75], %mul3A_74 {strides = array<i32>} : memref<64x128xf32, #tpu.memory_space<vmem>>, vector<64x128xf32>,
    return
  }
}

</mosaic_0001>

<sc_bundles>
// kernel: kernel.10.cloned.1.call-start
scs
__scs_entry_jumppad:
0x0: {  	(pc) =	sbr.rel $0x88, $3  }
0x1: {  	(tag) =	ssettag $0x0;
	lr =	simm.s32 $0x1  }
0x2: {  	[smem:$0x3F98] =	sst lr;
	_ =	strace $0xD0000000  }
0x3: {  	_ = 	snop  }
0x4: {  	_ = 	snop  }
0x5: {  	_ = 	snop  }
0x6: {  	_ = 	snop  }
0x7: {  	_ = 	snop  }
__scs_overlays_trampoline_lowered:
0x8: {  	[smem:$0x3FA7] =	sst s0  }
0x9: {  	[smem:$0x3FA8] =	sst s1  }
0xa: {  	[smem:$0x3FA9] =	sst s2  }
0xb: {  	[smem:$0x3FAA] =	sst s3  }
0xc: {  	[smem:$0x3FAB] =	sst s4  }
0xd: {  	[smem:$0x3FAC] =	sst s5  }
0xe: {  	[smem:$0x3FAD] =	sst s6  }
0xf: {  	[smem:$0x3FAE] =	sst s7  }
0x10: {  	[smem:$0x3FAF] =	sst s8  }
0x11: {  	[smem:$0x3FB0] =	sst s9;
	s0 =	simm.s32 @!p0 $0x0  }
0x12: {  	s1 =	sld [smem:$0x3F96];
	s0 =	simm.s32 @p0 $0x1  }
0x13: {  	[smem:$0x3FB1] =	sst s0;
	s0 =	simm.s32 @!p1 $0x0  }
0x14: {  	s2 =	sld [smem:$0x3F95];
	s0 =	simm.s32 @p1 $0x1  }
0x15: {  	[smem:$0x3FB2] =	sst s0;
	s0 =	simm.s32 @!p2 $0x0  }
0x16: {  	s3 =	sld [smem:$0x3FDB];
	s0 =	simm.s32 @p2 $0x1  }
0x17: {  	s4 =	simm.s32 $0x1BF5;
	[smem:$0x3FB4] =	sst s0  }
0x18: {  	s0 =	sld [smem:$0x3F97];
	_ =	swait.ge [sflag:s4], $0x0  }
0x19: {  	s7 =	sld [smem:$0x3F98]  }
0x1a: {  	s8 =	sadd.s32 $0xFFFFE003, lr  }
0x1b: {  	s9 =	sadd.s32 $0xFFFFFEF7, lr;
	s5 =	simm.s32 $0xFFFFFFFF;
	p2 =	slt.u32 s8, $0xFFFFF086  }
0x1c: {  	p1 =	slt.u32 s9, $0xF7A;
	s5 =	simm.s32 @!p2 $0x0  }
0x1d: {  	s5 =	simm.s32 @p1 $0x1;
	p0 =	seq.s32 s7, s2  }
0x1e: {  	s7 =	smul.u32 @!p0 $0xF7A, s2;
	p2 =	seq.s32 @!p0 s5, $0x0  }
0x1f: {  	s9 =	smul.u32 $0xF7A, s1;
	s8 =	simm.s32 @!p0 $0x1BF5;
	p2 =	por !p2, p0  }
0x20: {  	[sflag:s8] =	ssyncset.s32 @!p0 $0xFFFFF086;
	s6 =	sadd.s32 @!p0 s3, s7;
	s7 =	simm.s32 @!p0 $0x108  }
0x21: {  	s3 =	sadd.s32 s3, s9;
	s6 =	sadd.s32 @!p0 $0x88, s6;
	s7 =	simm.s32 @p2 $0x1082  }
0x22: {  	[simem:s7], [sflag:s8] =	dma.local @!p0 [hbm:s6], $0xF7A  }
0x23: {  	s9 =	sor.u32 $0xD0000000, s2;
	s6 =	simm.s32 $0x108;
	_ =	swait.ge @!p0 [sflag:s8], $0x0  }
0x24: {  	s3 =	sadd.s32 $0x88, s3;
	s6 =	simm.s32 @!p1 $0x1082;
	[sflag:s4] =	ssyncset.s32 $0xFFFFF086  }
0x25: {  	[simem:s6], [sflag:s4] =	dma.local [hbm:s3], $0xF7A  }
0x26: {  	[smem:$0x3F98] =	sst s1;
	(tag) =	ssettag s2;
	_ =	strace s9  }
0x27: {  	s1 =	sld [smem:$0x3FA8]  }
0x28: {  	s2 =	sld [smem:$0x3FA9]  }
0x29: {  	s4 =	sld [smem:$0x3FAB]  }
0x2a: {  	p0 =	seq.s32 s5, $0x0;
	s5 =	sld [smem:$0x3FAC]  }
0x2b: {  	s6 =	sld [smem:$0x3FAD]  }
0x2c: {  	s7 =	sld [smem:$0x3FAE]  }
0x2d: {  	s3 =	simm.s32 $0x108;
	s8 =	sld [smem:$0x3FAF]  }
0x2e: {  	s3 =	simm.s32 @!p0 $0x1082;
	s9 =	sld [smem:$0x3FB0]  }
0x2f: {  	lr =	sadd.s32 s0, s3;
	s0 =	sld [smem:$0x3FA7]  }
0x30: {  	s3 =	sld [smem:$0x3FAA]  }
0x31: {  	[smem:$0x3FB3] =	sst s10  }
0x32: {  	s10 =	sld [smem:$0x3FB1];
	_ =	sdelay $0x3  }
0x33: {  	p0 =	seq.s32 s10, $0x1;
	s10 =	sld [smem:$0x3FB3];
	_ =	sdelay $0x3  }
0x34: {  	[smem:$0x3FB3] =	sst s10  }
0x35: {  	s10 =	sld [smem:$0x3FB2];
	_ =	sdelay $0x3  }
0x36: {  	p1 =	seq.s32 s10, $0x1;
	s10 =	sld [smem:$0x3FB3];
	_ =	sdelay $0x3  }
0x37: {  	[smem:$0x3FB3] =	sst s10  }
0x38: {  	s10 =	sld [smem:$0x3FB4]  }
0x39: {  	_ = 	snop;
	(pc) =	sbr.ind lr, $3  }
0x3a: {  	_ = 	snop  }
0x3b: {  	_ = 	snop  }
0x3c: {  	p2 =	seq.s32 s10, $0x1;
	s10 =	sld [smem:$0x3FB3]  }
0x3d: {  	_ =	shalt  }
0x3e: {  	_ =	shalt  }
0x3f: {  	_ =	shalt  }
0x40: {  	_ =	shalt  }
0x41: {  	_ =	shalt  }
0x42: {  	_ =	shalt  }
0x43: {  	_ =	shalt  }
0x44: {  	_ =	shalt  }
0x45: {  	_ =	shalt  }
0x46: {  	_ =	shalt  }
0x47: {  	_ =	shalt  }
0x48: {  	_ =	shalt  }
0x49: {  	_ =	shalt  }
0x4a: {  	_ =	shalt  }
0x4b: {  	_ =	shalt  }
0x4c: {  	_ =	shalt  }
0x4d: {  	_ =	shalt  }
0x4e: {  	_ =	shalt  }
0x4f: {  	_ =	shalt  }
0x50: {  	_ =	shalt  }
0x51: {  	_ =	shalt  }
0x52: {  	_ =	shalt  }
0x53: {  	_ =	shalt  }
0x54: {  	_ =	shalt  }
0x55: {  	_ =	shalt  }
0x56: {  	_ =	shalt  }
0x57: {  	_ =	shalt  }
0x58: {  	_ =	shalt  }
0x59: {  	_ =	shalt  }
0x5a: {  	_ =	shalt  }
0x5b: {  	_ =	shalt  }
0x5c: {  	_ =	shalt  }
0x5d: {  	_ =	shalt  }
0x5e: {  	_ =	shalt  }
0x5f: {  	_ =	shalt  }
0x60: {  	_ =	shalt  }
0x61: {  	_ =	shalt  }
0x62: {  	_ =	shalt  }
0x63: {  	_ =	shalt  }
0x64: {  	_ =	shalt  }
0x65: {  	_ =	shalt  }
0x66: {  	_ =	shalt  }
0x67: {  	_ =	shalt  }
0x68: {  	_ =	shalt  }
0x69: {  	_ =	shalt  }
0x6a: {  	_ =	shalt  }
0x6b: {  	_ =	shalt  }
0x6c: {  	_ =	shalt  }
0x6d: {  	_ =	shalt  }
0x6e: {  	_ =	shalt  }
0x6f: {  	_ =	shalt  }
0x70: {  	_ =	shalt  }
0x71: {  	_ =	shalt  }
0x72: {  	_ =	shalt  }
0x73: {  	_ =	shalt  }
0x74: {  	_ =	shalt  }
0x75: {  	_ =	shalt  }
0x76: {  	_ =	shalt  }
0x77: {  	_ =	shalt  }
0x78: {  	_ =	shalt  }
0x79: {  	_ =	shalt  }
0x7a: {  	_ =	shalt  }
0x7b: {  	_ =	shalt  }
0x7c: {  	_ =	shalt  }
0x7d: {  	_ =	shalt  }
0x7e: {  	_ =	shalt  }
0x7f: {  	_ =	shalt  }
0x80: {  	_ =	shalt  }
0x81: {  	_ =	shalt  }
0x82: {  	_ =	shalt  }
0x83: {  	_ =	shalt  }
0x84: {  	_ =	shalt  }
0x85: {  	_ =	shalt  }
0x86: {  	_ =	shalt  }
0x87: {  	_ =	shalt  }
.Lfunc_end0:
.L_simem_size_0:
called_computation.1_lowered:
.L_overlay_start_0:
0x88: {  	s2 =	sld [smem:$0x3FD9]  }
0x89: {  	s3 =	sld [smem:$0x3FFE];
	_ =	sdelay $0x1  }
0x8a: {  	s1 =	srdreg.scid  }
0x8b: {  	s0 =	sand.u32 $0x1, s1  }
0x8c: {  	s16 =	sshll.u32 s0, $0xA;
	s2 =	sadd.s32 s3, s2  }
0x8d: {  	s2 =	sadd.s32 s2, s16  }
0x8e: {  	[smem:$0x3FBF] =	sst s2  }
0x8f: {  	_ = 	snop  }
0x90: {  	(tm) =	ssettm $0x1  }
0x91: {  	s17 =	sld [smem:$0x3FFB];
	_ =	sdelay $0x3  }
0x92: {  	_ =	strace s17  }
0x93: {  	s2 =	sld [smem:$0x3FFC];
	_ =	sdelay $0x3  }
0x94: {  	_ =	strace s2  }
0x95: {  	s2 =	sld [smem:$0x3FFD];
	_ =	sdelay $0x3  }
0x96: {  	_ =	strace s2  }
0x97: {  	_ =	strace $0x8FFFFFFF  }
0x98: {  	s18 =	sld [smem:$0x3FDB];
	_ =	sdelay $0x1  }
0x99: {  	s19 =	simm.s32 $_scs_section_size  }
0x9a: {  	s4 =	simm.s32 $_size__tile_overlayer_lowered;
	s5 =	simm.s32 $_tile_overlayer_lowered  }
0x9b: {  	s22 =	simm.s32 $0x1BFF;
	s21 =	sshll.u32 s5, $0x1;
	s2 =	sadd.s32 s19, s18  }
0x9c: {  	s6 =	simm.s32 $0x0;
	s20 =	sshll.u32 s4, $0x1;
	s4 =	sadd.s32 s21, s2  }
0x9d: {  	[timem:s6], [sflag:s22] =	dma.local [hbm:s4], s20  }
0x9e: {  	_ =	swait.ge [sflag:s22], s20  }
0x9f: {  	s3 =	ssub.s32 $0x0, s20;
	[sflag:s22] =	ssyncset.done $0x0  }
0xa0: {  	[sflag:s22] =	ssyncadd.s32 s3;
	_ =	sdelay $0x1  }
0xa1: {  	s23 =	simm.s32 $0x1B8B  }
0xa2: {  	_ =	swait.ge [sflag:s23], $0x1  }
0xa3: {  	[sflag:s23] =	ssyncset.done $0x0  }
0xa4: {  	s25 =	simm.s32 $0x1B8E;
	s24 =	sld [smem:$0x3FFE];
	[sflag:s23] =	ssyncadd.s32 $0xFFFFFFFF  }
0xa5: {  	s26 =	simm.s32 $execute0_lowered;
	[smem:$0x3FD2] =	sst s25  }
0xa6: {  	s4 =	sshll.u32 s26, $0x1;
	_ =	strace $0x80000049;
	[dreg:$0x1] =	wrdreg $0xFFFFFFFF  }
0xa7: {  	s28 =	simm.s32 $_size_execute0_lowered;
	s2 =	sadd.s32 s2, s4;
	[dreg:$0x0] =	wrdreg $0x0  }
0xa8: {  	s4 =	sshll.u32 s28, $0x1;
	[dreg:$0x2] =	wrdreg s2  }
0xa9: {  	[dreg:$0x3] =	wrdreg s4  }
0xaa: {  	[dreg:$0x4] =	wrdreg $0xC0  }
0xab: {  	_ =	task [dreg:s6], $0x5FFFF  }
0xac: {  	[dreg:$0x1] =	wrdreg $0xFFFFFFFF  }
0xad: {  	[dreg:$0x0] =	wrdreg $0x60  }
0xae: {  	[dreg:$0x2] =	wrdreg s24  }
0xaf: {  	[dreg:$0x3] =	wrdreg $0x9  }
0xb0: {  	_ =	task.clear_ibuf [dreg:s6], $0x4FFFF;
	_ =	strace $0x90000049  }
0xb1: {  	s29 =	simm.s32 $0x9;
	_ =	strace $0x8000004B  }
0xb2: {  	_ =	swait.ge [sflag:s29], $0x1  }
0xb3: {  	[sflag:s29] =	ssyncadd.s32 $0xFFFFFFFF  }
0xb4: {  	_ =	strace $0x9000004B  }
0xb5: {  	_ =	sfence  }
0xb6: {  	s30 =	sld [smem:$0x0];
	_ =	sdelay $0x2  }
0xb7: {  	s31 =	sshll.u32 s1, $0xD;
	s1 =	sshrl.u32 s1, $0x2  }
0xb8: {  	s3 =	sand.u32 $0x4000, s31;
	s1 =	sadd.s32 s1, s30  }
0xb9: {  	s0 =	sor.u32 s3, s0;
	s1 =	sshll.u32 s1, $0x11  }
0xba: {  	s0 =	sor.u32 s1, s0  }
0xbb: {  	s0 =	sadd.s32 $0x8F2B, s0  }
0xbc: {  	[sflag:s0] =	ssyncadd.remote.s32 $0x1  }
0xbd: {  	_ =	sfence.sel $0xFFFF  }
0xbe: {  	[dreg:$0x0] =	wrdreg $0xFFFFFFFF;
	(pc) =	sbr.abs _section_cstart, $3  }
0xbf: {  	[dreg:$0x1] =	wrdreg $0xFFFFFFFF  }
0xc0: {  	_ =	task.clear_ibuf [dreg:s6], $0x2FFFF;
	_ =	strace $0x9FFFFFFF  }
0xc1: {  	(tm) =	ssettm $0x7FFFFFFF  }
tec
execute0_lowered:
.L_overlay_start_1:
0x0: {  	(tag) =	ssettag $0x1  }
0x1: {  	s0 =	rddreg [dreg:$0x0];
	s1 =	simm.s32 $0x0;
	s2 =	srdreg.scid  }
0x2: {  	s9 =	stileid.u32;
	s18 =	simm.s32 $0x5;
	s28 =	simm.s32 $0x2  }
0x3: {  	s29 =	simm.s32 $0x9E00;
	s30 =	simm.s32 $0xC580;
	s31 =	simm.s32 $0xED00  }
0x4: {  	[smem:$0x7FF] =	sst s1;
	s2 =	sand.u32 $0x1, s2;
	s5 =	sadd.s32 $0x15200, s0  }
0x5: {  	s3 =	sadd.s32 $0xB400, s0;
	s8 =	smul.u32 $0x9C40, s9;
	s4 =	sadd.s32 $0x1600, s0  }
0x6: {  	s0 =	sadd.s32 $0x28C00, s0;
	s19 =	smul.u32 $0x1388, s9;
	s9 =	sshll.u32 s9, $0x2  }
0x7: {  	_ =	strace $0x8000004A;
	s6 =	ssub.s32 $0x2, s2;
	s10 =	smul.u32 $0x27100, s2  }
0x8: {  	s2 =	sshll.u32 s2, $0x6;
	s7 =	sshrl.u32 s6, $0x1;
	s8 =	sshrl.u32 s8, $0x3  }
0x9: {  	s2 =	sor.u32 s9, s2;
	s6 =	ssub.s32 s6, s7;
	s8 =	sadd.s32 s5, s8  }
0xa: {  	s5 =	sadd.s32 s5, s19;
	s22 =	sshrl.u32 s10, $0x3;
	s23 =	smul.u32 $0x2710, s2  }
0xb: {  	s2 =	smul.u32 $0x4E2, s2;
	[dreg:$0x2] =	wrdreg s5;
	s20 =	sadd.s32 $0x4E2, s8  }
0xc: {  	s11 =	sadd.s32 $0x1F40, s10;
	s21 =	sadd.s32 $0x9C4, s8;
	[dreg:$0x3] =	wrdreg s20  }
0xd: {  	s12 =	sadd.s32 $0x3E80, s10;
	s8 =	sadd.s32 $0xEA6, s8;
	[dreg:$0x4] =	wrdreg s21  }
0xe: {  	s19 =	simm.s32 $0x2780;
	s24 =	sadd.s32 s3, s22;
	[dreg:$0x5] =	wrdreg s8  }
0xf: {  	s5 =	sadd.s32 s4, s22;
	s17 =	smax.u32 s6, $0x1;
	[dreg:$0x6] =	wrdreg s24  }
0x10: {  	s22 =	simm.s32 $0x4;
	[dreg:$0x7] =	wrdreg s5;
	s25 =	sshrl.u32 s23, $0x3  }
0x11: {  	s2 =	sadd.s32 s0, s2;
	s20 =	simm.s32 $0x4F00;
	s21 =	simm.s32 $0x7680  }
0x12: {  	s24 =	simm.s32 $0x17B00;
	s23 =	simm.s32 $0x0;
	[dreg:$0x8] =	wrdreg s2  }
0x13: {  	s0 =	sadd.s32 s0, s25;
	s25 =	simm.s32 $0x19A80;
	s2 =	simm.s32 $0x3  }
0x14: {  	s26 =	sadd.s32 $0x4E2, s0;
	s15 =	sadd.s32 $0x9C4, s0;
	s16 =	sadd.s32 $0xEA6, s0  }
0x15: {  	v0 =	vimm.f32 $0.0e+00;
	s0 =	simm.s32 $0x11480;
	[dreg:$0x9] =	wrdreg s26;
	s26 =	simm.s32 $0x1  }
.LBB2_1:
0x16: {  	s5 =	rddreg [dreg:$0x2]  }
0x17: {  	[tilespmem:s1], [sflag:$0x5] =	stream.linear.gather [hbm4b:s5+s1], $0x2710, $0x38;
	[tilespmem:$0x1BA00] =	vst v63  }
0x18: {  	_ =	swait.ge [sflag:s18], $0x2710  }
0x19: {  	[sflag:s18] =	ssyncset.done $0x0  }
0x1a: {  	s10 =	rddreg [dreg:$0x3];
	[sflag:s18] =	ssyncadd.s32 $0xFFFFD8F0  }
0x1b: {  	[tilespmem:s19], [sflag:$0x5] =	stream.linear.gather [hbm4b:s10+s1], $0x2710, $0x38;
	[tilespmem:$0x1BA00] =	vst v63  }
0x1c: {  	_ =	swait.ge [sflag:s18], $0x2710  }
0x1d: {  	[sflag:s18] =	ssyncset.done $0x0  }
0x1e: {  	s13 =	rddreg [dreg:$0x4];
	[sflag:s18] =	ssyncadd.s32 $0xFFFFD8F0  }
0x1f: {  	[tilespmem:s20], [sflag:$0x5] =	stream.linear.gather [hbm4b:s13+s1], $0x2710, $0x38;
	[tilespmem:$0x1BA00] =	vst v63  }
0x20: {  	_ =	swait.ge [sflag:s18], $0x2710  }
0x21: {  	[sflag:s18] =	ssyncset.done $0x0  }
0x22: {  	s14 =	rddreg [dreg:$0x5];
	[sflag:s18] =	ssyncadd.s32 $0xFFFFD8F0  }
0x23: {  	[tilespmem:s21], [sflag:$0x5] =	stream.linear.gather [hbm4b:s14+s1], $0x2710, $0x38;
	[tilespmem:$0x1BA00] =	vst v63  }
0x24: {  	_ =	swait.ge [sflag:s18], $0x2710  }
0x25: {  	[sflag:s18] =	ssyncset.done $0x0  }
0x26: {  	s8 =	simm.s32 $0x9E20;
	[sflag:s18] =	ssyncadd.s32 $0xFFFFD8F0  }
0x27: {  	[tilespmem:s8+$0xFFFFFFF0] =	vst v0  }
0x28: {  	[tilespmem:s8+$0x0] =	vst v0  }
0x29: {  	[tilespmem:s8+$0x10] =	vst v0  }
0x2a: {  	s5 =	simm.s32 $0xC5A0;
	[tilespmem:s8+$0xFFFFFFE0] =	vst v0  }
0x2b: {  	[tilespmem:s5+$0xFFFFFFF0] =	vst v0  }
0x2c: {  	[tilespmem:s5+$0x0] =	vst v0  }
0x2d: {  	[tilespmem:s5+$0x10] =	vst v0  }
0x2e: {  	s6 =	simm.s32 $0xED20;
	[tilespmem:s5+$0xFFFFFFE0] =	vst v0  }
0x2f: {  	[tilespmem:s6+$0xFFFFFFF0] =	vst v0  }
0x30: {  	[tilespmem:s6+$0x0] =	vst v0  }
0x31: {  	[tilespmem:s6+$0x10] =	vst v0  }
0x32: {  	s7 =	simm.s32 $0x114A0;
	[tilespmem:s6+$0xFFFFFFE0] =	vst v0  }
0x33: {  	[tilespmem:s7+$0xFFFFFFF0] =	vst v0  }
0x34: {  	[tilespmem:s7+$0x0] =	vst v0  }
0x35: {  	[tilespmem:s7+$0x10] =	vst v0  }
0x36: {  	s9 =	simm.s32 $0x9E60;
	s8 =	simm.s32 $0x0;
	[tilespmem:s7+$0xFFFFFFE0] =	vst v0  }
.LBB2_2:
0x37: {  	[tilespmem:s9+$0xFFFFFFF0] =	vst v0;
	s5 =	sadd.s32 $0x40, s5  }
0x38: {  	s6 =	sadd.s32 $0x40, s6;
	[tilespmem:s5+$0xFFFFFFF0] =	vst v0  }
0x39: {  	s7 =	sadd.s32 $0x40, s7;
	[tilespmem:s6+$0xFFFFFFF0] =	vst v0  }
0x3a: {  	[tilespmem:s7+$0xFFFFFFF0] =	vst v0  }
0x3b: {  	[tilespmem:s9+$0x0] =	vst v0  }
0x3c: {  	[tilespmem:s5+$0x0] =	vst v0  }
0x3d: {  	[tilespmem:s6+$0x0] =	vst v0  }
0x3e: {  	[tilespmem:s7+$0x0] =	vst v0  }
0x3f: {  	[tilespmem:s9+$0x10] =	vst v0  }
0x40: {  	s8 =	sadd.s32 $0x4, s8;
	[tilespmem:s5+$0x10] =	vst v0  }
0x41: {  	p0 =	slt.u32 s8, $0x26C;
	[tilespmem:s6+$0x10] =	vst v0  }
.Ltmp0:
0x42: {  	[tilespmem:s7+$0x10] =	vst v0;
	(pc) =	sbr.rel @p0 .LBB2_2-.Ltmp0, $4  }
0x43: {  	[tilespmem:s9+$0xFFFFFFE0] =	vst v0  }
0x44: {  	[tilespmem:s5+$0xFFFFFFE0] =	vst v0  }
0x45: {  	[tilespmem:s6+$0xFFFFFFE0] =	vst v0  }
0x46: {  	s9 =	sadd.s32 $0x40, s9;
	[tilespmem:s7+$0xFFFFFFE0] =	vst v0  }
0x47: {  	[tilespmem:$0xC500] =	vst v0  }
0x48: {  	[tilespmem:$0xEC80] =	vst v0  }
0x49: {  	[tilespmem:$0x11400] =	vst v0  }
0x4a: {  	[tilespmem:$0x13B80] =	vst v0;
	s5 =	simm.s32 $0x0;
	s6 =	rddreg [dreg:$0x6];
	s7 =	simm.s32 $0x13C00  }
0x4b: {  	[tilespmem:s7], [sflag:$0x1] =	stream.linear.gather [hbm4b:s6+s5], $0x1F40, $0x38;
	[tilespmem:$0x1BA00] =	vst v63  }
0x4c: {  	s13 =	rddreg [dreg:$0x7];
	s14 =	simm.s32 $0x15B80;
	s6 =	simm.s32 $0x0  }
0x4d: {  	[tilespmem:s14], [sflag:$0x2] =	stream.linear.gather [hbm4b:s13+s5], $0x1F40, $0x38;
	[tilespmem:$0x1BA00] =	vst v63  }
.LBB2_4:
0x4e: {  	s7 =	smul.u32 $0x3E80, s6;
	_ =	sdelay $0x1  }
0x4f: {  	s8 =	sadd.s32 s7, s11  }
0x50: {  	s8 =	sshrl.u32 s8, $0x3  }
0x51: {  	s9 =	sadd.s32 s3, s8  }
0x52: {  	[tilespmem:s24], [sflag:$0x3] =	stream.linear.gather [hbm4b:s9+s5], $0x1F40, $0x38;
	[tilespmem:$0x1BA00] =	vst v63  }
0x53: {  	s8 =	sadd.s32 s4, s8  }
0x54: {  	[tilespmem:s25], [sflag:$0x4] =	stream.linear.gather [hbm4b:s8+s5], $0x1F40, $0x38;
	[tilespmem:$0x1BA00] =	vst v63  }
0x55: {  	_ =	swait.ge [sflag:s26], $0x1F40  }
0x56: {  	[sflag:s26] =	ssyncset.done $0x0  }
0x57: {  	[sflag:s26] =	ssyncadd.s32 $0xFFFFE0C0  }
0x58: {  	_ =	swait.ge [sflag:s28], $0x1F40  }
0x59: {  	[sflag:s28] =	ssyncset.done $0x0  }
0x5a: {  	s14 =	simm.s32 $0x13C50;
	[sflag:s28] =	ssyncadd.s32 $0xFFFFE0C0  }
0x5b: {  	v1 =	vld [tilespmem:s14+$0x40]  }
0x5c: {  	v2 =	vld [tilespmem:s14+$0xFFFFFFC0]  }
0x5d: {  	s10 =	sand.u32 $0x1FE0, s5;
	v3 =	vld [tilespmem:s14+$0xFFFFFFD0]  }
0x5e: {  	v4 =	vld [tilespmem:s10+$0x13C80]  }
0x5f: {  	v5 =	vld [tilespmem:s14+$0xFFFFFFE0]  }
0x60: {  	v6 =	vld [tilespmem:s14+$0xFFFFFFF0]  }
0x61: {  	s8 =	simm.s32 $0x15BD0;
	v7 =	vld [tilespmem:s14+$0x0]  }
0x62: {  	v8 =	vld [tilespmem:s8+$0x40]  }
0x63: {  	v10 =	vld [tilespmem:s10+$0x15C00]  }
0x64: {  	v11 =	vld [tilespmem:s14+$0x10]  }
0x65: {  	v13 =	vld [tilespmem:s14+$0x20]  }
0x66: {  	v14 =	vld [tilespmem:s14+$0xFFFFFFB0]  }
0x67: {  	v55 =	vld [tilespmem:s8+$0xFFFFFFB0]  }
0x68: {  	v22 =	vld [tilespmem:s8+$0xFFFFFFC0]  }
0x69: {  	v23 =	vld [tilespmem:s8+$0xFFFFFFD0]  }
0x6a: {  	v56 =	vld [tilespmem:s8+$0xFFFFFFF0]  }
0x6b: {  	v57 =	vld [tilespmem:s8+$0x0]  }
0x6c: {  	v58 =	vld [tilespmem:s8+$0x10]  }
0x6d: {  	v24 =	vld [tilespmem:s8+$0x20]  }
0x6e: {  	v9 =	vld.idx.msk [tilespmem:v1+s1+$0x0], $0xffff  }
0x6f: {  	v12 =	vld.idx.msk [tilespmem:v4+s1+$0x0], $0xffff  }
0x70: {  	v15 =	vld.idx.msk [tilespmem:v2+s1+$0x0], $0xffff  }
0x71: {  	v16 =	vld.idx.msk [tilespmem:v3+s1+$0x0], $0xffff  }
0x72: {  	v17 =	vld.idx.msk [tilespmem:v5+s1+$0x0], $0xffff  }
0x73: {  	v18 =	vld.idx.msk [tilespmem:v14+s1+$0x0], $0xffff  }
0x74: {  	v19 =	vld.idx.msk [tilespmem:v6+s1+$0x0], $0xffff  }
0x75: {  	v20 =	vld.idx.msk [tilespmem:v7+s1+$0x0], $0xffff  }
0x76: {  	v21 =	vld.idx.msk [tilespmem:v11+s1+$0x0], $0xffff  }
0x77: {  	v54 =	vld.idx.msk [tilespmem:v13+s1+$0x0], $0xffff  }
0x78: {  	[tilespmem:v8+s29+$0x0] =	vst.idx.add.f32.msk $0xffff, v9  }
0x79: {  	[tilespmem:v10+s29+$0x0] =	vst.idx.add.f32.msk $0xffff, v12  }
0x7a: {  	[tilespmem:v55+s29+$0x0] =	vst.idx.add.f32.msk $0xffff, v18  }
0x7b: {  	[tilespmem:v22+s29+$0x0] =	vst.idx.add.f32.msk $0xffff, v15  }
0x7c: {  	[tilespmem:v23+s29+$0x0] =	vst.idx.add.f32.msk $0xffff, v16  }
0x7d: {  	[tilespmem:v56+s29+$0x0] =	vst.idx.add.f32.msk $0xffff, v19  }
0x7e: {  	[tilespmem:v57+s29+$0x0] =	vst.idx.add.f32.msk $0xffff, v20  }
0x7f: {  	[tilespmem:v58+s29+$0x0] =	vst.idx.add.f32.msk $0xffff, v21  }
0x80: {  	[tilespmem:v24+s29+$0x0] =	vst.idx.add.f32.msk $0xffff, v54  }
0x81: {  	v9 =	vld.idx.msk [tilespmem:v1+s19+$0x0], $0xffff  }
0x82: {  	v12 =	vld.idx.msk [tilespmem:v4+s19+$0x0], $0xffff  }
0x83: {  	v59 =	vld.idx.msk [tilespmem:v14+s19+$0x0], $0xffff  }
0x84: {  	v15 =	vld.idx.msk [tilespmem:v2+s19+$0x0], $0xffff  }
0x85: {  	v16 =	vld.idx.msk [tilespmem:v3+s19+$0x0], $0xffff  }
0x86: {  	v60 =	vld.idx.msk [tilespmem:v6+s19+$0x0], $0xffff  }
0x87: {  	v61 =	vld.idx.msk [tilespmem:v7+s19+$0x0], $0xffff  }
0x88: {  	v62 =	vld.idx.msk [tilespmem:v11+s19+$0x0], $0xffff  }
0x89: {  	v63 =	vld.idx.msk [tilespmem:v13+s19+$0x0], $0xffff  }
0x8a: {  	[tilespmem:v8+s30+$0x0] =	vst.idx.add.f32.msk $0xffff, v9  }
0x8b: {  	[tilespmem:v10+s30+$0x0] =	vst.idx.add.f32.msk $0xffff, v12  }
0x8c: {  	[tilespmem:v55+s30+$0x0] =	vst.idx.add.f32.msk $0xffff, v59  }
0x8d: {  	[tilespmem:v22+s30+$0x0] =	vst.idx.add.f32.msk $0xffff, v15  }
0x8e: {  	[tilespmem:v23+s30+$0x0] =	vst.idx.add.f32.msk $0xffff, v16  }
0x8f: {  	[tilespmem:v56+s30+$0x0] =	vst.idx.add.f32.msk $0xffff, v60  }
0x90: {  	[tilespmem:v57+s30+$0x0] =	vst.idx.add.f32.msk $0xffff, v61  }
0x91: {  	[tilespmem:v58+s30+$0x0] =	vst.idx.add.f32.msk $0xffff, v62  }
0x92: {  	[tilespmem:v24+s30+$0x0] =	vst.idx.add.f32.msk $0xffff, v63  }
0x93: {  	v9 =	vld.idx.msk [tilespmem:v1+s20+$0x0], $0xffff  }
0x94: {  	v12 =	vld.idx.msk [tilespmem:v4+s20+$0x0], $0xffff  }
0x95: {  	v15 =	vld.idx.msk [tilespmem:v2+s20+$0x0], $0xffff  }
0x96: {  	v16 =	vld.idx.msk [tilespmem:v3+s20+$0x0], $0xffff  }
0x97: {  	v18 =	vld.idx.msk [tilespmem:v6+s20+$0x0], $0xffff  }
0x98: {  	v19 =	vld.idx.msk [tilespmem:v7+s20+$0x0], $0xffff  }
0x99: {  	v20 =	vld.idx.msk [tilespmem:v11+s20+$0x0], $0xffff  }
0x9a: {  	v21 =	vld.idx.msk [tilespmem:v13+s20+$0x0], $0xffff  }
0x9b: {  	[tilespmem:v8+s31+$0x0] =	vst.idx.add.f32.msk $0xffff, v9  }
0x9c: {  	[tilespmem:v10+s31+$0x0] =	vst.idx.add.f32.msk $0xffff, v12  }
0x9d: {  	v9 =	vld.idx.msk [tilespmem:v14+s20+$0x0], $0xffff  }
0x9e: {  	v1 =	vld.idx.msk [tilespmem:v1+s21+$0x0], $0xffff  }
0x9f: {  	[tilespmem:v22+s31+$0x0] =	vst.idx.add.f32.msk $0xffff, v15  }
0xa0: {  	[tilespmem:v23+s31+$0x0] =	vst.idx.add.f32.msk $0xffff, v16  }
0xa1: {  	[tilespmem:v56+s31+$0x0] =	vst.idx.add.f32.msk $0xffff, v18  }
0xa2: {  	[tilespmem:v57+s31+$0x0] =	vst.idx.add.f32.msk $0xffff, v19  }
0xa3: {  	[tilespmem:v8+s0+$0x0] =	vst.idx.add.f32.msk $0xffff, v1  }
0xa4: {  	v1 =	vld [tilespmem:s8+$0xFFFFFFE0]  }
0xa5: {  	[tilespmem:v58+s31+$0x0] =	vst.idx.add.f32.msk $0xffff, v20  }
0xa6: {  	[tilespmem:v24+s31+$0x0] =	vst.idx.add.f32.msk $0xffff, v21  }
0xa7: {  	v4 =	vld.idx.msk [tilespmem:v4+s21+$0x0], $0xffff  }
0xa8: {  	v2 =	vld.idx.msk [tilespmem:v2+s21+$0x0], $0xffff  }
0xa9: {  	v3 =	vld.idx.msk [tilespmem:v3+s21+$0x0], $0xffff  }
0xaa: {  	v6 =	vld.idx.msk [tilespmem:v6+s21+$0x0], $0xffff  }
0xab: {  	v7 =	vld.idx.msk [tilespmem:v7+s21+$0x0], $0xffff  }
0xac: {  	[tilespmem:v1+s29+$0x0] =	vst.idx.add.f32.msk $0xffff, v17  }
0xad: {  	v17 =	vld.idx.msk [tilespmem:v5+s19+$0x0], $0xffff  }
0xae: {  	v11 =	vld.idx.msk [tilespmem:v11+s21+$0x0], $0xffff  }
0xaf: {  	v13 =	vld.idx.msk [tilespmem:v13+s21+$0x0], $0xffff  }
0xb0: {  	[tilespmem:v55+s31+$0x0] =	vst.idx.add.f32.msk $0xffff, v9  }
0xb1: {  	[tilespmem:v10+s0+$0x0] =	vst.idx.add.f32.msk $0xffff, v4  }
0xb2: {  	[tilespmem:v1+s30+$0x0] =	vst.idx.add.f32.msk $0xffff, v17  }
0xb3: {  	v17 =	vld.idx.msk [tilespmem:v5+s20+$0x0], $0xffff  }
0xb4: {  	v9 =	vld.idx.msk [tilespmem:v14+s21+$0x0], $0xffff  }
0xb5: {  	[tilespmem:v22+s0+$0x0] =	vst.idx.add.f32.msk $0xffff, v2  }
0xb6: {  	[tilespmem:v23+s0+$0x0] =	vst.idx.add.f32.msk $0xffff, v3  }
0xb7: {  	[tilespmem:v56+s0+$0x0] =	vst.idx.add.f32.msk $0xffff, v6  }
0xb8: {  	[tilespmem:v1+s31+$0x0] =	vst.idx.add.f32.msk $0xffff, v17  }
0xb9: {  	v5 =	vld.idx.msk [tilespmem:v5+s21+$0x0], $0xffff  }
0xba: {  	[tilespmem:v57+s0+$0x0] =	vst.idx.add.f32.msk $0xffff, v7  }
0xbb: {  	[tilespmem:v58+s0+$0x0] =	vst.idx.add.f32.msk $0xffff, v11  }
0xbc: {  	[tilespmem:v24+s0+$0x0] =	vst.idx.add.f32.msk $0xffff, v13  }
0xbd: {  	[tilespmem:v55+s0+$0x0] =	vst.idx.add.f32.msk $0xffff, v9  }
0xbe: {  	s13 =	simm.s32 $0x0;
	s9 =	simm.s32 $0x0;
	s10 =	simm.s32 $0x13CF0;
	[tilespmem:v1+s0+$0x0] =	vst.idx.add.f32.msk $0xffff, v5  }
.LBB2_5:
0xbf: {  	v9 =	vld [tilespmem:s10+$0x40]  }
0xc0: {  	s13 =	sadd.s32 $0xA0, s13;
	v1 =	vld [tilespmem:s10+$0xFFFFFFC0]  }
0xc1: {  	s9 =	sadd.s32 $0xA, s9;
	s14 =	sand.u32 $0x1FE0, s13;
	v2 =	vld [tilespmem:s10+$0xFFFFFFD0]  }
0xc2: {  	p0 =	slt.u32 s9, $0x1EA;
	v10 =	vld [tilespmem:s14+$0x13C80]  }
0xc3: {  	v3 =	vld [tilespmem:s10+$0xFFFFFFE0]  }
0xc4: {  	v4 =	vld [tilespmem:s10+$0xFFFFFFF0]  }
0xc5: {  	s8 =	sadd.s32 $0xA0, s8;
	v5 =	vld [tilespmem:s10+$0x0]  }
0xc6: {  	v11 =	vld [tilespmem:s8+$0x40]  }
0xc7: {  	v12 =	vld.idx.msk [tilespmem:v9+s1+$0x0], $0xffff  }
0xc8: {  	v13 =	vld [tilespmem:s14+$0x15C00]  }
0xc9: {  	v6 =	vld [tilespmem:s10+$0x10]  }
0xca: {  	v14 =	vld.idx.msk [tilespmem:v10+s1+$0x0], $0xffff  }
0xcb: {  	v7 =	vld [tilespmem:s10+$0x20]  }
0xcc: {  	v8 =	vld [tilespmem:s10+$0xFFFFFFB0]  }
0xcd: {  	v15 =	vld.idx.msk [tilespmem:v1+s1+$0x0], $0xffff  }
0xce: {  	[tilespmem:v11+s29+$0x0] =	vst.idx.add.f32.msk $0xffff, v12  }
0xcf: {  	v12 =	vld.idx.msk [tilespmem:v9+s19+$0x0], $0xffff  }
0xd0: {  	[tilespmem:v13+s29+$0x0] =	vst.idx.add.f32.msk $0xffff, v14  }
0xd1: {  	v14 =	vld.idx.msk [tilespmem:v10+s19+$0x0], $0xffff  }
0xd2: {  	v16 =	vld.idx.msk [tilespmem:v2+s1+$0x0], $0xffff  }
0xd3: {  	v17 =	vld.idx.msk [tilespmem:v3+s1+$0x0], $0xffff  }
0xd4: {  	v18 =	vld.idx.msk [tilespmem:v8+s1+$0x0], $0xffff  }
0xd5: {  	[tilespmem:v11+s30+$0x0] =	vst.idx.add.f32.msk $0xffff, v12  }
0xd6: {  	v12 =	vld.idx.msk [tilespmem:v9+s20+$0x0], $0xffff  }
0xd7: {  	[tilespmem:v13+s30+$0x0] =	vst.idx.add.f32.msk $0xffff, v14  }
0xd8: {  	v14 =	vld.idx.msk [tilespmem:v10+s20+$0x0], $0xffff  }
0xd9: {  	v19 =	vld.idx.msk [tilespmem:v4+s1+$0x0], $0xffff  }
0xda: {  	v20 =	vld.idx.msk [tilespmem:v5+s1+$0x0], $0xffff  }
0xdb: {  	v21 =	vld.idx.msk [tilespmem:v6+s1+$0x0], $0xffff  }
0xdc: {  	[tilespmem:v11+s31+$0x0] =	vst.idx.add.f32.msk $0xffff, v12  }
0xdd: {  	v9 =	vld.idx.msk [tilespmem:v9+s21+$0x0], $0xffff  }
0xde: {  	[tilespmem:v13+s31+$0x0] =	vst.idx.add.f32.msk $0xffff, v14  }
0xdf: {  	v10 =	vld.idx.msk [tilespmem:v10+s21+$0x0], $0xffff  }
0xe0: {  	v12 =	vld.idx.msk [tilespmem:v7+s1+$0x0], $0xffff  }
0xe1: {  	v14 =	vld [tilespmem:s8+$0xFFFFFFB0]  }
0xe2: {  	v22 =	vld [tilespmem:s8+$0xFFFFFFC0]  }
0xe3: {  	v23 =	vld [tilespmem:s8+$0xFFFFFFD0]  }
0xe4: {  	[tilespmem:v11+s0+$0x0] =	vst.idx.add.f32.msk $0xffff, v9  }
0xe5: {  	[tilespmem:v13+s0+$0x0] =	vst.idx.add.f32.msk $0xffff, v10  }
0xe6: {  	v9 =	vld [tilespmem:s8+$0xFFFFFFE0]  }
0xe7: {  	v10 =	vld [tilespmem:s8+$0xFFFFFFF0]  }
0xe8: {  	v11 =	vld [tilespmem:s8+$0x0]  }
0xe9: {  	v13 =	vld [tilespmem:s8+$0x10]  }
0xea: {  	v24 =	vld [tilespmem:s8+$0x20]  }
0xeb: {  	[tilespmem:v14+s29+$0x0] =	vst.idx.add.f32.msk $0xffff, v18  }
0xec: {  	[tilespmem:v22+s29+$0x0] =	vst.idx.add.f32.msk $0xffff, v15  }
0xed: {  	[tilespmem:v23+s29+$0x0] =	vst.idx.add.f32.msk $0xffff, v16  }
0xee: {  	[tilespmem:v9+s29+$0x0] =	vst.idx.add.f32.msk $0xffff, v17  }
0xef: {  	[tilespmem:v10+s29+$0x0] =	vst.idx.add.f32.msk $0xffff, v19  }
0xf0: {  	[tilespmem:v11+s29+$0x0] =	vst.idx.add.f32.msk $0xffff, v20  }
0xf1: {  	[tilespmem:v13+s29+$0x0] =	vst.idx.add.f32.msk $0xffff, v21  }
0xf2: {  	[tilespmem:v24+s29+$0x0] =	vst.idx.add.f32.msk $0xffff, v12  }
0xf3: {  	v12 =	vld.idx.msk [tilespmem:v8+s19+$0x0], $0xffff  }
0xf4: {  	v15 =	vld.idx.msk [tilespmem:v1+s19+$0x0], $0xffff  }
0xf5: {  	v16 =	vld.idx.msk [tilespmem:v2+s19+$0x0], $0xffff  }
0xf6: {  	v17 =	vld.idx.msk [tilespmem:v3+s19+$0x0], $0xffff  }
0xf7: {  	v18 =	vld.idx.msk [tilespmem:v4+s19+$0x0], $0xffff  }
0xf8: {  	v19 =	vld.idx.msk [tilespmem:v5+s19+$0x0], $0xffff  }
0xf9: {  	v20 =	vld.idx.msk [tilespmem:v6+s19+$0x0], $0xffff  }
0xfa: {  	v21 =	vld.idx.msk [tilespmem:v7+s19+$0x0], $0xffff  }
0xfb: {  	[tilespmem:v14+s30+$0x0] =	vst.idx.add.f32.msk $0xffff, v12  }
0xfc: {  	[tilespmem:v22+s30+$0x0] =	vst.idx.add.f32.msk $0xffff, v15  }
0xfd: {  	[tilespmem:v23+s30+$0x0] =	vst.idx.add.f32.msk $0xffff, v16  }
0xfe: {  	[tilespmem:v9+s30+$0x0] =	vst.idx.add.f32.msk $0xffff, v17  }
0xff: {  	[tilespmem:v10+s30+$0x0] =	vst.idx.add.f32.msk $0xffff, v18  }
0x100: {  	[tilespmem:v11+s30+$0x0] =	vst.idx.add.f32.msk $0xffff, v19  }
0x101: {  	[tilespmem:v13+s30+$0x0] =	vst.idx.add.f32.msk $0xffff, v20  }
0x102: {  	[tilespmem:v24+s30+$0x0] =	vst.idx.add.f32.msk $0xffff, v21  }
0x103: {  	v12 =	vld.idx.msk [tilespmem:v8+s20+$0x0], $0xffff  }
0x104: {  	v15 =	vld.idx.msk [tilespmem:v1+s20+$0x0], $0xffff  }
0x105: {  	v16 =	vld.idx.msk [tilespmem:v2+s20+$0x0], $0xffff  }
0x106: {  	v17 =	vld.idx.msk [tilespmem:v3+s20+$0x0], $0xffff  }
0x107: {  	v18 =	vld.idx.msk [tilespmem:v4+s20+$0x0], $0xffff  }
0x108: {  	v19 =	vld.idx.msk [tilespmem:v5+s20+$0x0], $0xffff  }
0x109: {  	v20 =	vld.idx.msk [tilespmem:v6+s20+$0x0], $0xffff  }
0x10a: {  	v21 =	vld.idx.msk [tilespmem:v7+s20+$0x0], $0xffff  }
0x10b: {  	[tilespmem:v14+s31+$0x0] =	vst.idx.add.f32.msk $0xffff, v12  }
0x10c: {  	[tilespmem:v22+s31+$0x0] =	vst.idx.add.f32.msk $0xffff, v15  }
0x10d: {  	[tilespmem:v23+s31+$0x0] =	vst.idx.add.f32.msk $0xffff, v16  }
0x10e: {  	[tilespmem:v9+s31+$0x0] =	vst.idx.add.f32.msk $0xffff, v17  }
0x10f: {  	[tilespmem:v10+s31+$0x0] =	vst.idx.add.f32.msk $0xffff, v18  }
0x110: {  	[tilespmem:v11+s31+$0x0] =	vst.idx.add.f32.msk $0xffff, v19  }
0x111: {  	[tilespmem:v13+s31+$0x0] =	vst.idx.add.f32.msk $0xffff, v20  }
0x112: {  	[tilespmem:v24+s31+$0x0] =	vst.idx.add.f32.msk $0xffff, v21  }
0x113: {  	v8 =	vld.idx.msk [tilespmem:v8+s21+$0x0], $0xffff  }
0x114: {  	v1 =	vld.idx.msk [tilespmem:v1+s21+$0x0], $0xffff  }
0x115: {  	v2 =	vld.idx.msk [tilespmem:v2+s21+$0x0], $0xffff  }
0x116: {  	v3 =	vld.idx.msk [tilespmem:v3+s21+$0x0], $0xffff  }
0x117: {  	v4 =	vld.idx.msk [tilespmem:v4+s21+$0x0], $0xffff  }
0x118: {  	v5 =	vld.idx.msk [tilespmem:v5+s21+$0x0], $0xffff  }
0x119: {  	v6 =	vld.idx.msk [tilespmem:v6+s21+$0x0], $0xffff  }
0x11a: {  	v7 =	vld.idx.msk [tilespmem:v7+s21+$0x0], $0xffff  }
0x11b: {  	[tilespmem:v14+s0+$0x0] =	vst.idx.add.f32.msk $0xffff, v8  }
0x11c: {  	[tilespmem:v22+s0+$0x0] =	vst.idx.add.f32.msk $0xffff, v1  }
0x11d: {  	[tilespmem:v23+s0+$0x0] =	vst.idx.add.f32.msk $0xffff, v2  }
.Ltmp1:
0x11e: {  	[tilespmem:v9+s0+$0x0] =	vst.idx.add.f32.msk $0xffff, v3;
	(pc) =	sbr.rel @p0 .LBB2_5-.Ltmp1, $4  }
0x11f: {  	[tilespmem:v10+s0+$0x0] =	vst.idx.add.f32.msk $0xffff, v4  }
0x120: {  	[tilespmem:v11+s0+$0x0] =	vst.idx.add.f32.msk $0xffff, v5  }
0x121: {  	[tilespmem:v13+s0+$0x0] =	vst.idx.add.f32.msk $0xffff, v6  }
0x122: {  	s10 =	sadd.s32 $0xA0, s10;
	[tilespmem:v24+s0+$0x0] =	vst.idx.add.f32.msk $0xffff, v7  }
0x123: {  	p0 =	seq.s32 s6, $0x9  }
0x124: {  	s7 =	sadd.s32 @!p0 s7, s12  }
0x125: {  	s7 =	sshrl.u32 @!p0 s7, $0x3  }
0x126: {  	s9 =	simm.s32 @!p0 $0x0;
	s10 =	simm.s32 @!p0 $0x13C00;
	s8 =	sadd.s32 @!p0 s3, s7  }
0x127: {  	[tilespmem:s10], [sflag:$0x1] =	stream.linear.gather @!p0 [hbm4b:s8+s9], $0x1F40, $0x38;
	[tilespmem:$0x1BA00] =	vst v63  }
0x128: {  	s7 =	sadd.s32 @!p0 s4, s7;
	s8 =	simm.s32 @!p0 $0x15B80  }
0x129: {  	[tilespmem:s8], [sflag:$0x2] =	stream.linear.gather @!p0 [hbm4b:s7+s9], $0x1F40, $0x38;
	[tilespmem:$0x1BA00] =	vst v63  }
0x12a: {  	_ =	swait.ge [sflag:s2], $0x1F40  }
0x12b: {  	[sflag:s2] =	ssyncset.done $0x0  }
0x12c: {  	[sflag:s2] =	ssyncadd.s32 $0xFFFFE0C0  }
0x12d: {  	_ =	swait.ge [sflag:s22], $0x1F40  }
0x12e: {  	[sflag:s22] =	ssyncset.done $0x0  }
0x12f: {  	s13 =	simm.s32 $0x17B50;
	[sflag:s22] =	ssyncadd.s32 $0xFFFFE0C0  }
0x130: {  	v1 =	vld [tilespmem:s13+$0x40]  }
0x131: {  	s7 =	simm.s32 $0x0;
	v2 =	vld [tilespmem:s13+$0xFFFFFFC0]  }
0x132: {  	s14 =	sand.u32 $0x1FE0, s7;
	v3 =	vld [tilespmem:s13+$0xFFFFFFD0]  }
0x133: {  	v4 =	vld [tilespmem:s14+$0x17B80]  }
0x134: {  	v5 =	vld [tilespmem:s13+$0xFFFFFFE0]  }
0x135: {  	v6 =	vld [tilespmem:s13+$0xFFFFFFF0]  }
0x136: {  	s8 =	simm.s32 $0x19AD0;
	v7 =	vld [tilespmem:s13+$0x0]  }
0x137: {  	v8 =	vld [tilespmem:s8+$0x40]  }
0x138: {  	v10 =	vld [tilespmem:s14+$0x19B00]  }
0x139: {  	v11 =	vld [tilespmem:s13+$0x10]  }
0x13a: {  	v13 =	vld [tilespmem:s13+$0x20]  }
0x13b: {  	v14 =	vld [tilespmem:s13+$0xFFFFFFB0]  }
0x13c: {  	v55 =	vld [tilespmem:s8+$0xFFFFFFB0]  }
0x13d: {  	v22 =	vld [tilespmem:s8+$0xFFFFFFC0]  }
0x13e: {  	v23 =	vld [tilespmem:s8+$0xFFFFFFD0]  }
0x13f: {  	v56 =	vld [tilespmem:s8+$0xFFFFFFF0]  }
0x140: {  	v57 =	vld [tilespmem:s8+$0x0]  }
0x141: {  	v58 =	vld [tilespmem:s8+$0x10]  }
0x142: {  	v24 =	vld [tilespmem:s8+$0x20]  }
0x143: {  	v9 =	vld.idx.msk [tilespmem:v1+s1+$0x0], $0xffff  }
0x144: {  	v12 =	vld.idx.msk [tilespmem:v4+s1+$0x0], $0xffff  }
0x145: {  	v15 =	vld.idx.msk [tilespmem:v2+s1+$0x0], $0xffff  }
0x146: {  	v16 =	vld.idx.msk [tilespmem:v3+s1+$0x0], $0xffff  }
0x147: {  	v17 =	vld.idx.msk [tilespmem:v5+s1+$0x0], $0xffff  }
0x148: {  	v18 =	vld.idx.msk [tilespmem:v14+s1+$0x0], $0xffff  }
0x149: {  	v19 =	vld.idx.msk [tilespmem:v6+s1+$0x0], $0xffff  }
0x14a: {  	v20 =	vld.idx.msk [tilespmem:v7+s1+$0x0], $0xffff  }
0x14b: {  	v21 =	vld.idx.msk [tilespmem:v11+s1+$0x0], $0xffff  }
0x14c: {  	v54 =	vld.idx.msk [tilespmem:v13+s1+$0x0], $0xffff  }
0x14d: {  	[tilespmem:v8+s29+$0x0] =	vst.idx.add.f32.msk $0xffff, v9  }
0x14e: {  	[tilespmem:v10+s29+$0x0] =	vst.idx.add.f32.msk $0xffff, v12  }
0x14f: {  	[tilespmem:v55+s29+$0x0] =	vst.idx.add.f32.msk $0xffff, v18  }
0x150: {  	[tilespmem:v22+s29+$0x0] =	vst.idx.add.f32.msk $0xffff, v15  }
0x151: {  	[tilespmem:v23+s29+$0x0] =	vst.idx.add.f32.msk $0xffff, v16  }
0x152: {  	[tilespmem:v56+s29+$0x0] =	vst.idx.add.f32.msk $0xffff, v19  }
0x153: {  	[tilespmem:v57+s29+$0x0] =	vst.idx.add.f32.msk $0xffff, v20  }
0x154: {  	[tilespmem:v58+s29+$0x0] =	vst.idx.add.f32.msk $0xffff, v21  }
0x155: {  	[tilespmem:v24+s29+$0x0] =	vst.idx.add.f32.msk $0xffff, v54  }
0x156: {  	v9 =	vld.idx.msk [tilespmem:v1+s19+$0x0], $0xffff  }
0x157: {  	v12 =	vld.idx.msk [tilespmem:v4+s19+$0x0], $0xffff  }
0x158: {  	v59 =	vld.idx.msk [tilespmem:v14+s19+$0x0], $0xffff  }
0x159: {  	v15 =	vld.idx.msk [tilespmem:v2+s19+$0x0], $0xffff  }
0x15a: {  	v16 =	vld.idx.msk [tilespmem:v3+s19+$0x0], $0xffff  }
0x15b: {  	v60 =	vld.idx.msk [tilespmem:v6+s19+$0x0], $0xffff  }
0x15c: {  	v61 =	vld.idx.msk [tilespmem:v7+s19+$0x0], $0xffff  }
0x15d: {  	v62 =	vld.idx.msk [tilespmem:v11+s19+$0x0], $0xffff  }
0x15e: {  	v63 =	vld.idx.msk [tilespmem:v13+s19+$0x0], $0xffff  }
0x15f: {  	[tilespmem:v8+s30+$0x0] =	vst.idx.add.f32.msk $0xffff, v9  }
0x160: {  	[tilespmem:v10+s30+$0x0] =	vst.idx.add.f32.msk $0xffff, v12  }
0x161: {  	[tilespmem:v55+s30+$0x0] =	vst.idx.add.f32.msk $0xffff, v59  }
0x162: {  	[tilespmem:v22+s30+$0x0] =	vst.idx.add.f32.msk $0xffff, v15  }
0x163: {  	[tilespmem:v23+s30+$0x0] =	vst.idx.add.f32.msk $0xffff, v16  }
0x164: {  	[tilespmem:v56+s30+$0x0] =	vst.idx.add.f32.msk $0xffff, v60  }
0x165: {  	[tilespmem:v57+s30+$0x0] =	vst.idx.add.f32.msk $0xffff, v61  }
0x166: {  	[tilespmem:v58+s30+$0x0] =	vst.idx.add.f32.msk $0xffff, v62  }
0x167: {  	[tilespmem:v24+s30+$0x0] =	vst.idx.add.f32.msk $0xffff, v63  }
0x168: {  	v9 =	vld.idx.msk [tilespmem:v1+s20+$0x0], $0xffff  }
0x169: {  	v12 =	vld.idx.msk [tilespmem:v4+s20+$0x0], $0xffff  }
0x16a: {  	v15 =	vld.idx.msk [tilespmem:v2+s20+$0x0], $0xffff  }
0x16b: {  	v16 =	vld.idx.msk [tilespmem:v3+s20+$0x0], $0xffff  }
0x16c: {  	v18 =	vld.idx.msk [tilespmem:v6+s20+$0x0], $0xffff  }
0x16d: {  	v19 =	vld.idx.msk [tilespmem:v7+s20+$0x0], $0xffff  }
0x16e: {  	v20 =	vld.idx.msk [tilespmem:v11+s20+$0x0], $0xffff  }
0x16f: {  	v21 =	vld.idx.msk [tilespmem:v13+s20+$0x0], $0xffff  }
0x170: {  	[tilespmem:v8+s31+$0x0] =	vst.idx.add.f32.msk $0xffff, v9  }
0x171: {  	[tilespmem:v10+s31+$0x0] =	vst.idx.add.f32.msk $0xffff, v12  }
0x172: {  	v9 =	vld.idx.msk [tilespmem:v14+s20+$0x0], $0xffff  }
0x173: {  	v1 =	vld.idx.msk [tilespmem:v1+s21+$0x0], $0xffff  }
0x174: {  	[tilespmem:v22+s31+$0x0] =	vst.idx.add.f32.msk $0xffff, v15  }
0x175: {  	[tilespmem:v23+s31+$0x0] =	vst.idx.add.f32.msk $0xffff, v16  }
0x176: {  	[tilespmem:v56+s31+$0x0] =	vst.idx.add.f32.msk $0xffff, v18  }
0x177: {  	[tilespmem:v57+s31+$0x0] =	vst.idx.add.f32.msk $0xffff, v19  }
0x178: {  	[tilespmem:v8+s0+$0x0] =	vst.idx.add.f32.msk $0xffff, v1  }
0x179: {  	v1 =	vld [tilespmem:s8+$0xFFFFFFE0]  }
0x17a: {  	[tilespmem:v58+s31+$0x0] =	vst.idx.add.f32.msk $0xffff, v20  }
0x17b: {  	[tilespmem:v24+s31+$0x0] =	vst.idx.add.f32.msk $0xffff, v21  }
0x17c: {  	v4 =	vld.idx.msk [tilespmem:v4+s21+$0x0], $0xffff  }
0x17d: {  	v2 =	vld.idx.msk [tilespmem:v2+s21+$0x0], $0xffff  }
0x17e: {  	v3 =	vld.idx.msk [tilespmem:v3+s21+$0x0], $0xffff  }
0x17f: {  	v6 =	vld.idx.msk [tilespmem:v6+s21+$0x0], $0xffff  }
0x180: {  	v7 =	vld.idx.msk [tilespmem:v7+s21+$0x0], $0xffff  }
0x181: {  	[tilespmem:v1+s29+$0x0] =	vst.idx.add.f32.msk $0xffff, v17  }
0x182: {  	v17 =	vld.idx.msk [tilespmem:v5+s19+$0x0], $0xffff  }
0x183: {  	v11 =	vld.idx.msk [tilespmem:v11+s21+$0x0], $0xffff  }
0x184: {  	v13 =	vld.idx.msk [tilespmem:v13+s21+$0x0], $0xffff  }
0x185: {  	[tilespmem:v55+s31+$0x0] =	vst.idx.add.f32.msk $0xffff, v9  }
0x186: {  	[tilespmem:v10+s0+$0x0] =	vst.idx.add.f32.msk $0xffff, v4  }
0x187: {  	[tilespmem:v1+s30+$0x0] =	vst.idx.add.f32.msk $0xffff, v17  }
0x188: {  	v17 =	vld.idx.msk [tilespmem:v5+s20+$0x0], $0xffff  }
0x189: {  	v9 =	vld.idx.msk [tilespmem:v14+s21+$0x0], $0xffff  }
0x18a: {  	[tilespmem:v22+s0+$0x0] =	vst.idx.add.f32.msk $0xffff, v2  }
0x18b: {  	[tilespmem:v23+s0+$0x0] =	vst.idx.add.f32.msk $0xffff, v3  }
0x18c: {  	[tilespmem:v56+s0+$0x0] =	vst.idx.add.f32.msk $0xffff, v6  }
0x18d: {  	[tilespmem:v1+s31+$0x0] =	vst.idx.add.f32.msk $0xffff, v17  }
0x18e: {  	v5 =	vld.idx.msk [tilespmem:v5+s21+$0x0], $0xffff  }
0x18f: {  	[tilespmem:v57+s0+$0x0] =	vst.idx.add.f32.msk $0xffff, v7  }
0x190: {  	[tilespmem:v58+s0+$0x0] =	vst.idx.add.f32.msk $0xffff, v11  }
0x191: {  	[tilespmem:v24+s0+$0x0] =	vst.idx.add.f32.msk $0xffff, v13  }
0x192: {  	[tilespmem:v55+s0+$0x0] =	vst.idx.add.f32.msk $0xffff, v9  }
0x193: {  	s10 =	simm.s32 $0x17BF0;
	s9 =	simm.s32 $0x0;
	[tilespmem:v1+s0+$0x0] =	vst.idx.add.f32.msk $0xffff, v5  }
.LBB2_7:
0x194: {  	v9 =	vld [tilespmem:s10+$0x40]  }
0x195: {  	s7 =	sadd.s32 $0xA0, s7;
	v1 =	vld [tilespmem:s10+$0xFFFFFFC0]  }
0x196: {  	s9 =	sadd.s32 $0xA, s9;
	s13 =	sand.u32 $0x1FE0, s7;
	v2 =	vld [tilespmem:s10+$0xFFFFFFD0]  }
0x197: {  	p0 =	slt.u32 s9, $0x1EA;
	v10 =	vld [tilespmem:s13+$0x17B80]  }
0x198: {  	v3 =	vld [tilespmem:s10+$0xFFFFFFE0]  }
0x199: {  	v4 =	vld [tilespmem:s10+$0xFFFFFFF0]  }
0x19a: {  	s8 =	sadd.s32 $0xA0, s8;
	v5 =	vld [tilespmem:s10+$0x0]  }
0x19b: {  	v11 =	vld [tilespmem:s8+$0x40]  }
0x19c: {  	v12 =	vld.idx.msk [tilespmem:v9+s1+$0x0], $0xffff  }
0x19d: {  	v13 =	vld [tilespmem:s13+$0x19B00]  }
0x19e: {  	v6 =	vld [tilespmem:s10+$0x10]  }
0x19f: {  	v14 =	vld.idx.msk [tilespmem:v10+s1+$0x0], $0xffff  }
0x1a0: {  	v7 =	vld [tilespmem:s10+$0x20]  }
0x1a1: {  	v8 =	vld [tilespmem:s10+$0xFFFFFFB0]  }
0x1a2: {  	v15 =	vld.idx.msk [tilespmem:v1+s1+$0x0], $0xffff  }
0x1a3: {  	[tilespmem:v11+s29+$0x0] =	vst.idx.add.f32.msk $0xffff, v12  }
0x1a4: {  	v12 =	vld.idx.msk [tilespmem:v9+s19+$0x0], $0xffff  }
0x1a5: {  	[tilespmem:v13+s29+$0x0] =	vst.idx.add.f32.msk $0xffff, v14  }
0x1a6: {  	v14 =	vld.idx.msk [tilespmem:v10+s19+$0x0], $0xffff  }
0x1a7: {  	v16 =	vld.idx.msk [tilespmem:v2+s1+$0x0], $0xffff  }
0x1a8: {  	v17 =	vld.idx.msk [tilespmem:v3+s1+$0x0], $0xffff  }
0x1a9: {  	v18 =	vld.idx.msk [tilespmem:v8+s1+$0x0], $0xffff  }
0x1aa: {  	[tilespmem:v11+s30+$0x0] =	vst.idx.add.f32.msk $0xffff, v12  }
0x1ab: {  	v12 =	vld.idx.msk [tilespmem:v9+s20+$0x0], $0xffff  }
0x1ac: {  	[tilespmem:v13+s30+$0x0] =	vst.idx.add.f32.msk $0xffff, v14  }
0x1ad: {  	v14 =	vld.idx.msk [tilespmem:v10+s20+$0x0], $0xffff  }
0x1ae: {  	v19 =	vld.idx.msk [tilespmem:v4+s1+$0x0], $0xffff  }
0x1af: {  	v20 =	vld.idx.msk [tilespmem:v5+s1+$0x0], $0xffff  }
0x1b0: {  	v21 =	vld.idx.msk [tilespmem:v6+s1+$0x0], $0xffff  }
0x1b1: {  	[tilespmem:v11+s31+$0x0] =	vst.idx.add.f32.msk $0xffff, v12  }
0x1b2: {  	v9 =	vld.idx.msk [tilespmem:v9+s21+$0x0], $0xffff  }
0x1b3: {  	[tilespmem:v13+s31+$0x0] =	vst.idx.add.f32.msk $0xffff, v14  }
0x1b4: {  	v10 =	vld.idx.msk [tilespmem:v10+s21+$0x0], $0xffff  }
0x1b5: {  	v12 =	vld.idx.msk [tilespmem:v7+s1+$0x0], $0xffff  }
0x1b6: {  	v14 =	vld [tilespmem:s8+$0xFFFFFFB0]  }
0x1b7: {  	v22 =	vld [tilespmem:s8+$0xFFFFFFC0]  }
0x1b8: {  	v23 =	vld [tilespmem:s8+$0xFFFFFFD0]  }
0x1b9: {  	[tilespmem:v11+s0+$0x0] =	vst.idx.add.f32.msk $0xffff, v9  }
0x1ba: {  	[tilespmem:v13+s0+$0x0] =	vst.idx.add.f32.msk $0xffff, v10  }
0x1bb: {  	v9 =	vld [tilespmem:s8+$0xFFFFFFE0]  }
0x1bc: {  	v10 =	vld [tilespmem:s8+$0xFFFFFFF0]  }
0x1bd: {  	v11 =	vld [tilespmem:s8+$0x0]  }
0x1be: {  	v13 =	vld [tilespmem:s8+$0x10]  }
0x1bf: {  	v24 =	vld [tilespmem:s8+$0x20]  }
0x1c0: {  	[tilespmem:v14+s29+$0x0] =	vst.idx.add.f32.msk $0xffff, v18  }
0x1c1: {  	[tilespmem:v22+s29+$0x0] =	vst.idx.add.f32.msk $0xffff, v15  }
0x1c2: {  	[tilespmem:v23+s29+$0x0] =	vst.idx.add.f32.msk $0xffff, v16  }
0x1c3: {  	[tilespmem:v9+s29+$0x0] =	vst.idx.add.f32.msk $0xffff, v17  }
0x1c4: {  	[tilespmem:v10+s29+$0x0] =	vst.idx.add.f32.msk $0xffff, v19  }
0x1c5: {  	[tilespmem:v11+s29+$0x0] =	vst.idx.add.f32.msk $0xffff, v20  }
0x1c6: {  	[tilespmem:v13+s29+$0x0] =	vst.idx.add.f32.msk $0xffff, v21  }
0x1c7: {  	[tilespmem:v24+s29+$0x0] =	vst.idx.add.f32.msk $0xffff, v12  }
0x1c8: {  	v12 =	vld.idx.msk [tilespmem:v8+s19+$0x0], $0xffff  }
0x1c9: {  	v15 =	vld.idx.msk [tilespmem:v1+s19+$0x0], $0xffff  }
0x1ca: {  	v16 =	vld.idx.msk [tilespmem:v2+s19+$0x0], $0xffff  }
0x1cb: {  	v17 =	vld.idx.msk [tilespmem:v3+s19+$0x0], $0xffff  }
0x1cc: {  	v18 =	vld.idx.msk [tilespmem:v4+s19+$0x0], $0xffff  }
0x1cd: {  	v19 =	vld.idx.msk [tilespmem:v5+s19+$0x0], $0xffff  }
0x1ce: {  	v20 =	vld.idx.msk [tilespmem:v6+s19+$0x0], $0xffff  }
0x1cf: {  	v21 =	vld.idx.msk [tilespmem:v7+s19+$0x0], $0xffff  }
0x1d0: {  	[tilespmem:v14+s30+$0x0] =	vst.idx.add.f32.msk $0xffff, v12  }
0x1d1: {  	[tilespmem:v22+s30+$0x0] =	vst.idx.add.f32.msk $0xffff, v15  }
0x1d2: {  	[tilespmem:v23+s30+$0x0] =	vst.idx.add.f32.msk $0xffff, v16  }
0x1d3: {  	[tilespmem:v9+s30+$0x0] =	vst.idx.add.f32.msk $0xffff, v17  }
0x1d4: {  	[tilespmem:v10+s30+$0x0] =	vst.idx.add.f32.msk $0xffff, v18  }
0x1d5: {  	[tilespmem:v11+s30+$0x0] =	vst.idx.add.f32.msk $0xffff, v19  }
0x1d6: {  	[tilespmem:v13+s30+$0x0] =	vst.idx.add.f32.msk $0xffff, v20  }
0x1d7: {  	[tilespmem:v24+s30+$0x0] =	vst.idx.add.f32.msk $0xffff, v21  }
0x1d8: {  	v12 =	vld.idx.msk [tilespmem:v8+s20+$0x0], $0xffff  }
0x1d9: {  	v15 =	vld.idx.msk [tilespmem:v1+s20+$0x0], $0xffff  }
0x1da: {  	v16 =	vld.idx.msk [tilespmem:v2+s20+$0x0], $0xffff  }
0x1db: {  	v17 =	vld.idx.msk [tilespmem:v3+s20+$0x0], $0xffff  }
0x1dc: {  	v18 =	vld.idx.msk [tilespmem:v4+s20+$0x0], $0xffff  }
0x1dd: {  	v19 =	vld.idx.msk [tilespmem:v5+s20+$0x0], $0xffff  }
0x1de: {  	v20 =	vld.idx.msk [tilespmem:v6+s20+$0x0], $0xffff  }
0x1df: {  	v21 =	vld.idx.msk [tilespmem:v7+s20+$0x0], $0xffff  }
0x1e0: {  	[tilespmem:v14+s31+$0x0] =	vst.idx.add.f32.msk $0xffff, v12  }
0x1e1: {  	[tilespmem:v22+s31+$0x0] =	vst.idx.add.f32.msk $0xffff, v15  }
0x1e2: {  	[tilespmem:v23+s31+$0x0] =	vst.idx.add.f32.msk $0xffff, v16  }
0x1e3: {  	[tilespmem:v9+s31+$0x0] =	vst.idx.add.f32.msk $0xffff, v17  }
0x1e4: {  	[tilespmem:v10+s31+$0x0] =	vst.idx.add.f32.msk $0xffff, v18  }
0x1e5: {  	[tilespmem:v11+s31+$0x0] =	vst.idx.add.f32.msk $0xffff, v19  }
0x1e6: {  	[tilespmem:v13+s31+$0x0] =	vst.idx.add.f32.msk $0xffff, v20  }
0x1e7: {  	[tilespmem:v24+s31+$0x0] =	vst.idx.add.f32.msk $0xffff, v21  }
0x1e8: {  	v8 =	vld.idx.msk [tilespmem:v8+s21+$0x0], $0xffff  }
0x1e9: {  	v1 =	vld.idx.msk [tilespmem:v1+s21+$0x0], $0xffff  }
0x1ea: {  	v2 =	vld.idx.msk [tilespmem:v2+s21+$0x0], $0xffff  }
0x1eb: {  	v3 =	vld.idx.msk [tilespmem:v3+s21+$0x0], $0xffff  }
0x1ec: {  	v4 =	vld.idx.msk [tilespmem:v4+s21+$0x0], $0xffff  }
0x1ed: {  	v5 =	vld.idx.msk [tilespmem:v5+s21+$0x0], $0xffff  }
0x1ee: {  	v6 =	vld.idx.msk [tilespmem:v6+s21+$0x0], $0xffff  }
0x1ef: {  	v7 =	vld.idx.msk [tilespmem:v7+s21+$0x0], $0xffff  }
0x1f0: {  	[tilespmem:v14+s0+$0x0] =	vst.idx.add.f32.msk $0xffff, v8  }
0x1f1: {  	[tilespmem:v22+s0+$0x0] =	vst.idx.add.f32.msk $0xffff, v1  }
0x1f2: {  	[tilespmem:v23+s0+$0x0] =	vst.idx.add.f32.msk $0xffff, v2  }
.Ltmp2:
0x1f3: {  	[tilespmem:v9+s0+$0x0] =	vst.idx.add.f32.msk $0xffff, v3;
	(pc) =	sbr.rel @p0 .LBB2_7-.Ltmp2, $4  }
0x1f4: {  	[tilespmem:v10+s0+$0x0] =	vst.idx.add.f32.msk $0xffff, v4  }
0x1f5: {  	[tilespmem:v11+s0+$0x0] =	vst.idx.add.f32.msk $0xffff, v5  }
0x1f6: {  	[tilespmem:v13+s0+$0x0] =	vst.idx.add.f32.msk $0xffff, v6  }
0x1f7: {  	s10 =	sadd.s32 $0xA0, s10;
	[tilespmem:v24+s0+$0x0] =	vst.idx.add.f32.msk $0xffff, v7  }
0x1f8: {  	s6 =	sadd.s32 $0x1, s6  }
0x1f9: {  	p0 =	sne.s32 s6, $0xA  }
.Ltmp3:
0x1fa: {  	_ = 	snop;
	(pc) =	sbr.rel @p0 .LBB2_4-.Ltmp3, $1  }
0x1fb: {  	_ =	sdelay $0x3  }
0x1fc: {  	s5 =	rddreg [dreg:$0x8]  }
0x1fd: {  	[hbm4b:s5+s1] =	stream.linear.scatter [tilespmem:s29], [sflag:$0x5], $0x2710, $0x38;
	[tilespmem:$0x1BA00] =	vst v63  }
0x1fe: {  	_ =	swait.ge [sflag:s18], $0x2710  }
0x1ff: {  	[sflag:s18] =	ssyncset.done $0x0  }
0x200: {  	s14 =	rddreg [dreg:$0x9];
	[sflag:s18] =	ssyncadd.s32 $0xFFFFD8F0  }
0x201: {  	[hbm4b:s14+s1] =	stream.linear.scatter [tilespmem:s30], [sflag:$0x5], $0x2710, $0x38;
	[tilespmem:$0x1BA00] =	vst v63  }
0x202: {  	_ =	swait.ge [sflag:s18], $0x2710  }
0x203: {  	[sflag:s18] =	ssyncset.done $0x0  }
0x204: {  	[sflag:s18] =	ssyncadd.s32 $0xFFFFD8F0  }
0x205: {  	[hbm4b:s15+s1] =	stream.linear.scatter [tilespmem:s31], [sflag:$0x5], $0x2710, $0x38;
	[tilespmem:$0x1BA00] =	vst v63  }
0x206: {  	s23 =	sadd.s32 $0x1, s23;
	_ =	swait.ge [sflag:s18], $0x2710  }
0x207: {  	p0 =	sne.s32 s23, s17;
	[sflag:s18] =	ssyncset.done $0x0  }
.Ltmp4:
0x208: {  	[sflag:s18] =	ssyncadd.s32 $0xFFFFD8F0;
	(pc) =	sbr.rel @p0 .LBB2_1-.Ltmp4, $4  }
0x209: {  	[hbm4b:s16+s1] =	stream.linear.scatter [tilespmem:s0], [sflag:$0x5], $0x2710, $0x38;
	[tilespmem:$0x1BA00] =	vst v63  }
0x20a: {  	_ =	swait.ge [sflag:s18], $0x2710  }
0x20b: {  	[sflag:s18] =	ssyncset.done $0x0  }
0x20c: {  	[sflag:s18] =	ssyncadd.s32 $0xFFFFD8F0  }
0x20d: {  	_ =	sfence.sel $0x180000  }
0x20e: {  	[bflag:$0x0] =	sbarrier.arrive $0xFFFF  }
0x20f: {  	_ =	strace $0x9000004A  }
0x210: {  	s0 =	stileid.u32;
	[bflag:$0x2] =	sbarrier.arrive $0xFFFF  }
0x211: {  	p0 =	sne.s32 s0, $0x0;
	s0 =	rddreg [dreg:$0x1]  }
0x212: {  	s0 =	sadd.s32 @!p0 $0x100000, s0  }
0x213: {  	[sflag:s0] =	ssyncadd.tile.s32 @!p0 $0x1;
	_ =	shalt  }
.Lfunc_end2:
_tile_overlayer_lowered:
.L_overlay_start_2:
0x214: {  	(tag) =	ssettag $0x2  }
0x215: {  	s0 =	rddreg [dreg:$0x0];
	s2 =	stileid.u32  }
0x216: {  	s1 =	rddreg [dreg:$0x1];
	p0 =	sne.s32 s2, $0x0  }
0x217: {  	s3 =	rddreg [dreg:$0x2];
	[bflag:$0x3] =	sbarrier.arrive $0xFFFF;
	s2 =	simm.s32 @!p0 $0x1C05  }
0x218: {  	[timem:s3], [sflag:s2] =	dma.local @!p0 [hbm:s0], s1  }
0x219: {  	s0 =	simm.s32 @!p0 $0x5  }
0x21a: {  	_ =	swait.ge @!p0 [sflag:s0], s1  }
0x21b: {  	s1 =	ssub.s32 @!p0 $0x0, s1;
	[sflag:s0] =	ssyncset.done @!p0 $0x0  }
0x21c: {  	[sflag:s0] =	ssyncadd.s32 @!p0 s1  }
0x21d: {  	[bflag:$0x3] =	sbarrier.arrive $0xFFFF  }
0x21e: {  	_ =	shalt  }

// kernel: kernel.7.cloned.1.call-start
scs
__scs_entry_jumppad:
0x0: {  	(pc) =	sbr.rel $0x88, $3  }
0x1: {  	(tag) =	ssettag $0x0;
	lr =	simm.s32 $0x1  }
0x2: {  	[smem:$0x3F98] =	sst lr;
	_ =	strace $0xD0000000  }
0x3: {  	_ = 	snop  }
0x4: {  	_ = 	snop  }
0x5: {  	_ = 	snop  }
0x6: {  	_ = 	snop  }
0x7: {  	_ = 	snop  }
__scs_overlays_trampoline_lowered:
0x8: {  	[smem:$0x3FA7] =	sst s0  }
0x9: {  	[smem:$0x3FA8] =	sst s1  }
0xa: {  	[smem:$0x3FA9] =	sst s2  }
0xb: {  	[smem:$0x3FAA] =	sst s3  }
0xc: {  	[smem:$0x3FAB] =	sst s4  }
0xd: {  	[smem:$0x3FAC] =	sst s5  }
0xe: {  	[smem:$0x3FAD] =	sst s6  }
0xf: {  	[smem:$0x3FAE] =	sst s7  }
0x10: {  	[smem:$0x3FAF] =	sst s8  }
0x11: {  	[smem:$0x3FB0] =	sst s9;
	s0 =	simm.s32 @!p0 $0x0  }
0x12: {  	s1 =	sld [smem:$0x3F96];
	s0 =	simm.s32 @p0 $0x1  }
0x13: {  	[smem:$0x3FB1] =	sst s0;
	s0 =	simm.s32 @!p1 $0x0  }
0x14: {  	s2 =	sld [smem:$0x3F95];
	s0 =	simm.s32 @p1 $0x1  }
0x15: {  	[smem:$0x3FB2] =	sst s0;
	s0 =	simm.s32 @!p2 $0x0  }
0x16: {  	s3 =	sld [smem:$0x3FDB];
	s0 =	simm.s32 @p2 $0x1  }
0x17: {  	s4 =	simm.s32 $0x1BF5;
	[smem:$0x3FB4] =	sst s0  }
0x18: {  	s0 =	sld [smem:$0x3F97];
	_ =	swait.ge [sflag:s4], $0x0  }
0x19: {  	s7 =	sld [smem:$0x3F98]  }
0x1a: {  	s8 =	sadd.s32 $0xFFFFE003, lr  }
0x1b: {  	s9 =	sadd.s32 $0xFFFFFEF7, lr;
	s5 =	simm.s32 $0xFFFFFFFF;
	p2 =	slt.u32 s8, $0xFFFFF086  }
0x1c: {  	p1 =	slt.u32 s9, $0xF7A;
	s5 =	simm.s32 @!p2 $0x0  }
0x1d: {  	s5 =	simm.s32 @p1 $0x1;
	p0 =	seq.s32 s7, s2  }
0x1e: {  	s7 =	smul.u32 @!p0 $0xF7A, s2;
	p2 =	seq.s32 @!p0 s5, $0x0  }
0x1f: {  	s9 =	smul.u32 $0xF7A, s1;
	s8 =	simm.s32 @!p0 $0x1BF5;
	p2 =	por !p2, p0  }
0x20: {  	[sflag:s8] =	ssyncset.s32 @!p0 $0xFFFFF086;
	s6 =	sadd.s32 @!p0 s3, s7;
	s7 =	simm.s32 @!p0 $0x108  }
0x21: {  	s3 =	sadd.s32 s3, s9;
	s6 =	sadd.s32 @!p0 $0x88, s6;
	s7 =	simm.s32 @p2 $0x1082  }
0x22: {  	[simem:s7], [sflag:s8] =	dma.local @!p0 [hbm:s6], $0xF7A  }
0x23: {  	s9 =	sor.u32 $0xD0000000, s2;
	s6 =	simm.s32 $0x108;
	_ =	swait.ge @!p0 [sflag:s8], $0x0  }
0x24: {  	s3 =	sadd.s32 $0x88, s3;
	s6 =	simm.s32 @!p1 $0x1082;
	[sflag:s4] =	ssyncset.s32 $0xFFFFF086  }
0x25: {  	[simem:s6], [sflag:s4] =	dma.local [hbm:s3], $0xF7A  }
0x26: {  	[smem:$0x3F98] =	sst s1;
	(tag) =	ssettag s2;
	_ =	strace s9  }
0x27: {  	s1 =	sld [smem:$0x3FA8]  }
0x28: {  	s2 =	sld [smem:$0x3FA9]  }
0x29: {  	s4 =	sld [smem:$0x3FAB]  }
0x2a: {  	p0 =	seq.s32 s5, $0x0;
	s5 =	sld [smem:$0x3FAC]  }
0x2b: {  	s6 =	sld [smem:$0x3FAD]  }
0x2c: {  	s7 =	sld [smem:$0x3FAE]  }
0x2d: {  	s3 =	simm.s32 $0x108;
	s8 =	sld [smem:$0x3FAF]  }
0x2e: {  	s3 =	simm.s32 @!p0 $0x1082;
	s9 =	sld [smem:$0x3FB0]  }
0x2f: {  	lr =	sadd.s32 s0, s3;
	s0 =	sld [smem:$0x3FA7]  }
0x30: {  	s3 =	sld [smem:$0x3FAA]  }
0x31: {  	[smem:$0x3FB3] =	sst s10  }
0x32: {  	s10 =	sld [smem:$0x3FB1];
	_ =	sdelay $0x3  }
0x33: {  	p0 =	seq.s32 s10, $0x1;
	s10 =	sld [smem:$0x3FB3];
	_ =	sdelay $0x3  }
0x34: {  	[smem:$0x3FB3] =	sst s10  }
0x35: {  	s10 =	sld [smem:$0x3FB2];
	_ =	sdelay $0x3  }
0x36: {  	p1 =	seq.s32 s10, $0x1;
	s10 =	sld [smem:$0x3FB3];
	_ =	sdelay $0x3  }
0x37: {  	[smem:$0x3FB3] =	sst s10  }
0x38: {  	s10 =	sld [smem:$0x3FB4]  }
0x39: {  	_ = 	snop;
	(pc) =	sbr.ind lr, $3  }
0x3a: {  	_ = 	snop  }
0x3b: {  	_ = 	snop  }
0x3c: {  	p2 =	seq.s32 s10, $0x1;
	s10 =	sld [smem:$0x3FB3]  }
0x3d: {  	_ =	shalt  }
0x3e: {  	_ =	shalt  }
0x3f: {  	_ =	shalt  }
0x40: {  	_ =	shalt  }
0x41: {  	_ =	shalt  }
0x42: {  	_ =	shalt  }
0x43: {  	_ =	shalt  }
0x44: {  	_ =	shalt  }
0x45: {  	_ =	shalt  }
0x46: {  	_ =	shalt  }
0x47: {  	_ =	shalt  }
0x48: {  	_ =	shalt  }
0x49: {  	_ =	shalt  }
0x4a: {  	_ =	shalt  }
0x4b: {  	_ =	shalt  }
0x4c: {  	_ =	shalt  }
0x4d: {  	_ =	shalt  }
0x4e: {  	_ =	shalt  }
0x4f: {  	_ =	shalt  }
0x50: {  	_ =	shalt  }
0x51: {  	_ =	shalt  }
0x52: {  	_ =	shalt  }
0x53: {  	_ =	shalt  }
0x54: {  	_ =	shalt  }
0x55: {  	_ =	shalt  }
0x56: {  	_ =	shalt  }
0x57: {  	_ =	shalt  }
0x58: {  	_ =	shalt  }
0x59: {  	_ =	shalt  }
0x5a: {  	_ =	shalt  }
0x5b: {  	_ =	shalt  }
0x5c: {  	_ =	shalt  }
0x5d: {  	_ =	shalt  }
0x5e: {  	_ =	shalt  }
0x5f: {  	_ =	shalt  }
0x60: {  	_ =	shalt  }
0x61: {  	_ =	shalt  }
0x62: {  	_ =	shalt  }
0x63: {  	_ =	shalt  }
0x64: {  	_ =	shalt  }
0x65: {  	_ =	shalt  }
0x66: {  	_ =	shalt  }
0x67: {  	_ =	shalt  }
0x68: {  	_ =	shalt  }
0x69: {  	_ =	shalt  }
0x6a: {  	_ =	shalt  }
0x6b: {  	_ =	shalt  }
0x6c: {  	_ =	shalt  }
0x6d: {  	_ =	shalt  }
0x6e: {  	_ =	shalt  }
0x6f: {  	_ =	shalt  }
0x70: {  	_ =	shalt  }
0x71: {  	_ =	shalt  }
0x72: {  	_ =	shalt  }
0x73: {  	_ =	shalt  }
0x74: {  	_ =	shalt  }
0x75: {  	_ =	shalt  }
0x76: {  	_ =	shalt  }
0x77: {  	_ =	shalt  }
0x78: {  	_ =	shalt  }
0x79: {  	_ =	shalt  }
0x7a: {  	_ =	shalt  }
0x7b: {  	_ =	shalt  }
0x7c: {  	_ =	shalt  }
0x7d: {  	_ =	shalt  }
0x7e: {  	_ =	shalt  }
0x7f: {  	_ =	shalt  }
0x80: {  	_ =	shalt  }
0x81: {  	_ =	shalt  }
0x82: {  	_ =	shalt  }
0x83: {  	_ =	shalt  }
0x84: {  	_ =	shalt  }
0x85: {  	_ =	shalt  }
0x86: {  	_ =	shalt  }
0x87: {  	_ =	shalt  }
.Lfunc_end0:
.L_simem_size_0:
called_computation_lowered:
.L_overlay_start_0:
0x88: {  	s2 =	sld [smem:$0x3FD9]  }
0x89: {  	s3 =	sld [smem:$0x3FFE];
	_ =	sdelay $0x1  }
0x8a: {  	s1 =	srdreg.scid  }
0x8b: {  	s0 =	sand.u32 $0x1, s1  }
0x8c: {  	s16 =	sshll.u32 s0, $0xA;
	s2 =	sadd.s32 s3, s2  }
0x8d: {  	s2 =	sadd.s32 s2, s16  }
0x8e: {  	[smem:$0x3FBF] =	sst s2  }
0x8f: {  	_ = 	snop  }
0x90: {  	(tm) =	ssettm $0x1  }
0x91: {  	s17 =	sld [smem:$0x3FFB];
	_ =	sdelay $0x3  }
0x92: {  	_ =	strace s17  }
0x93: {  	s2 =	sld [smem:$0x3FFC];
	_ =	sdelay $0x3  }
0x94: {  	_ =	strace s2  }
0x95: {  	s2 =	sld [smem:$0x3FFD];
	_ =	sdelay $0x3  }
0x96: {  	_ =	strace s2  }
0x97: {  	_ =	strace $0x8FFFFFFF  }
0x98: {  	s18 =	sld [smem:$0x3FDB];
	_ =	sdelay $0x1  }
0x99: {  	s19 =	simm.s32 $_scs_section_size  }
0x9a: {  	s4 =	simm.s32 $_size__tile_overlayer_lowered;
	s5 =	simm.s32 $_tile_overlayer_lowered  }
0x9b: {  	s22 =	simm.s32 $0x1BFF;
	s21 =	sshll.u32 s5, $0x1;
	s2 =	sadd.s32 s19, s18  }
0x9c: {  	s6 =	simm.s32 $0x0;
	s20 =	sshll.u32 s4, $0x1;
	s4 =	sadd.s32 s21, s2  }
0x9d: {  	[timem:s6], [sflag:s22] =	dma.local [hbm:s4], s20  }
0x9e: {  	_ =	swait.ge [sflag:s22], s20  }
0x9f: {  	s3 =	ssub.s32 $0x0, s20;
	[sflag:s22] =	ssyncset.done $0x0  }
0xa0: {  	[sflag:s22] =	ssyncadd.s32 s3;
	_ =	sdelay $0x1  }
0xa1: {  	s23 =	simm.s32 $0x1B8B  }
0xa2: {  	_ =	swait.ge [sflag:s23], $0x1  }
0xa3: {  	[sflag:s23] =	ssyncset.done $0x0  }
0xa4: {  	s25 =	simm.s32 $0x1B8E;
	s24 =	sld [smem:$0x3FFE];
	[sflag:s23] =	ssyncadd.s32 $0xFFFFFFFF  }
0xa5: {  	s26 =	simm.s32 $execute0_lowered;
	[smem:$0x3FD2] =	sst s25  }
0xa6: {  	s4 =	sshll.u32 s26, $0x1;
	_ =	strace $0x80000046;
	[dreg:$0x1] =	wrdreg $0xFFFFFFFF  }
0xa7: {  	s28 =	simm.s32 $_size_execute0_lowered;
	s2 =	sadd.s32 s2, s4;
	[dreg:$0x0] =	wrdreg $0x0  }
0xa8: {  	s4 =	sshll.u32 s28, $0x1;
	[dreg:$0x2] =	wrdreg s2  }
0xa9: {  	[dreg:$0x3] =	wrdreg s4  }
0xaa: {  	[dreg:$0x4] =	wrdreg $0xC0  }
0xab: {  	_ =	task [dreg:s6], $0x5FFFF  }
0xac: {  	[dreg:$0x1] =	wrdreg $0xFFFFFFFF  }
0xad: {  	[dreg:$0x0] =	wrdreg $0x60  }
0xae: {  	[dreg:$0x2] =	wrdreg s24  }
0xaf: {  	[dreg:$0x3] =	wrdreg $0x9  }
0xb0: {  	_ =	task.clear_ibuf [dreg:s6], $0x4FFFF;
	_ =	strace $0x90000046  }
0xb1: {  	s29 =	simm.s32 $0x9;
	_ =	strace $0x80000048  }
0xb2: {  	_ =	swait.ge [sflag:s29], $0x1  }
0xb3: {  	[sflag:s29] =	ssyncadd.s32 $0xFFFFFFFF  }
0xb4: {  	_ =	strace $0x90000048  }
0xb5: {  	_ =	sfence  }
0xb6: {  	s30 =	sld [smem:$0x0];
	_ =	sdelay $0x2  }
0xb7: {  	s31 =	sshll.u32 s1, $0xD;
	s1 =	sshrl.u32 s1, $0x2  }
0xb8: {  	s3 =	sand.u32 $0x4000, s31;
	s1 =	sadd.s32 s1, s30  }
0xb9: {  	s0 =	sor.u32 s3, s0;
	s1 =	sshll.u32 s1, $0x11  }
0xba: {  	s0 =	sor.u32 s1, s0  }
0xbb: {  	s0 =	sadd.s32 $0x8F2B, s0  }
0xbc: {  	[sflag:s0] =	ssyncadd.remote.s32 $0x1  }
0xbd: {  	_ =	sfence.sel $0xFFFF  }
0xbe: {  	[dreg:$0x0] =	wrdreg $0xFFFFFFFF;
	(pc) =	sbr.abs _section_cstart, $3  }
0xbf: {  	[dreg:$0x1] =	wrdreg $0xFFFFFFFF  }
0xc0: {  	_ =	task.clear_ibuf [dreg:s6], $0x2FFFF;
	_ =	strace $0x9FFFFFFF  }
0xc1: {  	(tm) =	ssettm $0x7FFFFFFF  }
tec
execute0_lowered:
.L_overlay_start_1:
0x0: {  	(tag) =	ssettag $0x1  }
0x1: {  	s0 =	rddreg [dreg:$0x0]  }
0x2: {  	s2 =	simm.s32 $0x0;
	s1 =	srdreg.scid;
	s14 =	stileid.u32  }
0x3: {  	s28 =	simm.s32 $0x19A80;
	s29 =	simm.s32 $0x1;
	s30 =	simm.s32 $0x2  }
0x4: {  	s31 =	simm.s32 $0x9E00;
	[smem:$0x7FF] =	sst s2;
	s1 =	sand.u32 $0x1, s1  }
0x5: {  	s3 =	sadd.s32 $0xFFFFFFF2, s14;
	s6 =	sadd.s32 $0x15200, s0;
	s11 =	smul.u32 $0x9C40, s14  }
0x6: {  	s4 =	sadd.s32 $0xB400, s0;
	s9 =	sadd.s32 $0x2A000, s0;
	s15 =	smul.u32 $0x1388, s14  }
0x7: {  	s16 =	sshll.u32 s14, $0x2;
	p0 =	sgt.u32 s14, $0xD;
	p1 =	slt.u32 s14, $0xE  }
0x8: {  	_ =	strace $0x80000047;
	s5 =	sshll.u32 s1, $0x1;
	s8 =	ssub.s32 $0x2, s1  }
0x9: {  	s12 =	sshll.u32 s1, $0x6;
	s1 =	smul.u32 $0x27100, s1;
	s7 =	sadd.s32 s5, s3  }
0xa: {  	s5 =	sadd.s32 $0x1600, s0;
	s10 =	sshrl.u32 s8, $0x1;
	s11 =	sshrl.u32 s11, $0x3  }
0xb: {  	s7 =	smul.u32 $0x4E2, s7;
	s11 =	sadd.s32 s6, s11;
	s6 =	sadd.s32 s6, s15  }
0xc: {  	s21 =	sshrl.u32 s1, $0x3;
	[dreg:$0x2] =	wrdreg s6;
	s17 =	sadd.s32 $0x4E2, s11  }
0xd: {  	s13 =	sadd.s32 $0x3E80, s1;
	s19 =	sadd.s32 $0x9C4, s11;
	[dreg:$0x3] =	wrdreg s17  }
0xe: {  	s20 =	sadd.s32 $0xEA6, s11;
	s22 =	sadd.s32 s4, s21;
	[dreg:$0x4] =	wrdreg s19  }
0xf: {  	s0 =	sadd.s32 s7, s0;
	s7 =	ssub.s32 s8, s10;
	[dreg:$0x5] =	wrdreg s20  }
0x10: {  	s10 =	sor.u32 s16, s12;
	[dreg:$0x6] =	wrdreg s22;
	s8 =	sadd.s32 s5, s21  }
0x11: {  	s12 =	sadd.s32 $0x1F40, s1;
	s20 =	simm.s32 $0x5;
	s21 =	simm.s32 $0x2780  }
0x12: {  	s22 =	simm.s32 $0x4F00;
	s1 =	simm.s32 $0xED00;
	s18 =	smul.u32 $0x2710, s10  }
0x13: {  	s10 =	smul.u32 $0x4E2, s10;
	[dreg:$0x7] =	wrdreg s8;
	s0 =	sadd.s32 $0x28C00, s0  }
0x14: {  	s19 =	smax.u32 s7, $0x1;
	s7 =	simm.s32 $0x4;
	s6 =	sshrl.u32 s18, $0x3  }
0x15: {  	[dreg:$0xc] =	wrdreg s0;
	s23 =	sadd.s32 s9, s10;
	s6 =	sadd.s32 s9, s6  }
.Ltmp0:
0x16: {  	[dreg:$0x8] =	wrdreg s23;
	s24 =	sadd.s32 $0x4E2, s6;
	(pc) =	sbr.rel .LBB2_1-.Ltmp0, $4  }
0x17: {  	s8 =	simm.s32 $0x0;
	s25 =	sadd.s32 $0x9C4, s6;
	[dreg:$0x9] =	wrdreg s24  }
0x18: {  	s0 =	simm.s32 $0xC580;
	s26 =	sadd.s32 $0xEA6, s6;
	[dreg:$0xa] =	wrdreg s25  }
0x19: {  	s23 =	simm.s32 $0x7680;
	s6 =	simm.s32 $0x3;
	[dreg:$0xb] =	wrdreg s26  }
0x1a: {  	v0 =	vimm.f32 $0.0e+00;
	v1 =	vimm.f32 $1.000000000e+00;
	s26 =	simm.s32 $0x17B00;
	s24 =	simm.s32 $0x11480;
	s25 =	simm.s32 $0x1BA00  }
.LBB2_17:
0x1b: {  	s9 =	rddreg [dreg:$0x8]  }
0x1c: {  	[hbm4b:s9+s2] =	stream.linear.scatter [tilespmem:s31], [sflag:$0x5], $0x2710, $0x38;
	[tilespmem:$0x1E180] =	vst v63  }
0x1d: {  	_ =	swait.ge [sflag:s20], $0x2710  }
0x1e: {  	[sflag:s20] =	ssyncset.done $0x0  }
0x1f: {  	s16 =	rddreg [dreg:$0x9];
	[sflag:s20] =	ssyncadd.s32 $0xFFFFD8F0  }
0x20: {  	[hbm4b:s16+s2] =	stream.linear.scatter [tilespmem:s0], [sflag:$0x5], $0x2710, $0x38;
	[tilespmem:$0x1E180] =	vst v63  }
0x21: {  	_ =	swait.ge [sflag:s20], $0x2710  }
0x22: {  	[sflag:s20] =	ssyncset.done $0x0  }
0x23: {  	s17 =	rddreg [dreg:$0xa];
	[sflag:s20] =	ssyncadd.s32 $0xFFFFD8F0  }
0x24: {  	[hbm4b:s17+s2] =	stream.linear.scatter [tilespmem:s1], [sflag:$0x5], $0x2710, $0x38;
	[tilespmem:$0x1E180] =	vst v63  }
0x25: {  	_ =	swait.ge [sflag:s20], $0x2710  }
0x26: {  	[sflag:s20] =	ssyncset.done $0x0  }
0x27: {  	s18 =	rddreg [dreg:$0xb];
	[sflag:s20] =	ssyncadd.s32 $0xFFFFD8F0  }
0x28: {  	[hbm4b:s18+s2] =	stream.linear.scatter [tilespmem:s24], [sflag:$0x5], $0x2710, $0x38;
	[tilespmem:$0x1E180] =	vst v63  }
0x29: {  	s10 =	simm.s32 @!p1 $0x1BA00;
	_ =	swait.ge [sflag:s20], $0x2710  }
0x2a: {  	s8 =	sadd.s32 $0x1, s8;
	s9 =	simm.s32 @!p1 $0x0;
	[sflag:s20] =	ssyncset.done $0x0  }
0x2b: {  	p2 =	sne.s32 s8, s19;
	s11 =	rddreg [dreg:$0xc];
	[sflag:s20] =	ssyncadd.s32 $0xFFFFD8F0  }
0x2c: {  	[hbm4b:s11+s9] =	stream.linear.scatter @!p1 [tilespmem:s10], [sflag:$0x5], $0x2710, $0x38;
	[tilespmem:$0x1E180] =	vst v63  }
.Ltmp1:
0x2d: {  	_ = 	snop;
	(pc) =	sbr.rel @!p2 .LBB2_18-.Ltmp1, $4  }
0x2e: {  	s9 =	simm.s32 @!p1 $0x5  }
0x2f: {  	_ =	swait.ge @!p1 [sflag:s9], $0x2710  }
0x30: {  	[sflag:s9] =	ssyncset.done @!p1 $0x0  }
0x31: {  	[sflag:s9] =	ssyncadd.s32 @!p1 $0xFFFFD8F0  }
.LBB2_1:
0x32: {  	s9 =	rddreg [dreg:$0x2]  }
0x33: {  	[tilespmem:s2], [sflag:$0x5] =	stream.linear.gather [hbm4b:s9+s2], $0x2710, $0x38;
	[tilespmem:$0x1E180] =	vst v63  }
0x34: {  	_ =	swait.ge [sflag:s20], $0x2710  }
0x35: {  	[sflag:s20] =	ssyncset.done $0x0  }
0x36: {  	s16 =	rddreg [dreg:$0x3];
	[sflag:s20] =	ssyncadd.s32 $0xFFFFD8F0  }
0x37: {  	[tilespmem:s21], [sflag:$0x5] =	stream.linear.gather [hbm4b:s16+s2], $0x2710, $0x38;
	[tilespmem:$0x1E180] =	vst v63  }
0x38: {  	_ =	swait.ge [sflag:s20], $0x2710  }
0x39: {  	[sflag:s20] =	ssyncset.done $0x0  }
0x3a: {  	s17 =	rddreg [dreg:$0x4];
	[sflag:s20] =	ssyncadd.s32 $0xFFFFD8F0  }
0x3b: {  	[tilespmem:s22], [sflag:$0x5] =	stream.linear.gather [hbm4b:s17+s2], $0x2710, $0x38;
	[tilespmem:$0x1E180] =	vst v63  }
0x3c: {  	_ =	swait.ge [sflag:s20], $0x2710  }
0x3d: {  	[sflag:s20] =	ssyncset.done $0x0  }
0x3e: {  	s18 =	rddreg [dreg:$0x5];
	[sflag:s20] =	ssyncadd.s32 $0xFFFFD8F0  }
0x3f: {  	[tilespmem:s23], [sflag:$0x5] =	stream.linear.gather [hbm4b:s18+s2], $0x2710, $0x38;
	[tilespmem:$0x1E180] =	vst v63  }
0x40: {  	_ =	swait.ge [sflag:s20], $0x2710  }
0x41: {  	[sflag:s20] =	ssyncset.done $0x0  }
0x42: {  	s15 =	simm.s32 $0x9E20;
	[sflag:s20] =	ssyncadd.s32 $0xFFFFD8F0  }
0x43: {  	[tilespmem:s15+$0xFFFFFFF0] =	vst v0  }
0x44: {  	[tilespmem:s15+$0x0] =	vst v0  }
0x45: {  	[tilespmem:s15+$0x10] =	vst v0  }
0x46: {  	s9 =	simm.s32 $0xC5A0;
	[tilespmem:s15+$0xFFFFFFE0] =	vst v0  }
0x47: {  	[tilespmem:s9+$0xFFFFFFF0] =	vst v0  }
0x48: {  	[tilespmem:s9+$0x0] =	vst v0  }
0x49: {  	[tilespmem:s9+$0x10] =	vst v0  }
0x4a: {  	s10 =	simm.s32 $0xED20;
	[tilespmem:s9+$0xFFFFFFE0] =	vst v0  }
0x4b: {  	[tilespmem:s10+$0xFFFFFFF0] =	vst v0  }
0x4c: {  	[tilespmem:s10+$0x0] =	vst v0  }
0x4d: {  	[tilespmem:s10+$0x10] =	vst v0  }
0x4e: {  	s11 =	simm.s32 $0x114A0;
	[tilespmem:s10+$0xFFFFFFE0] =	vst v0  }
0x4f: {  	[tilespmem:s11+$0xFFFFFFF0] =	vst v0  }
0x50: {  	[tilespmem:s11+$0x0] =	vst v0  }
0x51: {  	[tilespmem:s11+$0x10] =	vst v0  }
0x52: {  	s14 =	simm.s32 $0x1BA20;
	[tilespmem:s11+$0xFFFFFFE0] =	vst v0  }
0x53: {  	[tilespmem:s14+$0xFFFFFFF0] =	vst v0  }
0x54: {  	[tilespmem:s14+$0x0] =	vst v0  }
0x55: {  	[tilespmem:s14+$0x10] =	vst v0  }
0x56: {  	s16 =	simm.s32 $0x9E60;
	s15 =	simm.s32 $0x0;
	[tilespmem:s14+$0xFFFFFFE0] =	vst v0  }
.LBB2_2:
0x57: {  	[tilespmem:s16+$0xFFFFFFF0] =	vst v0;
	s9 =	sadd.s32 $0x40, s9  }
0x58: {  	s10 =	sadd.s32 $0x40, s10;
	[tilespmem:s9+$0xFFFFFFF0] =	vst v0  }
0x59: {  	s11 =	sadd.s32 $0x40, s11;
	[tilespmem:s10+$0xFFFFFFF0] =	vst v0  }
0x5a: {  	s14 =	sadd.s32 $0x40, s14;
	[tilespmem:s11+$0xFFFFFFF0] =	vst v0  }
0x5b: {  	[tilespmem:s14+$0xFFFFFFF0] =	vst v0  }
0x5c: {  	[tilespmem:s16+$0x0] =	vst v0  }
0x5d: {  	[tilespmem:s9+$0x0] =	vst v0  }
0x5e: {  	[tilespmem:s10+$0x0] =	vst v0  }
0x5f: {  	[tilespmem:s11+$0x0] =	vst v0  }
0x60: {  	[tilespmem:s14+$0x0] =	vst v0  }
0x61: {  	[tilespmem:s16+$0x10] =	vst v0  }
0x62: {  	[tilespmem:s9+$0x10] =	vst v0  }
0x63: {  	[tilespmem:s10+$0x10] =	vst v0  }
0x64: {  	s15 =	sadd.s32 $0x4, s15;
	[tilespmem:s11+$0x10] =	vst v0  }
0x65: {  	p2 =	slt.u32 s15, $0x26C;
	[tilespmem:s14+$0x10] =	vst v0  }
.Ltmp2:
0x66: {  	[tilespmem:s16+$0xFFFFFFE0] =	vst v0;
	(pc) =	sbr.rel @p2 .LBB2_2-.Ltmp2, $4  }
0x67: {  	[tilespmem:s9+$0xFFFFFFE0] =	vst v0  }
0x68: {  	[tilespmem:s10+$0xFFFFFFE0] =	vst v0  }
0x69: {  	[tilespmem:s11+$0xFFFFFFE0] =	vst v0  }
0x6a: {  	s16 =	sadd.s32 $0x40, s16;
	[tilespmem:s14+$0xFFFFFFE0] =	vst v0  }
0x6b: {  	[tilespmem:$0xC500] =	vst v0  }
0x6c: {  	[tilespmem:$0xEC80] =	vst v0  }
0x6d: {  	[tilespmem:$0x11400] =	vst v0  }
.Ltmp3:
0x6e: {  	[tilespmem:$0x13B80] =	vst v0;
	(pc) =	sbr.rel .LBB2_4-.Ltmp3, $4  }
0x6f: {  	[tilespmem:$0x1E100] =	vst v0;
	s9 =	simm.s32 $0x0;
	s10 =	rddreg [dreg:$0x6];
	s11 =	simm.s32 $0x13C00  }
0x70: {  	[tilespmem:s11], [sflag:$0x1] =	stream.linear.gather [hbm4b:s10+s9], $0x1F40, $0x38;
	[tilespmem:$0x1E180] =	vst v63  }
0x71: {  	s17 =	rddreg [dreg:$0x7];
	s18 =	simm.s32 $0x15B80;
	s10 =	simm.s32 $0x0  }
0x72: {  	[tilespmem:s18], [sflag:$0x2] =	stream.linear.gather [hbm4b:s17+s9], $0x1F40, $0x38;
	[tilespmem:$0x1E180] =	vst v63  }
.LBB2_16:
0x73: {  	s10 =	sadd.s32 $0x1, s10  }
0x74: {  	p2 =	sne.s32 s10, $0xA  }
.Ltmp4:
0x75: {  	_ = 	snop;
	(pc) =	sbr.rel @!p2 .LBB2_17-.Ltmp4, $1  }
0x76: {  	_ =	sdelay $0x3  }
.LBB2_4:
0x77: {  	s11 =	smul.u32 $0x3E80, s10;
	_ =	sdelay $0x1  }
0x78: {  	s14 =	sadd.s32 s11, s12  }
0x79: {  	s14 =	sshrl.u32 s14, $0x3  }
0x7a: {  	s15 =	sadd.s32 s4, s14  }
0x7b: {  	[tilespmem:s26], [sflag:$0x3] =	stream.linear.gather [hbm4b:s15+s9], $0x1F40, $0x38;
	[tilespmem:$0x1E180] =	vst v63  }
0x7c: {  	s14 =	sadd.s32 s5, s14  }
0x7d: {  	[tilespmem:s28], [sflag:$0x4] =	stream.linear.gather [hbm4b:s14+s9], $0x1F40, $0x38;
	[tilespmem:$0x1E180] =	vst v63  }
0x7e: {  	_ =	swait.ge [sflag:s29], $0x1F40  }
0x7f: {  	[sflag:s29] =	ssyncset.done $0x0  }
0x80: {  	[sflag:s29] =	ssyncadd.s32 $0xFFFFE0C0  }
0x81: {  	_ =	swait.ge [sflag:s30], $0x1F40  }
0x82: {  	[sflag:s30] =	ssyncset.done $0x0  }
0x83: {  	s18 =	simm.s32 $0x13C50;
	[sflag:s30] =	ssyncadd.s32 $0xFFFFE0C0  }
0x84: {  	v2 =	vld [tilespmem:s18+$0x40]  }
0x85: {  	v3 =	vld [tilespmem:s18+$0xFFFFFFC0]  }
0x86: {  	s16 =	sand.u32 $0x1FE0, s9;
	v4 =	vld [tilespmem:s18+$0xFFFFFFD0]  }
0x87: {  	v5 =	vld [tilespmem:s16+$0x13C80]  }
0x88: {  	v6 =	vld [tilespmem:s18+$0xFFFFFFE0]  }
0x89: {  	v7 =	vld [tilespmem:s18+$0xFFFFFFF0]  }
0x8a: {  	s14 =	simm.s32 $0x15BD0;
	v8 =	vld [tilespmem:s18+$0x0]  }
0x8b: {  	v9 =	vld [tilespmem:s14+$0x40]  }
0x8c: {  	v11 =	vld [tilespmem:s16+$0x15C00]  }
0x8d: {  	v12 =	vld [tilespmem:s18+$0x10]  }
0x8e: {  	v14 =	vld [tilespmem:s18+$0x20]  }
0x8f: {  	v15 =	vld [tilespmem:s18+$0xFFFFFFB0]  }
0x90: {  	v55 =	vld [tilespmem:s14+$0xFFFFFFB0]  }
0x91: {  	v23 =	vld [tilespmem:s14+$0xFFFFFFC0]  }
0x92: {  	v24 =	vld [tilespmem:s14+$0xFFFFFFD0]  }
0x93: {  	v56 =	vld [tilespmem:s14+$0xFFFFFFF0]  }
0x94: {  	v57 =	vld [tilespmem:s14+$0x0]  }
0x95: {  	v58 =	vld [tilespmem:s14+$0x10]  }
0x96: {  	v25 =	vld [tilespmem:s14+$0x20]  }
0x97: {  	v10 =	vld.idx.msk [tilespmem:v2+s2+$0x0], $0xffff  }
0x98: {  	v13 =	vld.idx.msk [tilespmem:v5+s2+$0x0], $0xffff  }
0x99: {  	v16 =	vld.idx.msk [tilespmem:v3+s2+$0x0], $0xffff  }
0x9a: {  	v17 =	vld.idx.msk [tilespmem:v4+s2+$0x0], $0xffff  }
0x9b: {  	v18 =	vld.idx.msk [tilespmem:v6+s2+$0x0], $0xffff  }
0x9c: {  	v19 =	vld.idx.msk [tilespmem:v15+s2+$0x0], $0xffff  }
0x9d: {  	v20 =	vld.idx.msk [tilespmem:v7+s2+$0x0], $0xffff  }
0x9e: {  	v21 =	vld.idx.msk [tilespmem:v8+s2+$0x0], $0xffff  }
0x9f: {  	v22 =	vld.idx.msk [tilespmem:v12+s2+$0x0], $0xffff  }
0xa0: {  	v54 =	vld.idx.msk [tilespmem:v14+s2+$0x0], $0xffff  }
0xa1: {  	[tilespmem:v9+s31+$0x0] =	vst.idx.add.f32.msk $0xffff, v10  }
0xa2: {  	[tilespmem:v11+s31+$0x0] =	vst.idx.add.f32.msk $0xffff, v13  }
0xa3: {  	[tilespmem:v55+s31+$0x0] =	vst.idx.add.f32.msk $0xffff, v19  }
0xa4: {  	[tilespmem:v23+s31+$0x0] =	vst.idx.add.f32.msk $0xffff, v16  }
0xa5: {  	[tilespmem:v24+s31+$0x0] =	vst.idx.add.f32.msk $0xffff, v17  }
0xa6: {  	[tilespmem:v56+s31+$0x0] =	vst.idx.add.f32.msk $0xffff, v20  }
0xa7: {  	[tilespmem:v57+s31+$0x0] =	vst.idx.add.f32.msk $0xffff, v21  }
0xa8: {  	[tilespmem:v58+s31+$0x0] =	vst.idx.add.f32.msk $0xffff, v22  }
0xa9: {  	[tilespmem:v25+s31+$0x0] =	vst.idx.add.f32.msk $0xffff, v54  }
0xaa: {  	v10 =	vld.idx.msk [tilespmem:v2+s21+$0x0], $0xffff  }
0xab: {  	v13 =	vld.idx.msk [tilespmem:v5+s21+$0x0], $0xffff  }
0xac: {  	v59 =	vld.idx.msk [tilespmem:v15+s21+$0x0], $0xffff  }
0xad: {  	v16 =	vld.idx.msk [tilespmem:v3+s21+$0x0], $0xffff  }
0xae: {  	v17 =	vld.idx.msk [tilespmem:v4+s21+$0x0], $0xffff  }
0xaf: {  	v60 =	vld.idx.msk [tilespmem:v7+s21+$0x0], $0xffff  }
0xb0: {  	v61 =	vld.idx.msk [tilespmem:v8+s21+$0x0], $0xffff  }
0xb1: {  	v62 =	vld.idx.msk [tilespmem:v12+s21+$0x0], $0xffff  }
0xb2: {  	v63 =	vld.idx.msk [tilespmem:v14+s21+$0x0], $0xffff  }
0xb3: {  	[tilespmem:v9+s0+$0x0] =	vst.idx.add.f32.msk $0xffff, v10  }
0xb4: {  	[tilespmem:v11+s0+$0x0] =	vst.idx.add.f32.msk $0xffff, v13  }
0xb5: {  	[tilespmem:v55+s0+$0x0] =	vst.idx.add.f32.msk $0xffff, v59  }
0xb6: {  	[tilespmem:v23+s0+$0x0] =	vst.idx.add.f32.msk $0xffff, v16  }
0xb7: {  	[tilespmem:v24+s0+$0x0] =	vst.idx.add.f32.msk $0xffff, v17  }
0xb8: {  	[tilespmem:v56+s0+$0x0] =	vst.idx.add.f32.msk $0xffff, v60  }
0xb9: {  	[tilespmem:v57+s0+$0x0] =	vst.idx.add.f32.msk $0xffff, v61  }
0xba: {  	[tilespmem:v58+s0+$0x0] =	vst.idx.add.f32.msk $0xffff, v62  }
0xbb: {  	[tilespmem:v25+s0+$0x0] =	vst.idx.add.f32.msk $0xffff, v63  }
0xbc: {  	v10 =	vld.idx.msk [tilespmem:v2+s22+$0x0], $0xffff  }
0xbd: {  	v13 =	vld.idx.msk [tilespmem:v5+s22+$0x0], $0xffff  }
0xbe: {  	v16 =	vld.idx.msk [tilespmem:v3+s22+$0x0], $0xffff  }
0xbf: {  	v17 =	vld.idx.msk [tilespmem:v4+s22+$0x0], $0xffff  }
0xc0: {  	v19 =	vld.idx.msk [tilespmem:v7+s22+$0x0], $0xffff  }
0xc1: {  	v20 =	vld.idx.msk [tilespmem:v8+s22+$0x0], $0xffff  }
0xc2: {  	v21 =	vld.idx.msk [tilespmem:v12+s22+$0x0], $0xffff  }
0xc3: {  	v22 =	vld.idx.msk [tilespmem:v14+s22+$0x0], $0xffff  }
0xc4: {  	[tilespmem:v9+s1+$0x0] =	vst.idx.add.f32.msk $0xffff, v10  }
0xc5: {  	[tilespmem:v11+s1+$0x0] =	vst.idx.add.f32.msk $0xffff, v13  }
0xc6: {  	v10 =	vld.idx.msk [tilespmem:v15+s22+$0x0], $0xffff  }
0xc7: {  	v2 =	vld.idx.msk [tilespmem:v2+s23+$0x0], $0xffff  }
0xc8: {  	[tilespmem:v23+s1+$0x0] =	vst.idx.add.f32.msk $0xffff, v16  }
0xc9: {  	[tilespmem:v24+s1+$0x0] =	vst.idx.add.f32.msk $0xffff, v17  }
0xca: {  	[tilespmem:v56+s1+$0x0] =	vst.idx.add.f32.msk $0xffff, v19  }
0xcb: {  	[tilespmem:v57+s1+$0x0] =	vst.idx.add.f32.msk $0xffff, v20  }
0xcc: {  	[tilespmem:v9+s24+$0x0] =	vst.idx.add.f32.msk $0xffff, v2  }
0xcd: {  	v2 =	vld [tilespmem:s14+$0xFFFFFFE0]  }
0xce: {  	[tilespmem:v58+s1+$0x0] =	vst.idx.add.f32.msk $0xffff, v21  }
0xcf: {  	[tilespmem:v25+s1+$0x0] =	vst.idx.add.f32.msk $0xffff, v22  }
0xd0: {  	v5 =	vld.idx.msk [tilespmem:v5+s23+$0x0], $0xffff  }
0xd1: {  	v3 =	vld.idx.msk [tilespmem:v3+s23+$0x0], $0xffff  }
0xd2: {  	v4 =	vld.idx.msk [tilespmem:v4+s23+$0x0], $0xffff  }
0xd3: {  	v7 =	vld.idx.msk [tilespmem:v7+s23+$0x0], $0xffff  }
0xd4: {  	v8 =	vld.idx.msk [tilespmem:v8+s23+$0x0], $0xffff  }
0xd5: {  	[tilespmem:v2+s31+$0x0] =	vst.idx.add.f32.msk $0xffff, v18  }
0xd6: {  	v18 =	vld.idx.msk [tilespmem:v6+s21+$0x0], $0xffff  }
0xd7: {  	v12 =	vld.idx.msk [tilespmem:v12+s23+$0x0], $0xffff  }
0xd8: {  	v14 =	vld.idx.msk [tilespmem:v14+s23+$0x0], $0xffff  }
0xd9: {  	[tilespmem:v55+s1+$0x0] =	vst.idx.add.f32.msk $0xffff, v10  }
0xda: {  	[tilespmem:v11+s24+$0x0] =	vst.idx.add.f32.msk $0xffff, v5  }
0xdb: {  	[tilespmem:v2+s0+$0x0] =	vst.idx.add.f32.msk $0xffff, v18  }
0xdc: {  	v18 =	vld.idx.msk [tilespmem:v6+s22+$0x0], $0xffff  }
0xdd: {  	v10 =	vld.idx.msk [tilespmem:v15+s23+$0x0], $0xffff  }
0xde: {  	[tilespmem:v23+s24+$0x0] =	vst.idx.add.f32.msk $0xffff, v3  }
0xdf: {  	[tilespmem:v24+s24+$0x0] =	vst.idx.add.f32.msk $0xffff, v4  }
0xe0: {  	[tilespmem:v56+s24+$0x0] =	vst.idx.add.f32.msk $0xffff, v7  }
0xe1: {  	[tilespmem:v2+s1+$0x0] =	vst.idx.add.f32.msk $0xffff, v18  }
0xe2: {  	v6 =	vld.idx.msk [tilespmem:v6+s23+$0x0], $0xffff  }
0xe3: {  	[tilespmem:v57+s24+$0x0] =	vst.idx.add.f32.msk $0xffff, v8  }
0xe4: {  	[tilespmem:v58+s24+$0x0] =	vst.idx.add.f32.msk $0xffff, v12  }
0xe5: {  	[tilespmem:v25+s24+$0x0] =	vst.idx.add.f32.msk $0xffff, v14  }
0xe6: {  	[tilespmem:v55+s24+$0x0] =	vst.idx.add.f32.msk $0xffff, v10  }
0xe7: {  	s17 =	simm.s32 $0x0;
	s15 =	simm.s32 $0x0;
	s16 =	simm.s32 $0x13CF0;
	[tilespmem:v2+s24+$0x0] =	vst.idx.add.f32.msk $0xffff, v6  }
.LBB2_5:
0xe8: {  	v10 =	vld [tilespmem:s16+$0x40]  }
0xe9: {  	s17 =	sadd.s32 $0xA0, s17;
	v2 =	vld [tilespmem:s16+$0xFFFFFFC0]  }
0xea: {  	s15 =	sadd.s32 $0xA, s15;
	s18 =	sand.u32 $0x1FE0, s17;
	v3 =	vld [tilespmem:s16+$0xFFFFFFD0]  }
0xeb: {  	p2 =	slt.u32 s15, $0x1EA;
	v11 =	vld [tilespmem:s18+$0x13C80]  }
0xec: {  	v4 =	vld [tilespmem:s16+$0xFFFFFFE0]  }
0xed: {  	v5 =	vld [tilespmem:s16+$0xFFFFFFF0]  }
0xee: {  	s14 =	sadd.s32 $0xA0, s14;
	v6 =	vld [tilespmem:s16+$0x0]  }
0xef: {  	v12 =	vld [tilespmem:s14+$0x40]  }
0xf0: {  	v13 =	vld.idx.msk [tilespmem:v10+s2+$0x0], $0xffff  }
0xf1: {  	v14 =	vld [tilespmem:s18+$0x15C00]  }
0xf2: {  	v7 =	vld [tilespmem:s16+$0x10]  }
0xf3: {  	v15 =	vld.idx.msk [tilespmem:v11+s2+$0x0], $0xffff  }
0xf4: {  	v8 =	vld [tilespmem:s16+$0x20]  }
0xf5: {  	v9 =	vld [tilespmem:s16+$0xFFFFFFB0]  }
0xf6: {  	v16 =	vld.idx.msk [tilespmem:v2+s2+$0x0], $0xffff  }
0xf7: {  	[tilespmem:v12+s31+$0x0] =	vst.idx.add.f32.msk $0xffff, v13  }
0xf8: {  	v13 =	vld.idx.msk [tilespmem:v10+s21+$0x0], $0xffff  }
0xf9: {  	[tilespmem:v14+s31+$0x0] =	vst.idx.add.f32.msk $0xffff, v15  }
0xfa: {  	v15 =	vld.idx.msk [tilespmem:v11+s21+$0x0], $0xffff  }
0xfb: {  	v17 =	vld.idx.msk [tilespmem:v3+s2+$0x0], $0xffff  }
0xfc: {  	v18 =	vld.idx.msk [tilespmem:v4+s2+$0x0], $0xffff  }
0xfd: {  	v19 =	vld.idx.msk [tilespmem:v9+s2+$0x0], $0xffff  }
0xfe: {  	[tilespmem:v12+s0+$0x0] =	vst.idx.add.f32.msk $0xffff, v13  }
0xff: {  	v13 =	vld.idx.msk [tilespmem:v10+s22+$0x0], $0xffff  }
0x100: {  	[tilespmem:v14+s0+$0x0] =	vst.idx.add.f32.msk $0xffff, v15  }
0x101: {  	v15 =	vld.idx.msk [tilespmem:v11+s22+$0x0], $0xffff  }
0x102: {  	v20 =	vld.idx.msk [tilespmem:v5+s2+$0x0], $0xffff  }
0x103: {  	v21 =	vld.idx.msk [tilespmem:v6+s2+$0x0], $0xffff  }
0x104: {  	v22 =	vld.idx.msk [tilespmem:v7+s2+$0x0], $0xffff  }
0x105: {  	[tilespmem:v12+s1+$0x0] =	vst.idx.add.f32.msk $0xffff, v13  }
0x106: {  	v10 =	vld.idx.msk [tilespmem:v10+s23+$0x0], $0xffff  }
0x107: {  	[tilespmem:v14+s1+$0x0] =	vst.idx.add.f32.msk $0xffff, v15  }
0x108: {  	v11 =	vld.idx.msk [tilespmem:v11+s23+$0x0], $0xffff  }
0x109: {  	v13 =	vld.idx.msk [tilespmem:v8+s2+$0x0], $0xffff  }
0x10a: {  	v15 =	vld [tilespmem:s14+$0xFFFFFFB0]  }
0x10b: {  	v23 =	vld [tilespmem:s14+$0xFFFFFFC0]  }
0x10c: {  	v24 =	vld [tilespmem:s14+$0xFFFFFFD0]  }
0x10d: {  	[tilespmem:v12+s24+$0x0] =	vst.idx.add.f32.msk $0xffff, v10  }
0x10e: {  	[tilespmem:v14+s24+$0x0] =	vst.idx.add.f32.msk $0xffff, v11  }
0x10f: {  	v10 =	vld [tilespmem:s14+$0xFFFFFFE0]  }
0x110: {  	v11 =	vld [tilespmem:s14+$0xFFFFFFF0]  }
0x111: {  	v12 =	vld [tilespmem:s14+$0x0]  }
0x112: {  	v14 =	vld [tilespmem:s14+$0x10]  }
0x113: {  	v25 =	vld [tilespmem:s14+$0x20]  }
0x114: {  	[tilespmem:v15+s31+$0x0] =	vst.idx.add.f32.msk $0xffff, v19  }
0x115: {  	[tilespmem:v23+s31+$0x0] =	vst.idx.add.f32.msk $0xffff, v16  }
0x116: {  	[tilespmem:v24+s31+$0x0] =	vst.idx.add.f32.msk $0xffff, v17  }
0x117: {  	[tilespmem:v10+s31+$0x0] =	vst.idx.add.f32.msk $0xffff, v18  }
0x118: {  	[tilespmem:v11+s31+$0x0] =	vst.idx.add.f32.msk $0xffff, v20  }
0x119: {  	[tilespmem:v12+s31+$0x0] =	vst.idx.add.f32.msk $0xffff, v21  }
0x11a: {  	[tilespmem:v14+s31+$0x0] =	vst.idx.add.f32.msk $0xffff, v22  }
0x11b: {  	[tilespmem:v25+s31+$0x0] =	vst.idx.add.f32.msk $0xffff, v13  }
0x11c: {  	v13 =	vld.idx.msk [tilespmem:v9+s21+$0x0], $0xffff  }
0x11d: {  	v16 =	vld.idx.msk [tilespmem:v2+s21+$0x0], $0xffff  }
0x11e: {  	v17 =	vld.idx.msk [tilespmem:v3+s21+$0x0], $0xffff  }
0x11f: {  	v18 =	vld.idx.msk [tilespmem:v4+s21+$0x0], $0xffff  }
0x120: {  	v19 =	vld.idx.msk [tilespmem:v5+s21+$0x0], $0xffff  }
0x121: {  	v20 =	vld.idx.msk [tilespmem:v6+s21+$0x0], $0xffff  }
0x122: {  	v21 =	vld.idx.msk [tilespmem:v7+s21+$0x0], $0xffff  }
0x123: {  	v22 =	vld.idx.msk [tilespmem:v8+s21+$0x0], $0xffff  }
0x124: {  	[tilespmem:v15+s0+$0x0] =	vst.idx.add.f32.msk $0xffff, v13  }
0x125: {  	[tilespmem:v23+s0+$0x0] =	vst.idx.add.f32.msk $0xffff, v16  }
0x126: {  	[tilespmem:v24+s0+$0x0] =	vst.idx.add.f32.msk $0xffff, v17  }
0x127: {  	[tilespmem:v10+s0+$0x0] =	vst.idx.add.f32.msk $0xffff, v18  }
0x128: {  	[tilespmem:v11+s0+$0x0] =	vst.idx.add.f32.msk $0xffff, v19  }
0x129: {  	[tilespmem:v12+s0+$0x0] =	vst.idx.add.f32.msk $0xffff, v20  }
0x12a: {  	[tilespmem:v14+s0+$0x0] =	vst.idx.add.f32.msk $0xffff, v21  }
0x12b: {  	[tilespmem:v25+s0+$0x0] =	vst.idx.add.f32.msk $0xffff, v22  }
0x12c: {  	v13 =	vld.idx.msk [tilespmem:v9+s22+$0x0], $0xffff  }
0x12d: {  	v16 =	vld.idx.msk [tilespmem:v2+s22+$0x0], $0xffff  }
0x12e: {  	v17 =	vld.idx.msk [tilespmem:v3+s22+$0x0], $0xffff  }
0x12f: {  	v18 =	vld.idx.msk [tilespmem:v4+s22+$0x0], $0xffff  }
0x130: {  	v19 =	vld.idx.msk [tilespmem:v5+s22+$0x0], $0xffff  }
0x131: {  	v20 =	vld.idx.msk [tilespmem:v6+s22+$0x0], $0xffff  }
0x132: {  	v21 =	vld.idx.msk [tilespmem:v7+s22+$0x0], $0xffff  }
0x133: {  	v22 =	vld.idx.msk [tilespmem:v8+s22+$0x0], $0xffff  }
0x134: {  	[tilespmem:v15+s1+$0x0] =	vst.idx.add.f32.msk $0xffff, v13  }
0x135: {  	[tilespmem:v23+s1+$0x0] =	vst.idx.add.f32.msk $0xffff, v16  }
0x136: {  	[tilespmem:v24+s1+$0x0] =	vst.idx.add.f32.msk $0xffff, v17  }
0x137: {  	[tilespmem:v10+s1+$0x0] =	vst.idx.add.f32.msk $0xffff, v18  }
0x138: {  	[tilespmem:v11+s1+$0x0] =	vst.idx.add.f32.msk $0xffff, v19  }
0x139: {  	[tilespmem:v12+s1+$0x0] =	vst.idx.add.f32.msk $0xffff, v20  }
0x13a: {  	[tilespmem:v14+s1+$0x0] =	vst.idx.add.f32.msk $0xffff, v21  }
0x13b: {  	[tilespmem:v25+s1+$0x0] =	vst.idx.add.f32.msk $0xffff, v22  }
0x13c: {  	v9 =	vld.idx.msk [tilespmem:v9+s23+$0x0], $0xffff  }
0x13d: {  	v2 =	vld.idx.msk [tilespmem:v2+s23+$0x0], $0xffff  }
0x13e: {  	v3 =	vld.idx.msk [tilespmem:v3+s23+$0x0], $0xffff  }
0x13f: {  	v4 =	vld.idx.msk [tilespmem:v4+s23+$0x0], $0xffff  }
0x140: {  	v5 =	vld.idx.msk [tilespmem:v5+s23+$0x0], $0xffff  }
0x141: {  	v6 =	vld.idx.msk [tilespmem:v6+s23+$0x0], $0xffff  }
0x142: {  	v7 =	vld.idx.msk [tilespmem:v7+s23+$0x0], $0xffff  }
0x143: {  	v8 =	vld.idx.msk [tilespmem:v8+s23+$0x0], $0xffff  }
0x144: {  	[tilespmem:v15+s24+$0x0] =	vst.idx.add.f32.msk $0xffff, v9  }
0x145: {  	[tilespmem:v23+s24+$0x0] =	vst.idx.add.f32.msk $0xffff, v2  }
0x146: {  	[tilespmem:v24+s24+$0x0] =	vst.idx.add.f32.msk $0xffff, v3  }
.Ltmp5:
0x147: {  	[tilespmem:v10+s24+$0x0] =	vst.idx.add.f32.msk $0xffff, v4;
	(pc) =	sbr.rel @p2 .LBB2_5-.Ltmp5, $4  }
0x148: {  	[tilespmem:v11+s24+$0x0] =	vst.idx.add.f32.msk $0xffff, v5  }
0x149: {  	[tilespmem:v12+s24+$0x0] =	vst.idx.add.f32.msk $0xffff, v6  }
0x14a: {  	[tilespmem:v14+s24+$0x0] =	vst.idx.add.f32.msk $0xffff, v7  }
0x14b: {  	s16 =	sadd.s32 $0xA0, s16;
	[tilespmem:v25+s24+$0x0] =	vst.idx.add.f32.msk $0xffff, v8  }
0x14c: {  	s14 =	smulhi.u32 $0xCCCCCCCD, s10;
	_ =	sdelay $0x1  }
0x14d: {  	s14 =	sshrl.u32 s14, $0x2  }
0x14e: {  	p2 =	seq.s32 s14, s3  }
0x14f: {  	p2 =	por !p0, !p2  }
0x150: {  	p2 =	por !p2, !p2  }
.Ltmp6:
0x151: {  	_ = 	snop;
	(pc) =	sbr.rel @!p2 .LBB2_10-.Ltmp6, $1  }
0x152: {  	_ =	sdelay $0x3  }
0x153: {  	s14 =	simm.s32 $0x0  }
0x154: {  	s15 =	sand.u32 $0x1FE0, s14  }
0x155: {  	s14 =	simm.s32 $0x15BD0;
	v2 =	vld [tilespmem:s15+$0x15C00]  }
0x156: {  	v3 =	vld [tilespmem:s14+$0xFFFFFFD0]  }
0x157: {  	v4 =	vld [tilespmem:s14+$0xFFFFFFB0]  }
0x158: {  	v5 =	vld [tilespmem:s14+$0x40]  }
0x159: {  	v6 =	vld [tilespmem:s14+$0x20]  }
0x15a: {  	v7 =	vld [tilespmem:s14+$0x10]  }
0x15b: {  	v8 =	vld [tilespmem:s14+$0x0]  }
0x15c: {  	v9 =	vld [tilespmem:s14+$0xFFFFFFF0]  }
0x15d: {  	v10 =	vld [tilespmem:s14+$0xFFFFFFE0]  }
0x15e: {  	[tilespmem:v2+s25+$0x0] =	vst.idx.add.f32.msk $0xffff, v1  }
0x15f: {  	[tilespmem:v4+s25+$0x0] =	vst.idx.add.f32.msk $0xffff, v1  }
0x160: {  	v2 =	vld [tilespmem:s14+$0xFFFFFFC0]  }
0x161: {  	[tilespmem:v6+s25+$0x0] =	vst.idx.add.f32.msk $0xffff, v1  }
0x162: {  	[tilespmem:v7+s25+$0x0] =	vst.idx.add.f32.msk $0xffff, v1  }
0x163: {  	[tilespmem:v8+s25+$0x0] =	vst.idx.add.f32.msk $0xffff, v1  }
0x164: {  	[tilespmem:v9+s25+$0x0] =	vst.idx.add.f32.msk $0xffff, v1  }
0x165: {  	[tilespmem:v5+s25+$0x0] =	vst.idx.add.f32.msk $0xffff, v1  }
0x166: {  	[tilespmem:v10+s25+$0x0] =	vst.idx.add.f32.msk $0xffff, v1  }
0x167: {  	s16 =	simm.s32 $0xA0;
	s15 =	simm.s32 $0x0;
	[tilespmem:v3+s25+$0x0] =	vst.idx.add.f32.msk $0xffff, v1  }
.LBB2_8:
0x168: {  	s17 =	sand.u32 $0x1FE0, s16;
	s15 =	sadd.s32 $0xA, s15;
	[tilespmem:v2+s25+$0x0] =	vst.idx.add.f32.msk $0xffff, v1;
	s14 =	sadd.s32 $0xA0, s14  }
0x169: {  	v2 =	vld [tilespmem:s17+$0x15C00];
	p3 =	slt.u32 s15, $0x1EA  }
0x16a: {  	v3 =	vld [tilespmem:s14+$0xFFFFFFD0]  }
0x16b: {  	v4 =	vld [tilespmem:s14+$0xFFFFFFB0]  }
0x16c: {  	v5 =	vld [tilespmem:s14+$0x40]  }
0x16d: {  	v6 =	vld [tilespmem:s14+$0x20]  }
0x16e: {  	v7 =	vld [tilespmem:s14+$0x10]  }
0x16f: {  	v8 =	vld [tilespmem:s14+$0x0]  }
0x170: {  	v9 =	vld [tilespmem:s14+$0xFFFFFFF0]  }
0x171: {  	[tilespmem:v2+s25+$0x0] =	vst.idx.add.f32.msk $0xffff, v1  }
0x172: {  	v10 =	vld [tilespmem:s14+$0xFFFFFFE0]  }
0x173: {  	[tilespmem:v4+s25+$0x0] =	vst.idx.add.f32.msk $0xffff, v1  }
0x174: {  	v2 =	vld [tilespmem:s14+$0xFFFFFFC0]  }
0x175: {  	[tilespmem:v6+s25+$0x0] =	vst.idx.add.f32.msk $0xffff, v1  }
0x176: {  	[tilespmem:v7+s25+$0x0] =	vst.idx.add.f32.msk $0xffff, v1  }
.Ltmp7:
0x177: {  	[tilespmem:v8+s25+$0x0] =	vst.idx.add.f32.msk $0xffff, v1;
	(pc) =	sbr.rel @p3 .LBB2_8-.Ltmp7, $4  }
0x178: {  	[tilespmem:v9+s25+$0x0] =	vst.idx.add.f32.msk $0xffff, v1  }
0x179: {  	[tilespmem:v5+s25+$0x0] =	vst.idx.add.f32.msk $0xffff, v1  }
0x17a: {  	[tilespmem:v10+s25+$0x0] =	vst.idx.add.f32.msk $0xffff, v1  }
0x17b: {  	s16 =	sadd.s32 $0xA0, s16;
	[tilespmem:v3+s25+$0x0] =	vst.idx.add.f32.msk $0xffff, v1  }
0x17c: {  	_ =	sdelay $0x3  }
0x17d: {  	[tilespmem:v2+s25+$0x0] =	vst.idx.add.f32.msk $0xffff, v1  }
.LBB2_10:
0x17e: {  	p3 =	seq.s32 s10, $0x9  }
0x17f: {  	s11 =	sadd.s32 @!p3 s11, s13  }
0x180: {  	s11 =	sshrl.u32 @!p3 s11, $0x3  }
0x181: {  	s15 =	simm.s32 @!p3 $0x0;
	s16 =	simm.s32 @!p3 $0x13C00;
	s14 =	sadd.s32 @!p3 s4, s11  }
0x182: {  	[tilespmem:s16], [sflag:$0x1] =	stream.linear.gather @!p3 [hbm4b:s14+s15], $0x1F40, $0x38;
	[tilespmem:$0x1E180] =	vst v63  }
0x183: {  	s11 =	sadd.s32 @!p3 s5, s11;
	s14 =	simm.s32 @!p3 $0x15B80  }
0x184: {  	[tilespmem:s14], [sflag:$0x2] =	stream.linear.gather @!p3 [hbm4b:s11+s15], $0x1F40, $0x38;
	[tilespmem:$0x1E180] =	vst v63  }
0x185: {  	_ =	swait.ge [sflag:s6], $0x1F40  }
0x186: {  	[sflag:s6] =	ssyncset.done $0x0  }
0x187: {  	[sflag:s6] =	ssyncadd.s32 $0xFFFFE0C0  }
0x188: {  	_ =	swait.ge [sflag:s7], $0x1F40  }
0x189: {  	[sflag:s7] =	ssyncset.done $0x0  }
0x18a: {  	s17 =	simm.s32 $0x17B50;
	[sflag:s7] =	ssyncadd.s32 $0xFFFFE0C0  }
0x18b: {  	v2 =	vld [tilespmem:s17+$0x40]  }
0x18c: {  	s11 =	simm.s32 $0x0;
	v3 =	vld [tilespmem:s17+$0xFFFFFFC0]  }
0x18d: {  	s18 =	sand.u32 $0x1FE0, s11;
	v4 =	vld [tilespmem:s17+$0xFFFFFFD0]  }
0x18e: {  	v5 =	vld [tilespmem:s18+$0x17B80]  }
0x18f: {  	v6 =	vld [tilespmem:s17+$0xFFFFFFE0]  }
0x190: {  	v7 =	vld [tilespmem:s17+$0xFFFFFFF0]  }
0x191: {  	s14 =	simm.s32 $0x19AD0;
	v8 =	vld [tilespmem:s17+$0x0]  }
0x192: {  	v9 =	vld [tilespmem:s14+$0x40]  }
0x193: {  	v11 =	vld [tilespmem:s18+$0x19B00]  }
0x194: {  	v12 =	vld [tilespmem:s17+$0x10]  }
0x195: {  	v14 =	vld [tilespmem:s17+$0x20]  }
0x196: {  	v15 =	vld [tilespmem:s17+$0xFFFFFFB0]  }
0x197: {  	v55 =	vld [tilespmem:s14+$0xFFFFFFB0]  }
0x198: {  	v23 =	vld [tilespmem:s14+$0xFFFFFFC0]  }
0x199: {  	v24 =	vld [tilespmem:s14+$0xFFFFFFD0]  }
0x19a: {  	v56 =	vld [tilespmem:s14+$0xFFFFFFF0]  }
0x19b: {  	v57 =	vld [tilespmem:s14+$0x0]  }
0x19c: {  	v58 =	vld [tilespmem:s14+$0x10]  }
0x19d: {  	v25 =	vld [tilespmem:s14+$0x20]  }
0x19e: {  	v10 =	vld.idx.msk [tilespmem:v2+s2+$0x0], $0xffff  }
0x19f: {  	v13 =	vld.idx.msk [tilespmem:v5+s2+$0x0], $0xffff  }
0x1a0: {  	v16 =	vld.idx.msk [tilespmem:v3+s2+$0x0], $0xffff  }
0x1a1: {  	v17 =	vld.idx.msk [tilespmem:v4+s2+$0x0], $0xffff  }
0x1a2: {  	v18 =	vld.idx.msk [tilespmem:v6+s2+$0x0], $0xffff  }
0x1a3: {  	v19 =	vld.idx.msk [tilespmem:v15+s2+$0x0], $0xffff  }
0x1a4: {  	v20 =	vld.idx.msk [tilespmem:v7+s2+$0x0], $0xffff  }
0x1a5: {  	v21 =	vld.idx.msk [tilespmem:v8+s2+$0x0], $0xffff  }
0x1a6: {  	v22 =	vld.idx.msk [tilespmem:v12+s2+$0x0], $0xffff  }
0x1a7: {  	v54 =	vld.idx.msk [tilespmem:v14+s2+$0x0], $0xffff  }
0x1a8: {  	[tilespmem:v9+s31+$0x0] =	vst.idx.add.f32.msk $0xffff, v10  }
0x1a9: {  	[tilespmem:v11+s31+$0x0] =	vst.idx.add.f32.msk $0xffff, v13  }
0x1aa: {  	[tilespmem:v55+s31+$0x0] =	vst.idx.add.f32.msk $0xffff, v19  }
0x1ab: {  	[tilespmem:v23+s31+$0x0] =	vst.idx.add.f32.msk $0xffff, v16  }
0x1ac: {  	[tilespmem:v24+s31+$0x0] =	vst.idx.add.f32.msk $0xffff, v17  }
0x1ad: {  	[tilespmem:v56+s31+$0x0] =	vst.idx.add.f32.msk $0xffff, v20  }
0x1ae: {  	[tilespmem:v57+s31+$0x0] =	vst.idx.add.f32.msk $0xffff, v21  }
0x1af: {  	[tilespmem:v58+s31+$0x0] =	vst.idx.add.f32.msk $0xffff, v22  }
0x1b0: {  	[tilespmem:v25+s31+$0x0] =	vst.idx.add.f32.msk $0xffff, v54  }
0x1b1: {  	v10 =	vld.idx.msk [tilespmem:v2+s21+$0x0], $0xffff  }
0x1b2: {  	v13 =	vld.idx.msk [tilespmem:v5+s21+$0x0], $0xffff  }
0x1b3: {  	v59 =	vld.idx.msk [tilespmem:v15+s21+$0x0], $0xffff  }
0x1b4: {  	v16 =	vld.idx.msk [tilespmem:v3+s21+$0x0], $0xffff  }
0x1b5: {  	v17 =	vld.idx.msk [tilespmem:v4+s21+$0x0], $0xffff  }
0x1b6: {  	v60 =	vld.idx.msk [tilespmem:v7+s21+$0x0], $0xffff  }
0x1b7: {  	v61 =	vld.idx.msk [tilespmem:v8+s21+$0x0], $0xffff  }
0x1b8: {  	v62 =	vld.idx.msk [tilespmem:v12+s21+$0x0], $0xffff  }
0x1b9: {  	v63 =	vld.idx.msk [tilespmem:v14+s21+$0x0], $0xffff  }
0x1ba: {  	[tilespmem:v9+s0+$0x0] =	vst.idx.add.f32.msk $0xffff, v10  }
0x1bb: {  	[tilespmem:v11+s0+$0x0] =	vst.idx.add.f32.msk $0xffff, v13  }
0x1bc: {  	[tilespmem:v55+s0+$0x0] =	vst.idx.add.f32.msk $0xffff, v59  }
0x1bd: {  	[tilespmem:v23+s0+$0x0] =	vst.idx.add.f32.msk $0xffff, v16  }
0x1be: {  	[tilespmem:v24+s0+$0x0] =	vst.idx.add.f32.msk $0xffff, v17  }
0x1bf: {  	[tilespmem:v56+s0+$0x0] =	vst.idx.add.f32.msk $0xffff, v60  }
0x1c0: {  	[tilespmem:v57+s0+$0x0] =	vst.idx.add.f32.msk $0xffff, v61  }
0x1c1: {  	[tilespmem:v58+s0+$0x0] =	vst.idx.add.f32.msk $0xffff, v62  }
0x1c2: {  	[tilespmem:v25+s0+$0x0] =	vst.idx.add.f32.msk $0xffff, v63  }
0x1c3: {  	v10 =	vld.idx.msk [tilespmem:v2+s22+$0x0], $0xffff  }
0x1c4: {  	v13 =	vld.idx.msk [tilespmem:v5+s22+$0x0], $0xffff  }
0x1c5: {  	v16 =	vld.idx.msk [tilespmem:v3+s22+$0x0], $0xffff  }
0x1c6: {  	v17 =	vld.idx.msk [tilespmem:v4+s22+$0x0], $0xffff  }
0x1c7: {  	v19 =	vld.idx.msk [tilespmem:v7+s22+$0x0], $0xffff  }
0x1c8: {  	v20 =	vld.idx.msk [tilespmem:v8+s22+$0x0], $0xffff  }
0x1c9: {  	v21 =	vld.idx.msk [tilespmem:v12+s22+$0x0], $0xffff  }
0x1ca: {  	v22 =	vld.idx.msk [tilespmem:v14+s22+$0x0], $0xffff  }
0x1cb: {  	[tilespmem:v9+s1+$0x0] =	vst.idx.add.f32.msk $0xffff, v10  }
0x1cc: {  	[tilespmem:v11+s1+$0x0] =	vst.idx.add.f32.msk $0xffff, v13  }
0x1cd: {  	v10 =	vld.idx.msk [tilespmem:v15+s22+$0x0], $0xffff  }
0x1ce: {  	v2 =	vld.idx.msk [tilespmem:v2+s23+$0x0], $0xffff  }
0x1cf: {  	[tilespmem:v23+s1+$0x0] =	vst.idx.add.f32.msk $0xffff, v16  }
0x1d0: {  	[tilespmem:v24+s1+$0x0] =	vst.idx.add.f32.msk $0xffff, v17  }
0x1d1: {  	[tilespmem:v56+s1+$0x0] =	vst.idx.add.f32.msk $0xffff, v19  }
0x1d2: {  	[tilespmem:v57+s1+$0x0] =	vst.idx.add.f32.msk $0xffff, v20  }
0x1d3: {  	[tilespmem:v9+s24+$0x0] =	vst.idx.add.f32.msk $0xffff, v2  }
0x1d4: {  	v2 =	vld [tilespmem:s14+$0xFFFFFFE0]  }
0x1d5: {  	[tilespmem:v58+s1+$0x0] =	vst.idx.add.f32.msk $0xffff, v21  }
0x1d6: {  	[tilespmem:v25+s1+$0x0] =	vst.idx.add.f32.msk $0xffff, v22  }
0x1d7: {  	v5 =	vld.idx.msk [tilespmem:v5+s23+$0x0], $0xffff  }
0x1d8: {  	v3 =	vld.idx.msk [tilespmem:v3+s23+$0x0], $0xffff  }
0x1d9: {  	v4 =	vld.idx.msk [tilespmem:v4+s23+$0x0], $0xffff  }
0x1da: {  	v7 =	vld.idx.msk [tilespmem:v7+s23+$0x0], $0xffff  }
0x1db: {  	v8 =	vld.idx.msk [tilespmem:v8+s23+$0x0], $0xffff  }
0x1dc: {  	[tilespmem:v2+s31+$0x0] =	vst.idx.add.f32.msk $0xffff, v18  }
0x1dd: {  	v18 =	vld.idx.msk [tilespmem:v6+s21+$0x0], $0xffff  }
0x1de: {  	v12 =	vld.idx.msk [tilespmem:v12+s23+$0x0], $0xffff  }
0x1df: {  	v14 =	vld.idx.msk [tilespmem:v14+s23+$0x0], $0xffff  }
0x1e0: {  	[tilespmem:v55+s1+$0x0] =	vst.idx.add.f32.msk $0xffff, v10  }
0x1e1: {  	[tilespmem:v11+s24+$0x0] =	vst.idx.add.f32.msk $0xffff, v5  }
0x1e2: {  	[tilespmem:v2+s0+$0x0] =	vst.idx.add.f32.msk $0xffff, v18  }
0x1e3: {  	v18 =	vld.idx.msk [tilespmem:v6+s22+$0x0], $0xffff  }
0x1e4: {  	v10 =	vld.idx.msk [tilespmem:v15+s23+$0x0], $0xffff  }
0x1e5: {  	[tilespmem:v23+s24+$0x0] =	vst.idx.add.f32.msk $0xffff, v3  }
0x1e6: {  	[tilespmem:v24+s24+$0x0] =	vst.idx.add.f32.msk $0xffff, v4  }
0x1e7: {  	[tilespmem:v56+s24+$0x0] =	vst.idx.add.f32.msk $0xffff, v7  }
0x1e8: {  	[tilespmem:v2+s1+$0x0] =	vst.idx.add.f32.msk $0xffff, v18  }
0x1e9: {  	v6 =	vld.idx.msk [tilespmem:v6+s23+$0x0], $0xffff  }
0x1ea: {  	[tilespmem:v57+s24+$0x0] =	vst.idx.add.f32.msk $0xffff, v8  }
0x1eb: {  	[tilespmem:v58+s24+$0x0] =	vst.idx.add.f32.msk $0xffff, v12  }
0x1ec: {  	[tilespmem:v25+s24+$0x0] =	vst.idx.add.f32.msk $0xffff, v14  }
0x1ed: {  	[tilespmem:v55+s24+$0x0] =	vst.idx.add.f32.msk $0xffff, v10  }
0x1ee: {  	s16 =	simm.s32 $0x17BF0;
	s15 =	simm.s32 $0x0;
	[tilespmem:v2+s24+$0x0] =	vst.idx.add.f32.msk $0xffff, v6  }
.LBB2_11:
0x1ef: {  	v10 =	vld [tilespmem:s16+$0x40]  }
0x1f0: {  	s11 =	sadd.s32 $0xA0, s11;
	v2 =	vld [tilespmem:s16+$0xFFFFFFC0]  }
0x1f1: {  	s15 =	sadd.s32 $0xA, s15;
	s17 =	sand.u32 $0x1FE0, s11;
	v3 =	vld [tilespmem:s16+$0xFFFFFFD0]  }
0x1f2: {  	p3 =	slt.u32 s15, $0x1EA;
	v11 =	vld [tilespmem:s17+$0x17B80]  }
0x1f3: {  	v4 =	vld [tilespmem:s16+$0xFFFFFFE0]  }
0x1f4: {  	v5 =	vld [tilespmem:s16+$0xFFFFFFF0]  }
0x1f5: {  	s14 =	sadd.s32 $0xA0, s14;
	v6 =	vld [tilespmem:s16+$0x0]  }
0x1f6: {  	v12 =	vld [tilespmem:s14+$0x40]  }
0x1f7: {  	v13 =	vld.idx.msk [tilespmem:v10+s2+$0x0], $0xffff  }
0x1f8: {  	v14 =	vld [tilespmem:s17+$0x19B00]  }
0x1f9: {  	v7 =	vld [tilespmem:s16+$0x10]  }
0x1fa: {  	v15 =	vld.idx.msk [tilespmem:v11+s2+$0x0], $0xffff  }
0x1fb: {  	v8 =	vld [tilespmem:s16+$0x20]  }
0x1fc: {  	v9 =	vld [tilespmem:s16+$0xFFFFFFB0]  }
0x1fd: {  	v16 =	vld.idx.msk [tilespmem:v2+s2+$0x0], $0xffff  }
0x1fe: {  	[tilespmem:v12+s31+$0x0] =	vst.idx.add.f32.msk $0xffff, v13  }
0x1ff: {  	v13 =	vld.idx.msk [tilespmem:v10+s21+$0x0], $0xffff  }
0x200: {  	[tilespmem:v14+s31+$0x0] =	vst.idx.add.f32.msk $0xffff, v15  }
0x201: {  	v15 =	vld.idx.msk [tilespmem:v11+s21+$0x0], $0xffff  }
0x202: {  	v17 =	vld.idx.msk [tilespmem:v3+s2+$0x0], $0xffff  }
0x203: {  	v18 =	vld.idx.msk [tilespmem:v4+s2+$0x0], $0xffff  }
0x204: {  	v19 =	vld.idx.msk [tilespmem:v9+s2+$0x0], $0xffff  }
0x205: {  	[tilespmem:v12+s0+$0x0] =	vst.idx.add.f32.msk $0xffff, v13  }
0x206: {  	v13 =	vld.idx.msk [tilespmem:v10+s22+$0x0], $0xffff  }
0x207: {  	[tilespmem:v14+s0+$0x0] =	vst.idx.add.f32.msk $0xffff, v15  }
0x208: {  	v15 =	vld.idx.msk [tilespmem:v11+s22+$0x0], $0xffff  }
0x209: {  	v20 =	vld.idx.msk [tilespmem:v5+s2+$0x0], $0xffff  }
0x20a: {  	v21 =	vld.idx.msk [tilespmem:v6+s2+$0x0], $0xffff  }
0x20b: {  	v22 =	vld.idx.msk [tilespmem:v7+s2+$0x0], $0xffff  }
0x20c: {  	[tilespmem:v12+s1+$0x0] =	vst.idx.add.f32.msk $0xffff, v13  }
0x20d: {  	v10 =	vld.idx.msk [tilespmem:v10+s23+$0x0], $0xffff  }
0x20e: {  	[tilespmem:v14+s1+$0x0] =	vst.idx.add.f32.msk $0xffff, v15  }
0x20f: {  	v11 =	vld.idx.msk [tilespmem:v11+s23+$0x0], $0xffff  }
0x210: {  	v13 =	vld.idx.msk [tilespmem:v8+s2+$0x0], $0xffff  }
0x211: {  	v15 =	vld [tilespmem:s14+$0xFFFFFFB0]  }
0x212: {  	v23 =	vld [tilespmem:s14+$0xFFFFFFC0]  }
0x213: {  	v24 =	vld [tilespmem:s14+$0xFFFFFFD0]  }
0x214: {  	[tilespmem:v12+s24+$0x0] =	vst.idx.add.f32.msk $0xffff, v10  }
0x215: {  	[tilespmem:v14+s24+$0x0] =	vst.idx.add.f32.msk $0xffff, v11  }
0x216: {  	v10 =	vld [tilespmem:s14+$0xFFFFFFE0]  }
0x217: {  	v11 =	vld [tilespmem:s14+$0xFFFFFFF0]  }
0x218: {  	v12 =	vld [tilespmem:s14+$0x0]  }
0x219: {  	v14 =	vld [tilespmem:s14+$0x10]  }
0x21a: {  	v25 =	vld [tilespmem:s14+$0x20]  }
0x21b: {  	[tilespmem:v15+s31+$0x0] =	vst.idx.add.f32.msk $0xffff, v19  }
0x21c: {  	[tilespmem:v23+s31+$0x0] =	vst.idx.add.f32.msk $0xffff, v16  }
0x21d: {  	[tilespmem:v24+s31+$0x0] =	vst.idx.add.f32.msk $0xffff, v17  }
0x21e: {  	[tilespmem:v10+s31+$0x0] =	vst.idx.add.f32.msk $0xffff, v18  }
0x21f: {  	[tilespmem:v11+s31+$0x0] =	vst.idx.add.f32.msk $0xffff, v20  }
0x220: {  	[tilespmem:v12+s31+$0x0] =	vst.idx.add.f32.msk $0xffff, v21  }
0x221: {  	[tilespmem:v14+s31+$0x0] =	vst.idx.add.f32.msk $0xffff, v22  }
0x222: {  	[tilespmem:v25+s31+$0x0] =	vst.idx.add.f32.msk $0xffff, v13  }
0x223: {  	v13 =	vld.idx.msk [tilespmem:v9+s21+$0x0], $0xffff  }
0x224: {  	v16 =	vld.idx.msk [tilespmem:v2+s21+$0x0], $0xffff  }
0x225: {  	v17 =	vld.idx.msk [tilespmem:v3+s21+$0x0], $0xffff  }
0x226: {  	v18 =	vld.idx.msk [tilespmem:v4+s21+$0x0], $0xffff  }
0x227: {  	v19 =	vld.idx.msk [tilespmem:v5+s21+$0x0], $0xffff  }
0x228: {  	v20 =	vld.idx.msk [tilespmem:v6+s21+$0x0], $0xffff  }
0x229: {  	v21 =	vld.idx.msk [tilespmem:v7+s21+$0x0], $0xffff  }
0x22a: {  	v22 =	vld.idx.msk [tilespmem:v8+s21+$0x0], $0xffff  }
0x22b: {  	[tilespmem:v15+s0+$0x0] =	vst.idx.add.f32.msk $0xffff, v13  }
0x22c: {  	[tilespmem:v23+s0+$0x0] =	vst.idx.add.f32.msk $0xffff, v16  }
0x22d: {  	[tilespmem:v24+s0+$0x0] =	vst.idx.add.f32.msk $0xffff, v17  }
0x22e: {  	[tilespmem:v10+s0+$0x0] =	vst.idx.add.f32.msk $0xffff, v18  }
0x22f: {  	[tilespmem:v11+s0+$0x0] =	vst.idx.add.f32.msk $0xffff, v19  }
0x230: {  	[tilespmem:v12+s0+$0x0] =	vst.idx.add.f32.msk $0xffff, v20  }
0x231: {  	[tilespmem:v14+s0+$0x0] =	vst.idx.add.f32.msk $0xffff, v21  }
0x232: {  	[tilespmem:v25+s0+$0x0] =	vst.idx.add.f32.msk $0xffff, v22  }
0x233: {  	v13 =	vld.idx.msk [tilespmem:v9+s22+$0x0], $0xffff  }
0x234: {  	v16 =	vld.idx.msk [tilespmem:v2+s22+$0x0], $0xffff  }
0x235: {  	v17 =	vld.idx.msk [tilespmem:v3+s22+$0x0], $0xffff  }
0x236: {  	v18 =	vld.idx.msk [tilespmem:v4+s22+$0x0], $0xffff  }
0x237: {  	v19 =	vld.idx.msk [tilespmem:v5+s22+$0x0], $0xffff  }
0x238: {  	v20 =	vld.idx.msk [tilespmem:v6+s22+$0x0], $0xffff  }
0x239: {  	v21 =	vld.idx.msk [tilespmem:v7+s22+$0x0], $0xffff  }
0x23a: {  	v22 =	vld.idx.msk [tilespmem:v8+s22+$0x0], $0xffff  }
0x23b: {  	[tilespmem:v15+s1+$0x0] =	vst.idx.add.f32.msk $0xffff, v13  }
0x23c: {  	[tilespmem:v23+s1+$0x0] =	vst.idx.add.f32.msk $0xffff, v16  }
0x23d: {  	[tilespmem:v24+s1+$0x0] =	vst.idx.add.f32.msk $0xffff, v17  }
0x23e: {  	[tilespmem:v10+s1+$0x0] =	vst.idx.add.f32.msk $0xffff, v18  }
0x23f: {  	[tilespmem:v11+s1+$0x0] =	vst.idx.add.f32.msk $0xffff, v19  }
0x240: {  	[tilespmem:v12+s1+$0x0] =	vst.idx.add.f32.msk $0xffff, v20  }
0x241: {  	[tilespmem:v14+s1+$0x0] =	vst.idx.add.f32.msk $0xffff, v21  }
0x242: {  	[tilespmem:v25+s1+$0x0] =	vst.idx.add.f32.msk $0xffff, v22  }
0x243: {  	v9 =	vld.idx.msk [tilespmem:v9+s23+$0x0], $0xffff  }
0x244: {  	v2 =	vld.idx.msk [tilespmem:v2+s23+$0x0], $0xffff  }
0x245: {  	v3 =	vld.idx.msk [tilespmem:v3+s23+$0x0], $0xffff  }
0x246: {  	v4 =	vld.idx.msk [tilespmem:v4+s23+$0x0], $0xffff  }
0x247: {  	v5 =	vld.idx.msk [tilespmem:v5+s23+$0x0], $0xffff  }
0x248: {  	v6 =	vld.idx.msk [tilespmem:v6+s23+$0x0], $0xffff  }
0x249: {  	v7 =	vld.idx.msk [tilespmem:v7+s23+$0x0], $0xffff  }
0x24a: {  	v8 =	vld.idx.msk [tilespmem:v8+s23+$0x0], $0xffff  }
0x24b: {  	[tilespmem:v15+s24+$0x0] =	vst.idx.add.f32.msk $0xffff, v9  }
0x24c: {  	[tilespmem:v23+s24+$0x0] =	vst.idx.add.f32.msk $0xffff, v2  }
0x24d: {  	[tilespmem:v24+s24+$0x0] =	vst.idx.add.f32.msk $0xffff, v3  }
.Ltmp8:
0x24e: {  	[tilespmem:v10+s24+$0x0] =	vst.idx.add.f32.msk $0xffff, v4;
	(pc) =	sbr.rel @p3 .LBB2_11-.Ltmp8, $4  }
0x24f: {  	[tilespmem:v11+s24+$0x0] =	vst.idx.add.f32.msk $0xffff, v5  }
0x250: {  	[tilespmem:v12+s24+$0x0] =	vst.idx.add.f32.msk $0xffff, v6  }
0x251: {  	[tilespmem:v14+s24+$0x0] =	vst.idx.add.f32.msk $0xffff, v7  }
0x252: {  	s16 =	sadd.s32 $0xA0, s16;
	[tilespmem:v25+s24+$0x0] =	vst.idx.add.f32.msk $0xffff, v8  }
.Ltmp9:
0x253: {  	(pc) =	sbr.rel @!p2 .LBB2_16-.Ltmp9, $1  }
0x254: {  	_ =	sdelay $0x3  }
0x255: {  	s11 =	simm.s32 $0x0  }
0x256: {  	s14 =	sand.u32 $0x1FE0, s11  }
0x257: {  	s11 =	simm.s32 $0x19AD0;
	v2 =	vld [tilespmem:s14+$0x19B00]  }
0x258: {  	v3 =	vld [tilespmem:s11+$0xFFFFFFD0]  }
0x259: {  	v4 =	vld [tilespmem:s11+$0xFFFFFFB0]  }
0x25a: {  	v5 =	vld [tilespmem:s11+$0x40]  }
0x25b: {  	v6 =	vld [tilespmem:s11+$0x20]  }
0x25c: {  	v7 =	vld [tilespmem:s11+$0x10]  }
0x25d: {  	v8 =	vld [tilespmem:s11+$0x0]  }
0x25e: {  	v9 =	vld [tilespmem:s11+$0xFFFFFFF0]  }
0x25f: {  	v10 =	vld [tilespmem:s11+$0xFFFFFFE0]  }
0x260: {  	[tilespmem:v2+s25+$0x0] =	vst.idx.add.f32.msk $0xffff, v1  }
0x261: {  	[tilespmem:v4+s25+$0x0] =	vst.idx.add.f32.msk $0xffff, v1  }
0x262: {  	v2 =	vld [tilespmem:s11+$0xFFFFFFC0]  }
0x263: {  	[tilespmem:v6+s25+$0x0] =	vst.idx.add.f32.msk $0xffff, v1  }
0x264: {  	[tilespmem:v7+s25+$0x0] =	vst.idx.add.f32.msk $0xffff, v1  }
0x265: {  	[tilespmem:v8+s25+$0x0] =	vst.idx.add.f32.msk $0xffff, v1  }
0x266: {  	[tilespmem:v9+s25+$0x0] =	vst.idx.add.f32.msk $0xffff, v1  }
0x267: {  	[tilespmem:v5+s25+$0x0] =	vst.idx.add.f32.msk $0xffff, v1  }
0x268: {  	[tilespmem:v10+s25+$0x0] =	vst.idx.add.f32.msk $0xffff, v1  }
0x269: {  	s15 =	simm.s32 $0xA0;
	s14 =	simm.s32 $0x0;
	[tilespmem:v3+s25+$0x0] =	vst.idx.add.f32.msk $0xffff, v1  }
.LBB2_14:
0x26a: {  	s16 =	sand.u32 $0x1FE0, s15;
	s14 =	sadd.s32 $0xA, s14;
	[tilespmem:v2+s25+$0x0] =	vst.idx.add.f32.msk $0xffff, v1;
	s11 =	sadd.s32 $0xA0, s11  }
0x26b: {  	v2 =	vld [tilespmem:s16+$0x19B00];
	p2 =	slt.u32 s14, $0x1EA  }
0x26c: {  	v3 =	vld [tilespmem:s11+$0xFFFFFFD0]  }
0x26d: {  	v4 =	vld [tilespmem:s11+$0xFFFFFFB0]  }
0x26e: {  	v5 =	vld [tilespmem:s11+$0x40]  }
0x26f: {  	v6 =	vld [tilespmem:s11+$0x20]  }
0x270: {  	v7 =	vld [tilespmem:s11+$0x10]  }
0x271: {  	v8 =	vld [tilespmem:s11+$0x0]  }
0x272: {  	v9 =	vld [tilespmem:s11+$0xFFFFFFF0]  }
0x273: {  	[tilespmem:v2+s25+$0x0] =	vst.idx.add.f32.msk $0xffff, v1  }
0x274: {  	v10 =	vld [tilespmem:s11+$0xFFFFFFE0]  }
0x275: {  	[tilespmem:v4+s25+$0x0] =	vst.idx.add.f32.msk $0xffff, v1  }
0x276: {  	v2 =	vld [tilespmem:s11+$0xFFFFFFC0]  }
0x277: {  	[tilespmem:v6+s25+$0x0] =	vst.idx.add.f32.msk $0xffff, v1  }
0x278: {  	[tilespmem:v7+s25+$0x0] =	vst.idx.add.f32.msk $0xffff, v1  }
.Ltmp10:
0x279: {  	[tilespmem:v8+s25+$0x0] =	vst.idx.add.f32.msk $0xffff, v1;
	(pc) =	sbr.rel @p2 .LBB2_14-.Ltmp10, $4  }
0x27a: {  	[tilespmem:v9+s25+$0x0] =	vst.idx.add.f32.msk $0xffff, v1  }
0x27b: {  	[tilespmem:v5+s25+$0x0] =	vst.idx.add.f32.msk $0xffff, v1  }
0x27c: {  	[tilespmem:v10+s25+$0x0] =	vst.idx.add.f32.msk $0xffff, v1  }
0x27d: {  	s15 =	sadd.s32 $0xA0, s15;
	[tilespmem:v3+s25+$0x0] =	vst.idx.add.f32.msk $0xffff, v1  }
.Ltmp11:
0x27e: {  	_ = 	snop;
	(pc) =	sbr.rel .LBB2_16-.Ltmp11, $2  }
0x27f: {  	_ =	sdelay $0x2  }
0x280: {  	[tilespmem:v2+s25+$0x0] =	vst.idx.add.f32.msk $0xffff, v1  }
.LBB2_18:
0x281: {  	_ =	sfence.sel $0x180000  }
0x282: {  	[bflag:$0x0] =	sbarrier.arrive $0xFFFF  }
0x283: {  	_ =	strace $0x90000047  }
0x284: {  	s0 =	stileid.u32;
	[bflag:$0x2] =	sbarrier.arrive $0xFFFF  }
0x285: {  	p0 =	sne.s32 s0, $0x0;
	s0 =	rddreg [dreg:$0x1]  }
0x286: {  	s0 =	sadd.s32 @!p0 $0x100000, s0  }
0x287: {  	[sflag:s0] =	ssyncadd.tile.s32 @!p0 $0x1;
	_ =	shalt  }
.Lfunc_end2:
_tile_overlayer_lowered:
.L_overlay_start_2:
0x288: {  	(tag) =	ssettag $0x2  }
0x289: {  	s0 =	rddreg [dreg:$0x0];
	s2 =	stileid.u32  }
0x28a: {  	s1 =	rddreg [dreg:$0x1];
	p0 =	sne.s32 s2, $0x0  }
0x28b: {  	s3 =	rddreg [dreg:$0x2];
	[bflag:$0x3] =	sbarrier.arrive $0xFFFF;
	s2 =	simm.s32 @!p0 $0x1C05  }
0x28c: {  	[timem:s3], [sflag:s2] =	dma.local @!p0 [hbm:s0], s1  }
0x28d: {  	s0 =	simm.s32 @!p0 $0x5  }
0x28e: {  	_ =	swait.ge @!p0 [sflag:s0], s1  }
0x28f: {  	s1 =	ssub.s32 @!p0 $0x0, s1;
	[sflag:s0] =	ssyncset.done @!p0 $0x0  }
0x290: {  	[sflag:s0] =	ssyncadd.s32 @!p0 s1  }
0x291: {  	[bflag:$0x3] =	sbarrier.arrive $0xFFFF  }
0x292: {  	_ =	shalt  }

</sc_bundles>
